<compile_context>
chip_gen: v7x
topology: tpu7x:2x2x1
jax: 0.10.2.dev20260603
libtpu: 0.0.44.dev20260713+nightly
codegen_flags: <defaults>
</compile_context>

<pallas_src>
import functools

import jax
import jax.numpy as jnp
from jax import lax
from jax.experimental import pallas as pl
from jax.experimental.pallas import tpu as pltpu
from jax.experimental.pallas import tpu_sc as plsc

NC, NS, LANES = 2, 16, 16
NW = NC * NS

_N = 10000
_D = 128
_E = 320000
_B = 80
_NB = 125
_EP = NW * _NB * _B
_NACC = 10240
_RPS = _NACC // NS

_mesh = plsc.VectorSubcoreMesh(
    core_axis_name="c", subcore_axis_name="s", num_cores=NC, num_subcores=NS)


def _hist_body(r3, c3, colp, degp, rv, cv, cpv, ones_v, z_v, dacc, sem):
    cid = lax.axis_index("c")
    sid = lax.axis_index("s")
    wid = cid * NS + sid

    pltpu.async_copy(r3.at[wid], rv, sem).wait()
    pltpu.async_copy(c3.at[wid], cv, sem).wait()

    for k in range(_B // LANES):
        ones_v[pl.ds(k * LANES, LANES)] = jnp.ones((LANES,), jnp.float32)

    def zb(i, carry):
        z_v[pl.ds(i * LANES, LANES)] = jnp.zeros((LANES,), jnp.float32)
        return carry
    lax.fori_loop(0, _RPS // LANES, zb, 0)
    pltpu.sync_copy(z_v, dacc.at[pl.ds(sid * _RPS, _RPS)])
    plsc.subcore_barrier()

    def body(j, carry):
        for k in range(_B // LANES):
            r = rv[j, pl.ds(k * LANES, LANES)]
            c = cv[j, pl.ds(k * LANES, LANES)]
            cp = jnp.where(r == c, jnp.full((LANES,), _N, jnp.int32), c)
            cpv[j, pl.ds(k * LANES, LANES)] = cp
        pltpu.sync_copy(ones_v, dacc.at[cpv.at[j]], add=True)
        return carry
    lax.fori_loop(0, _NB, body, 0)
    plsc.subcore_barrier()

    pltpu.sync_copy(cpv, colp.at[wid])
    pltpu.sync_copy(dacc.at[pl.ds(sid * _RPS, _RPS)],
                    degp.at[cid, pl.ds(sid * _RPS, _RPS)])


_hist = pl.kernel(
    _hist_body,
    out_type=(jax.ShapeDtypeStruct((NW, _NB, _B), jnp.int32),
              jax.ShapeDtypeStruct((NC, _NACC), jnp.float32)),
    mesh=_mesh,
    scratch_types=[
        pltpu.VMEM((_NB, _B), jnp.int32),
        pltpu.VMEM((_NB, _B), jnp.int32),
        pltpu.VMEM((_NB, _B), jnp.int32),
        pltpu.VMEM((_B,), jnp.float32),
        pltpu.VMEM((_RPS,), jnp.float32),
        pltpu.VMEM_SHARED((_NACC,), jnp.float32),
        pltpu.SemaphoreType.DMA,
    ],
)


def _conv_body(xs, r3, colp, zp, iv, gbuf, acc, gsem, ssem, isem0, isem1):
    cid = lax.axis_index("c")
    sid = lax.axis_index("s")
    wid = cid * NS + sid

    def zb(i, carry):
        for k in range(_D // LANES):
            gbuf[0, i, pl.ds(k * LANES, LANES)] = jnp.zeros((LANES,), jnp.float32)
        return carry
    lax.fori_loop(0, _B, zb, 0)
    for b in range(_RPS // _B):
        pltpu.sync_copy(gbuf.at[0], acc.at[pl.ds(sid * _RPS + b * _B, _B)])
    plsc.subcore_barrier()

    def idx_issue(jj, slot, sem):
        pltpu.async_copy(r3.at[wid, jj], iv.at[slot, 0], sem)
        pltpu.async_copy(colp.at[wid, jj], iv.at[slot, 1], sem)

    def idx_wait(jj, slot, sem):
        pltpu.make_async_copy(r3.at[wid, jj], iv.at[slot, 0], sem).wait()
        pltpu.make_async_copy(colp.at[wid, jj], iv.at[slot, 1], sem).wait()

    idx_issue(0, 0, isem0)
    idx_issue(1, 1, isem1)
    idx_wait(0, 0, isem0)
    pltpu.async_copy(xs.at[iv.at[0, 0]], gbuf.at[0], gsem)

    def body(j, carry):
        p = lax.rem(j, 2)
        q = lax.rem(j, 3)
        q1 = lax.rem(j + 1, 3)
        q2 = lax.rem(j + 2, 3)

        pltpu.make_async_copy(xs.at[iv.at[q, 0]], gbuf.at[p], gsem).wait()

        @pl.when(jnp.logical_and(j + 2 < _NB, p == 0))
        def _():
            idx_issue(j + 2, q2, isem0)

        @pl.when(jnp.logical_and(j + 2 < _NB, p == 1))
        def _():
            idx_issue(j + 2, q2, isem1)

        @pl.when(jnp.logical_and(j + 1 < _NB, p == 0))
        def _():
            idx_wait(j + 1, q1, isem1)
            pltpu.async_copy(xs.at[iv.at[q1, 0]], gbuf.at[1 - p], gsem)

        @pl.when(jnp.logical_and(j + 1 < _NB, p == 1))
        def _():
            idx_wait(j + 1, q1, isem0)
            pltpu.async_copy(xs.at[iv.at[q1, 0]], gbuf.at[1 - p], gsem)

        return carry
    lax.fori_loop(0, _NB, body, 0)
    plsc.subcore_barrier()

    pltpu.sync_copy(acc.at[pl.ds(sid * _RPS, _RPS)],
                    zp.at[cid, pl.ds(sid * _RPS, _RPS)])


_conv = pl.kernel(
    _conv_body,
    out_type=jax.ShapeDtypeStruct((NC, _NACC, _D), jnp.float32),
    mesh=_mesh,
    scratch_types=[
        pltpu.VMEM((3, 2, _B), jnp.int32),
        pltpu.VMEM((2, _B, _D), jnp.float32),
        pltpu.VMEM_SHARED((_NACC, _D), jnp.float32),
        pltpu.SemaphoreType.DMA,
        pltpu.SemaphoreType.DMA,
        pltpu.SemaphoreType.DMA,
        pltpu.SemaphoreType.DMA,
    ],
)


_RB = 1000


def _scale_body(degp_ref, x_ref, dis_ref, xs_ref):
    deg = degp_ref[0] + degp_ref[1] + 1.0
    d = lax.rsqrt(deg)
    dis_ref[...] = d
    xs_ref[...] = x_ref[...] * d


def _scale(degp3, x):
    return pl.pallas_call(
        _scale_body,
        grid=(_N // _RB,),
        in_specs=[
            pl.BlockSpec((2, _RB, 1), lambda i: (0, i, 0)),
            pl.BlockSpec((_RB, _D), lambda i: (i, 0)),
        ],
        out_specs=[
            pl.BlockSpec((_RB, 1), lambda i: (i, 0)),
            pl.BlockSpec((_RB, _D), lambda i: (i, 0)),
        ],
        out_shape=[
            jax.ShapeDtypeStruct((_N, 1), jnp.float32),
            jax.ShapeDtypeStruct((_N, _D), jnp.float32),
        ],
    )(degp3, x)


def _combine_body(emit_xs, zp_ref, prev_ref, dis_ref, g_ref, b_ref, *out_refs):
    d = dis_ref[...]
    z = d * (zp_ref[0] + zp_ref[1]) + (d * d) * prev_ref[...]
    z = jnp.maximum(z, 0.0)
    mu = jnp.mean(z, axis=-1, keepdims=True)
    var = jnp.mean((z - mu) ** 2, axis=-1, keepdims=True)
    y = (z - mu) * lax.rsqrt(var + 1e-5) * g_ref[...] + b_ref[...]
    out_refs[0][...] = y
    if emit_xs:
        out_refs[1][...] = d * y


def _combine(zp, prev, dis, g2, b2, emit_xs):
    n_out = 2 if emit_xs else 1
    out = pl.pallas_call(
        functools.partial(_combine_body, emit_xs),
        grid=(_N // _RB,),
        in_specs=[
            pl.BlockSpec((2, _RB, _D), lambda i: (0, i, 0)),
            pl.BlockSpec((_RB, _D), lambda i: (i, 0)),
            pl.BlockSpec((_RB, 1), lambda i: (i, 0)),
            pl.BlockSpec((1, _D), lambda i: (0, 0)),
            pl.BlockSpec((1, _D), lambda i: (0, 0)),
        ],
        out_specs=[pl.BlockSpec((_RB, _D), lambda i: (i, 0))] * n_out,
        out_shape=[jax.ShapeDtypeStruct((_N, _D), jnp.float32)] * n_out,
    )(zp, prev, dis, g2, b2)
    return out if emit_xs else out[0]


def kernel(x, edge_index, ln0_g, ln0_b, ln1_g, ln1_b):
    ep = jnp.zeros((2, _EP - _E), dtype=edge_index.dtype)
    ei = jnp.concatenate([edge_index, ep], axis=1)
    r3 = ei[0].reshape(NW, _NB, _B)
    c3 = ei[1].reshape(NW, _NB, _B)
    g0, b0 = ln0_g.reshape(1, _D), ln0_b.reshape(1, _D)
    g1, b1 = ln1_g.reshape(1, _D), ln1_b.reshape(1, _D)

    colp, degp = _hist(r3, c3)
    dis, xs1 = _scale(degp.reshape(NC, _NACC, 1), x)
    zp1 = _conv(xs1, r3, colp)
    z1, xs2 = _combine(zp1, x, dis, g0, b0, emit_xs=True)
    zp2 = _conv(xs2, r3, colp)
    z2 = _combine(zp2, z1, dis, g1, b1, emit_xs=False)
    return z2

# --- scband reference (transcript-rebuilt; emitter-appended) ---
"""Pipeline reference for scband-gnn-73727408603845 (READ-ONLY COPY).

The authoritative reference and input builder live on the scoring server;
editing this copy changes nothing except your own understanding.
"""

import jax, jax.numpy as jnp
import numpy as np

N = 10000
D = 128
E = 320000


def gcn_norm(edge_index, num_nodes):
    row, col = edge_index[0], edge_index[1]
    w = jnp.ones((edge_index.shape[1],), dtype=jnp.float32)
    # add_remaining_self_loops: drop existing self loops, add fresh ones with fill_value=1.0
    w = jnp.where(row == col, 0.0, w)
    loop = jnp.arange(num_nodes, dtype=edge_index.dtype)
    row = jnp.concatenate([row, loop])
    col = jnp.concatenate([col, loop])
    w = jnp.concatenate([w, jnp.ones((num_nodes,), dtype=jnp.float32)])
    # flow = source_to_target -> degree computed at col (target)
    deg = jax.ops.segment_sum(w, col, num_segments=num_nodes)
    dis = jnp.where(deg > 0, deg ** -0.5, 0.0)
    norm = dis[row] * w * dis[col]
    return row, col, norm


def conv(x, row, col, norm):
    # message: x_j * edge_weight; aggregate: scatter-add at target nodes
    msg = norm[:, None] * jnp.take(x, row, axis=0)
    return jax.ops.segment_sum(msg, col, num_segments=x.shape[0])


def layer_norm(z, g, b, eps=1e-5):
    mu = jnp.mean(z, axis=-1, keepdims=True)
    var = jnp.var(z, axis=-1, keepdims=True)
    return (z - mu) / jnp.sqrt(var + eps) * g + b


def setup_inputs(seed: int = 0) -> dict:
    key = jax.random.key(seed)
    k1, k2 = jax.random.split(key)
    x = jax.random.normal(k1, (N, D), dtype=jnp.float32)
    edge_index = jax.random.randint(k2, (2, E), 0, N, dtype=jnp.int32)
    # learned LayerNorm params for the 2 layers (dims: 128 -> 128 -> 128)
    ln0_g = jnp.ones((D,), dtype=jnp.float32)
    ln0_b = jnp.zeros((D,), dtype=jnp.float32)
    ln1_g = jnp.ones((D,), dtype=jnp.float32)
    ln1_b = jnp.zeros((D,), dtype=jnp.float32)
    return {"x": x, "edge_index": edge_index, "ln0_g": ln0_g, "ln0_b": ln0_b, "ln1_g": ln1_g, "ln1_b": ln1_b}


def reference(x, edge_index, ln0_g, ln0_b, ln1_g, ln1_b):
    row, col, norm = gcn_norm(edge_index, x.shape[0])
    z = conv(x, row, col, norm)
    z = jax.nn.relu(z)
    z = layer_norm(z, ln0_g, ln0_b)
    z = conv(z, row, col, norm)
    z = jax.nn.relu(z)
    z = layer_norm(z, ln1_g, ln1_b)
    return z

if __name__ == "__main__":
    import jax
    _d = setup_inputs()
    print(jax.jit(kernel)(*tuple(_d.values())))

</pallas_src>

<mosaic_0001>
#map = affine_map<(d0, d1) -> (0, 0)>
#map1 = affine_map<(d0, d1) -> (0, 0, 0)>
module attributes {stable_mosaic.version = 14 : i64} {
  func.func @_conv_body(%arg0: i32, %arg1: i32, %arg2: memref<10000x128xf32, #tpu.memory_space<hbm>>, %arg3: memref<32x125x80xi32, #tpu.memory_space<hbm>>, %arg4: memref<32x125x80xi32, #tpu.memory_space<hbm>>, %arg5: memref<2x10240x128xf32, #tpu.memory_space<hbm>>, %arg6: memref<3x2x80xi32, #tpu.memory_space<vmem>>, %arg7: memref<2x80x128xf32, #tpu.memory_space<vmem>>, %arg8: memref<10240x128xf32, #tpu.memory_space<vmem_shared>>, %arg9: memref<!tpu.dma_semaphore, #tpu.memory_space<semaphore_mem>>, %arg10: memref<!tpu.dma_semaphore, #tpu.memory_space<semaphore_mem>>, %arg11: memref<!tpu.dma_semaphore, #tpu.memory_space<semaphore_mem>>, %arg12: memref<!tpu.dma_semaphore, #tpu.memory_space<semaphore_mem>>) attributes {dimension_semantics = [#tpu.dimension_semantics<core_parallel>, #tpu.dimension_semantics<subcore_parallel>], iteration_bounds = array<i64: 2, 16>, scalar_prefetch = 0 : i64, scratch_operands = 7 : i64, tpu.core_type = #tpu.core_type<sc_vector_subcore>, window_params = [{transform_indices = #map}, {transform_indices = #map1}, {transform_indices = #map1}, {transform_indices = #map1}]} {
    %mul3A = arith.constant 16 : i32
    %mul3A_0 = arith.muli %arg0, %mul3A : i32
    %add3A = arith.addi %mul3A_0, %arg1 : i32
    %scan3A = arith.constant 0 : i32
    %scan3A_1 = arith.constant 0 : i32
    %scan3A_2 = arith.constant 80 : i32
    %scan3A_3 = arith.addi %scan3A_1, %scan3A_2 : i32
    %scan3A_4 = arith.constant 1 : i32
    scf.for %scan3A_157 = %scan3A_1 to %scan3A_3 step %scan3A_4  : i32 {
      %broadcast_in_dim3A = arith.constant 0.000000e+00 : f32
      %broadcast_in_dim3A_158 = vector.broadcast %broadcast_in_dim3A : f32 to vector<16xf32>
      %swap3A = arith.constant 0 : i32
      %swap3A_159 = arith.index_cast %swap3A : i32 to index
      %swap3A_160 = arith.index_cast %scan3A_157 : i32 to index
      %swap3A_161 = arith.constant 0 : index
      %swap3A_162 = tpu.vector_load %arg7[%swap3A_159, %swap3A_160, %swap3A_161] {strides = array<i32>} : memref<2x80x128xf32, #tpu.memory_space<vmem>>, vector<1x1x16xf32>,
      %swap3A_163 = vector.shape_cast %swap3A_162 : vector<1x1x16xf32> to vector<16xf32>
      %swap3A_164 = vector.shape_cast %broadcast_in_dim3A_158 : vector<16xf32> to vector<1x1x16xf32>
      tpu.vector_store %arg7[%swap3A_159, %swap3A_160, %swap3A_161], %swap3A_164 {strides = array<i32>} : memref<2x80x128xf32, #tpu.memory_space<vmem>>, vector<1x1x16xf32>,
      %broadcast_in_dim3A_165 = arith.constant 0.000000e+00 : f32
      %broadcast_in_dim3A_166 = vector.broadcast %broadcast_in_dim3A_165 : f32 to vector<16xf32>
      %swap3A_167 = arith.constant 0 : i32
      %swap3A_168 = arith.index_cast %swap3A_167 : i32 to index
      %swap3A_169 = arith.index_cast %scan3A_157 : i32 to index
      %swap3A_170 = arith.constant 16 : index
      %swap3A_171 = tpu.vector_load %arg7[%swap3A_168, %swap3A_169, %swap3A_170] {strides = array<i32>} : memref<2x80x128xf32, #tpu.memory_space<vmem>>, vector<1x1x16xf32>,
      %swap3A_172 = vector.shape_cast %swap3A_171 : vector<1x1x16xf32> to vector<16xf32>
      %swap3A_173 = vector.shape_cast %broadcast_in_dim3A_166 : vector<16xf32> to vector<1x1x16xf32>
      tpu.vector_store %arg7[%swap3A_168, %swap3A_169, %swap3A_170], %swap3A_173 {strides = array<i32>} : memref<2x80x128xf32, #tpu.memory_space<vmem>>, vector<1x1x16xf32>,
      %broadcast_in_dim3A_174 = arith.constant 0.000000e+00 : f32
      %broadcast_in_dim3A_175 = vector.broadcast %broadcast_in_dim3A_174 : f32 to vector<16xf32>
      %swap3A_176 = arith.constant 0 : i32
      %swap3A_177 = arith.index_cast %swap3A_176 : i32 to index
      %swap3A_178 = arith.index_cast %scan3A_157 : i32 to index
      %swap3A_179 = arith.constant 32 : index
      %swap3A_180 = tpu.vector_load %arg7[%swap3A_177, %swap3A_178, %swap3A_179] {strides = array<i32>} : memref<2x80x128xf32, #tpu.memory_space<vmem>>, vector<1x1x16xf32>,
      %swap3A_181 = vector.shape_cast %swap3A_180 : vector<1x1x16xf32> to vector<16xf32>
      %swap3A_182 = vector.shape_cast %broadcast_in_dim3A_175 : vector<16xf32> to vector<1x1x16xf32>
      tpu.vector_store %arg7[%swap3A_177, %swap3A_178, %swap3A_179], %swap3A_182 {strides = array<i32>} : memref<2x80x128xf32, #tpu.memory_space<vmem>>, vector<1x1x16xf32>,
      %broadcast_in_dim3A_183 = arith.constant 0.000000e+00 : f32
      %broadcast_in_dim3A_184 = vector.broadcast %broadcast_in_dim3A_183 : f32 to vector<16xf32>
      %swap3A_185 = arith.constant 0 : i32
      %swap3A_186 = arith.index_cast %swap3A_185 : i32 to index
      %swap3A_187 = arith.index_cast %scan3A_157 : i32 to index
      %swap3A_188 = arith.constant 48 : index
      %swap3A_189 = tpu.vector_load %arg7[%swap3A_186, %swap3A_187, %swap3A_188] {strides = array<i32>} : memref<2x80x128xf32, #tpu.memory_space<vmem>>, vector<1x1x16xf32>,
      %swap3A_190 = vector.shape_cast %swap3A_189 : vector<1x1x16xf32> to vector<16xf32>
      %swap3A_191 = vector.shape_cast %broadcast_in_dim3A_184 : vector<16xf32> to vector<1x1x16xf32>
      tpu.vector_store %arg7[%swap3A_186, %swap3A_187, %swap3A_188], %swap3A_191 {strides = array<i32>} : memref<2x80x128xf32, #tpu.memory_space<vmem>>, vector<1x1x16xf32>,
      %broadcast_in_dim3A_192 = arith.constant 0.000000e+00 : f32
      %broadcast_in_dim3A_193 = vector.broadcast %broadcast_in_dim3A_192 : f32 to vector<16xf32>
      %swap3A_194 = arith.constant 0 : i32
      %swap3A_195 = arith.index_cast %swap3A_194 : i32 to index
      %swap3A_196 = arith.index_cast %scan3A_157 : i32 to index
      %swap3A_197 = arith.constant 64 : index
      %swap3A_198 = tpu.vector_load %arg7[%swap3A_195, %swap3A_196, %swap3A_197] {strides = array<i32>} : memref<2x80x128xf32, #tpu.memory_space<vmem>>, vector<1x1x16xf32>,
      %swap3A_199 = vector.shape_cast %swap3A_198 : vector<1x1x16xf32> to vector<16xf32>
      %swap3A_200 = vector.shape_cast %broadcast_in_dim3A_193 : vector<16xf32> to vector<1x1x16xf32>
      tpu.vector_store %arg7[%swap3A_195, %swap3A_196, %swap3A_197], %swap3A_200 {strides = array<i32>} : memref<2x80x128xf32, #tpu.memory_space<vmem>>, vector<1x1x16xf32>,
      %broadcast_in_dim3A_201 = arith.constant 0.000000e+00 : f32
      %broadcast_in_dim3A_202 = vector.broadcast %broadcast_in_dim3A_201 : f32 to vector<16xf32>
      %swap3A_203 = arith.constant 0 : i32
      %swap3A_204 = arith.index_cast %swap3A_203 : i32 to index
      %swap3A_205 = arith.index_cast %scan3A_157 : i32 to index
      %swap3A_206 = arith.constant 80 : index
      %swap3A_207 = tpu.vector_load %arg7[%swap3A_204, %swap3A_205, %swap3A_206] {strides = array<i32>} : memref<2x80x128xf32, #tpu.memory_space<vmem>>, vector<1x1x16xf32>,
      %swap3A_208 = vector.shape_cast %swap3A_207 : vector<1x1x16xf32> to vector<16xf32>
      %swap3A_209 = vector.shape_cast %broadcast_in_dim3A_202 : vector<16xf32> to vector<1x1x16xf32>
      tpu.vector_store %arg7[%swap3A_204, %swap3A_205, %swap3A_206], %swap3A_209 {strides = array<i32>} : memref<2x80x128xf32, #tpu.memory_space<vmem>>, vector<1x1x16xf32>,
      %broadcast_in_dim3A_210 = arith.constant 0.000000e+00 : f32
      %broadcast_in_dim3A_211 = vector.broadcast %broadcast_in_dim3A_210 : f32 to vector<16xf32>
      %swap3A_212 = arith.constant 0 : i32
      %swap3A_213 = arith.index_cast %swap3A_212 : i32 to index
      %swap3A_214 = arith.index_cast %scan3A_157 : i32 to index
      %swap3A_215 = arith.constant 96 : index
      %swap3A_216 = tpu.vector_load %arg7[%swap3A_213, %swap3A_214, %swap3A_215] {strides = array<i32>} : memref<2x80x128xf32, #tpu.memory_space<vmem>>, vector<1x1x16xf32>,
      %swap3A_217 = vector.shape_cast %swap3A_216 : vector<1x1x16xf32> to vector<16xf32>
      %swap3A_218 = vector.shape_cast %broadcast_in_dim3A_211 : vector<16xf32> to vector<1x1x16xf32>
      tpu.vector_store %arg7[%swap3A_213, %swap3A_214, %swap3A_215], %swap3A_218 {strides = array<i32>} : memref<2x80x128xf32, #tpu.memory_space<vmem>>, vector<1x1x16xf32>,
      %broadcast_in_dim3A_219 = arith.constant 0.000000e+00 : f32
      %broadcast_in_dim3A_220 = vector.broadcast %broadcast_in_dim3A_219 : f32 to vector<16xf32>
      %swap3A_221 = arith.constant 0 : i32
      %swap3A_222 = arith.index_cast %swap3A_221 : i32 to index
      %swap3A_223 = arith.index_cast %scan3A_157 : i32 to index
      %swap3A_224 = arith.constant 112 : index
      %swap3A_225 = tpu.vector_load %arg7[%swap3A_222, %swap3A_223, %swap3A_224] {strides = array<i32>} : memref<2x80x128xf32, #tpu.memory_space<vmem>>, vector<1x1x16xf32>,
      %swap3A_226 = vector.shape_cast %swap3A_225 : vector<1x1x16xf32> to vector<16xf32>
      %swap3A_227 = vector.shape_cast %broadcast_in_dim3A_220 : vector<16xf32> to vector<1x1x16xf32>
      tpu.vector_store %arg7[%swap3A_222, %swap3A_223, %swap3A_224], %swap3A_227 {strides = array<i32>} : memref<2x80x128xf32, #tpu.memory_space<vmem>>, vector<1x1x16xf32>,
    }
    %scan3A_5 = arith.constant 80 : i32
    %mul3A_6 = arith.constant 640 : i32
    %mul3A_7 = arith.muli %arg1, %mul3A_6 : i32
    %add3A_8 = arith.constant 0 : i32
    %add3A_9 = arith.addi %mul3A_7, %add3A_8 : i32
    %run_scoped3A = arith.constant 0 : i32
    "tpu.region"() ({
      %run_scoped3A_157 = tpu.sem_alloc : memref<!tpu.dma_semaphore, #tpu.memory_space<semaphore_mem>>
      %dma_start3A_158 = arith.constant 0 : i32
      %dma_start3A_159 = arith.constant 0 : i32
      %dma_start3A_160 = tpu.memref_slice %arg7[%run_scoped3A, %dma_start3A_158, %dma_start3A_159] : memref<2x80x128xf32, #tpu.memory_space<vmem>> -> memref<1x80x128xf32, #tpu.memory_space<vmem>>
      %dma_start3A_161 = tpu.memref_squeeze %dma_start3A_160 : memref<1x80x128xf32, #tpu.memory_space<vmem>> -> memref<80x128xf32, #tpu.memory_space<vmem>>
      %dma_start3A_162 = arith.constant 0 : i32
      %dma_start3A_163 = tpu.memref_slice %arg8[%add3A_9, %dma_start3A_162] : memref<10240x128xf32, #tpu.memory_space<vmem_shared>> -> memref<80x128xf32, #tpu.memory_space<vmem_shared>>
      %dma_start3A_164 = arith.constant 0 : i32
      %dma_start3A_165 = tpu.memref_slice %arg8[%add3A_9, %dma_start3A_164] : memref<10240x128xf32, #tpu.memory_space<vmem_shared>> -> memref<80x128xf32, #tpu.memory_space<vmem_shared>>
      %dma_start3A_166 = arith.constant 0 : i32
      %dma_start3A_167 = arith.constant 0 : i32
      %dma_start3A_168 = tpu.memref_slice %arg7[%run_scoped3A, %dma_start3A_166, %dma_start3A_167] : memref<2x80x128xf32, #tpu.memory_space<vmem>> -> memref<1x80x128xf32, #tpu.memory_space<vmem>>
      %dma_start3A_169 = tpu.memref_squeeze %dma_start3A_168 : memref<1x80x128xf32, #tpu.memory_space<vmem>> -> memref<80x128xf32, #tpu.memory_space<vmem>>
      tpu.enqueue_dma source(%dma_start3A_169 : memref<80x128xf32, #tpu.memory_space<vmem>>) target(%dma_start3A_165 : memref<80x128xf32, #tpu.memory_space<vmem_shared>>) target_semaphore(%run_scoped3A_157 : memref<!tpu.dma_semaphore, #tpu.memory_space<semaphore_mem>>)
      %dma_wait3A_170 = arith.constant 0 : i32
      %dma_wait3A_171 = arith.constant 0 : i32
      %dma_wait3A_172 = tpu.memref_slice %arg7[%run_scoped3A, %dma_wait3A_170, %dma_wait3A_171] : memref<2x80x128xf32, #tpu.memory_space<vmem>> -> memref<1x80x128xf32, #tpu.memory_space<vmem>>
      %dma_wait3A_173 = tpu.memref_squeeze %dma_wait3A_172 : memref<1x80x128xf32, #tpu.memory_space<vmem>> -> memref<80x128xf32, #tpu.memory_space<vmem>>
      %dma_wait3A_174 = arith.constant 0 : i32
      %dma_wait3A_175 = tpu.memref_slice %arg8[%add3A_9, %dma_wait3A_174] : memref<10240x128xf32, #tpu.memory_space<vmem_shared>> -> memref<80x128xf32, #tpu.memory_space<vmem_shared>>
      %dma_wait3A_176 = arith.constant 0 : i32
      %dma_wait3A_177 = tpu.memref_slice %arg8[%add3A_9, %dma_wait3A_176] : memref<10240x128xf32, #tpu.memory_space<vmem_shared>> -> memref<80x128xf32, #tpu.memory_space<vmem_shared>>
      %dma_wait3A_178 = arith.constant 0 : i32
      %dma_wait3A_179 = arith.constant 0 : i32
      %dma_wait3A_180 = tpu.memref_slice %arg7[%run_scoped3A, %dma_wait3A_178, %dma_wait3A_179] : memref<2x80x128xf32, #tpu.memory_space<vmem>> -> memref<1x80x128xf32, #tpu.memory_space<vmem>>
      %dma_wait3A_181 = tpu.memref_squeeze %dma_wait3A_180 : memref<1x80x128xf32, #tpu.memory_space<vmem>> -> memref<80x128xf32, #tpu.memory_space<vmem>>
      tpu.wait_dma2 semaphore(%run_scoped3A_157 : memref<!tpu.dma_semaphore, #tpu.memory_space<semaphore_mem>>) src(%dma_wait3A_181 : memref<80x128xf32, #tpu.memory_space<vmem>>) dst(%dma_wait3A_177 : memref<80x128xf32, #tpu.memory_space<vmem_shared>>)
      tpu.yield
    }) : () -> ()
    %mul3A_10 = arith.constant 640 : i32
    %mul3A_11 = arith.muli %arg1, %mul3A_10 : i32
    %add3A_12 = arith.constant 80 : i32
    %add3A_13 = arith.addi %mul3A_11, %add3A_12 : i32
    %run_scoped3A_14 = arith.constant 0 : i32
    "tpu.region"() ({
      %run_scoped3A_157 = tpu.sem_alloc : memref<!tpu.dma_semaphore, #tpu.memory_space<semaphore_mem>>
      %dma_start3A_158 = arith.constant 0 : i32
      %dma_start3A_159 = arith.constant 0 : i32
      %dma_start3A_160 = tpu.memref_slice %arg7[%run_scoped3A_14, %dma_start3A_158, %dma_start3A_159] : memref<2x80x128xf32, #tpu.memory_space<vmem>> -> memref<1x80x128xf32, #tpu.memory_space<vmem>>
      %dma_start3A_161 = tpu.memref_squeeze %dma_start3A_160 : memref<1x80x128xf32, #tpu.memory_space<vmem>> -> memref<80x128xf32, #tpu.memory_space<vmem>>
      %dma_start3A_162 = arith.constant 0 : i32
      %dma_start3A_163 = tpu.memref_slice %arg8[%add3A_13, %dma_start3A_162] : memref<10240x128xf32, #tpu.memory_space<vmem_shared>> -> memref<80x128xf32, #tpu.memory_space<vmem_shared>>
      %dma_start3A_164 = arith.constant 0 : i32
      %dma_start3A_165 = tpu.memref_slice %arg8[%add3A_13, %dma_start3A_164] : memref<10240x128xf32, #tpu.memory_space<vmem_shared>> -> memref<80x128xf32, #tpu.memory_space<vmem_shared>>
      %dma_start3A_166 = arith.constant 0 : i32
      %dma_start3A_167 = arith.constant 0 : i32
      %dma_start3A_168 = tpu.memref_slice %arg7[%run_scoped3A_14, %dma_start3A_166, %dma_start3A_167] : memref<2x80x128xf32, #tpu.memory_space<vmem>> -> memref<1x80x128xf32, #tpu.memory_space<vmem>>
      %dma_start3A_169 = tpu.memref_squeeze %dma_start3A_168 : memref<1x80x128xf32, #tpu.memory_space<vmem>> -> memref<80x128xf32, #tpu.memory_space<vmem>>
      tpu.enqueue_dma source(%dma_start3A_169 : memref<80x128xf32, #tpu.memory_space<vmem>>) target(%dma_start3A_165 : memref<80x128xf32, #tpu.memory_space<vmem_shared>>) target_semaphore(%run_scoped3A_157 : memref<!tpu.dma_semaphore, #tpu.memory_space<semaphore_mem>>)
      %dma_wait3A_170 = arith.constant 0 : i32
      %dma_wait3A_171 = arith.constant 0 : i32
      %dma_wait3A_172 = tpu.memref_slice %arg7[%run_scoped3A_14, %dma_wait3A_170, %dma_wait3A_171] : memref<2x80x128xf32, #tpu.memory_space<vmem>> -> memref<1x80x128xf32, #tpu.memory_space<vmem>>
      %dma_wait3A_173 = tpu.memref_squeeze %dma_wait3A_172 : memref<1x80x128xf32, #tpu.memory_space<vmem>> -> memref<80x128xf32, #tpu.memory_space<vmem>>
      %dma_wait3A_174 = arith.constant 0 : i32
      %dma_wait3A_175 = tpu.memref_slice %arg8[%add3A_13, %dma_wait3A_174] : memref<10240x128xf32, #tpu.memory_space<vmem_shared>> -> memref<80x128xf32, #tpu.memory_space<vmem_shared>>
      %dma_wait3A_176 = arith.constant 0 : i32
      %dma_wait3A_177 = tpu.memref_slice %arg8[%add3A_13, %dma_wait3A_176] : memref<10240x128xf32, #tpu.memory_space<vmem_shared>> -> memref<80x128xf32, #tpu.memory_space<vmem_shared>>
      %dma_wait3A_178 = arith.constant 0 : i32
      %dma_wait3A_179 = arith.constant 0 : i32
      %dma_wait3A_180 = tpu.memref_slice %arg7[%run_scoped3A_14, %dma_wait3A_178, %dma_wait3A_179] : memref<2x80x128xf32, #tpu.memory_space<vmem>> -> memref<1x80x128xf32, #tpu.memory_space<vmem>>
      %dma_wait3A_181 = tpu.memref_squeeze %dma_wait3A_180 : memref<1x80x128xf32, #tpu.memory_space<vmem>> -> memref<80x128xf32, #tpu.memory_space<vmem>>
      tpu.wait_dma2 semaphore(%run_scoped3A_157 : memref<!tpu.dma_semaphore, #tpu.memory_space<semaphore_mem>>) src(%dma_wait3A_181 : memref<80x128xf32, #tpu.memory_space<vmem>>) dst(%dma_wait3A_177 : memref<80x128xf32, #tpu.memory_space<vmem_shared>>)
      tpu.yield
    }) : () -> ()
    %mul3A_15 = arith.constant 640 : i32
    %mul3A_16 = arith.muli %arg1, %mul3A_15 : i32
    %add3A_17 = arith.constant 160 : i32
    %add3A_18 = arith.addi %mul3A_16, %add3A_17 : i32
    %run_scoped3A_19 = arith.constant 0 : i32
    "tpu.region"() ({
      %run_scoped3A_157 = tpu.sem_alloc : memref<!tpu.dma_semaphore, #tpu.memory_space<semaphore_mem>>
      %dma_start3A_158 = arith.constant 0 : i32
      %dma_start3A_159 = arith.constant 0 : i32
      %dma_start3A_160 = tpu.memref_slice %arg7[%run_scoped3A_19, %dma_start3A_158, %dma_start3A_159] : memref<2x80x128xf32, #tpu.memory_space<vmem>> -> memref<1x80x128xf32, #tpu.memory_space<vmem>>
      %dma_start3A_161 = tpu.memref_squeeze %dma_start3A_160 : memref<1x80x128xf32, #tpu.memory_space<vmem>> -> memref<80x128xf32, #tpu.memory_space<vmem>>
      %dma_start3A_162 = arith.constant 0 : i32
      %dma_start3A_163 = tpu.memref_slice %arg8[%add3A_18, %dma_start3A_162] : memref<10240x128xf32, #tpu.memory_space<vmem_shared>> -> memref<80x128xf32, #tpu.memory_space<vmem_shared>>
      %dma_start3A_164 = arith.constant 0 : i32
      %dma_start3A_165 = tpu.memref_slice %arg8[%add3A_18, %dma_start3A_164] : memref<10240x128xf32, #tpu.memory_space<vmem_shared>> -> memref<80x128xf32, #tpu.memory_space<vmem_shared>>
      %dma_start3A_166 = arith.constant 0 : i32
      %dma_start3A_167 = arith.constant 0 : i32
      %dma_start3A_168 = tpu.memref_slice %arg7[%run_scoped3A_19, %dma_start3A_166, %dma_start3A_167] : memref<2x80x128xf32, #tpu.memory_space<vmem>> -> memref<1x80x128xf32, #tpu.memory_space<vmem>>
      %dma_start3A_169 = tpu.memref_squeeze %dma_start3A_168 : memref<1x80x128xf32, #tpu.memory_space<vmem>> -> memref<80x128xf32, #tpu.memory_space<vmem>>
      tpu.enqueue_dma source(%dma_start3A_169 : memref<80x128xf32, #tpu.memory_space<vmem>>) target(%dma_start3A_165 : memref<80x128xf32, #tpu.memory_space<vmem_shared>>) target_semaphore(%run_scoped3A_157 : memref<!tpu.dma_semaphore, #tpu.memory_space<semaphore_mem>>)
      %dma_wait3A_170 = arith.constant 0 : i32
      %dma_wait3A_171 = arith.constant 0 : i32
      %dma_wait3A_172 = tpu.memref_slice %arg7[%run_scoped3A_19, %dma_wait3A_170, %dma_wait3A_171] : memref<2x80x128xf32, #tpu.memory_space<vmem>> -> memref<1x80x128xf32, #tpu.memory_space<vmem>>
      %dma_wait3A_173 = tpu.memref_squeeze %dma_wait3A_172 : memref<1x80x128xf32, #tpu.memory_space<vmem>> -> memref<80x128xf32, #tpu.memory_space<vmem>>
      %dma_wait3A_174 = arith.constant 0 : i32
      %dma_wait3A_175 = tpu.memref_slice %arg8[%add3A_18, %dma_wait3A_174] : memref<10240x128xf32, #tpu.memory_space<vmem_shared>> -> memref<80x128xf32, #tpu.memory_space<vmem_shared>>
      %dma_wait3A_176 = arith.constant 0 : i32
      %dma_wait3A_177 = tpu.memref_slice %arg8[%add3A_18, %dma_wait3A_176] : memref<10240x128xf32, #tpu.memory_space<vmem_shared>> -> memref<80x128xf32, #tpu.memory_space<vmem_shared>>
      %dma_wait3A_178 = arith.constant 0 : i32
      %dma_wait3A_179 = arith.constant 0 : i32
      %dma_wait3A_180 = tpu.memref_slice %arg7[%run_scoped3A_19, %dma_wait3A_178, %dma_wait3A_179] : memref<2x80x128xf32, #tpu.memory_space<vmem>> -> memref<1x80x128xf32, #tpu.memory_space<vmem>>
      %dma_wait3A_181 = tpu.memref_squeeze %dma_wait3A_180 : memref<1x80x128xf32, #tpu.memory_space<vmem>> -> memref<80x128xf32, #tpu.memory_space<vmem>>
      tpu.wait_dma2 semaphore(%run_scoped3A_157 : memref<!tpu.dma_semaphore, #tpu.memory_space<semaphore_mem>>) src(%dma_wait3A_181 : memref<80x128xf32, #tpu.memory_space<vmem>>) dst(%dma_wait3A_177 : memref<80x128xf32, #tpu.memory_space<vmem_shared>>)
      tpu.yield
    }) : () -> ()
    %mul3A_20 = arith.constant 640 : i32
    %mul3A_21 = arith.muli %arg1, %mul3A_20 : i32
    %add3A_22 = arith.constant 240 : i32
    %add3A_23 = arith.addi %mul3A_21, %add3A_22 : i32
    %run_scoped3A_24 = arith.constant 0 : i32
    "tpu.region"() ({
      %run_scoped3A_157 = tpu.sem_alloc : memref<!tpu.dma_semaphore, #tpu.memory_space<semaphore_mem>>
      %dma_start3A_158 = arith.constant 0 : i32
      %dma_start3A_159 = arith.constant 0 : i32
      %dma_start3A_160 = tpu.memref_slice %arg7[%run_scoped3A_24, %dma_start3A_158, %dma_start3A_159] : memref<2x80x128xf32, #tpu.memory_space<vmem>> -> memref<1x80x128xf32, #tpu.memory_space<vmem>>
      %dma_start3A_161 = tpu.memref_squeeze %dma_start3A_160 : memref<1x80x128xf32, #tpu.memory_space<vmem>> -> memref<80x128xf32, #tpu.memory_space<vmem>>
      %dma_start3A_162 = arith.constant 0 : i32
      %dma_start3A_163 = tpu.memref_slice %arg8[%add3A_23, %dma_start3A_162] : memref<10240x128xf32, #tpu.memory_space<vmem_shared>> -> memref<80x128xf32, #tpu.memory_space<vmem_shared>>
      %dma_start3A_164 = arith.constant 0 : i32
      %dma_start3A_165 = tpu.memref_slice %arg8[%add3A_23, %dma_start3A_164] : memref<10240x128xf32, #tpu.memory_space<vmem_shared>> -> memref<80x128xf32, #tpu.memory_space<vmem_shared>>
      %dma_start3A_166 = arith.constant 0 : i32
      %dma_start3A_167 = arith.constant 0 : i32
      %dma_start3A_168 = tpu.memref_slice %arg7[%run_scoped3A_24, %dma_start3A_166, %dma_start3A_167] : memref<2x80x128xf32, #tpu.memory_space<vmem>> -> memref<1x80x128xf32, #tpu.memory_space<vmem>>
      %dma_start3A_169 = tpu.memref_squeeze %dma_start3A_168 : memref<1x80x128xf32, #tpu.memory_space<vmem>> -> memref<80x128xf32, #tpu.memory_space<vmem>>
      tpu.enqueue_dma source(%dma_start3A_169 : memref<80x128xf32, #tpu.memory_space<vmem>>) target(%dma_start3A_165 : memref<80x128xf32, #tpu.memory_space<vmem_shared>>) target_semaphore(%run_scoped3A_157 : memref<!tpu.dma_semaphore, #tpu.memory_space<semaphore_mem>>)
      %dma_wait3A_170 = arith.constant 0 : i32
      %dma_wait3A_171 = arith.constant 0 : i32
      %dma_wait3A_172 = tpu.memref_slice %arg7[%run_scoped3A_24, %dma_wait3A_170, %dma_wait3A_171] : memref<2x80x128xf32, #tpu.memory_space<vmem>> -> memref<1x80x128xf32, #tpu.memory_space<vmem>>
      %dma_wait3A_173 = tpu.memref_squeeze %dma_wait3A_172 : memref<1x80x128xf32, #tpu.memory_space<vmem>> -> memref<80x128xf32, #tpu.memory_space<vmem>>
      %dma_wait3A_174 = arith.constant 0 : i32
      %dma_wait3A_175 = tpu.memref_slice %arg8[%add3A_23, %dma_wait3A_174] : memref<10240x128xf32, #tpu.memory_space<vmem_shared>> -> memref<80x128xf32, #tpu.memory_space<vmem_shared>>
      %dma_wait3A_176 = arith.constant 0 : i32
      %dma_wait3A_177 = tpu.memref_slice %arg8[%add3A_23, %dma_wait3A_176] : memref<10240x128xf32, #tpu.memory_space<vmem_shared>> -> memref<80x128xf32, #tpu.memory_space<vmem_shared>>
      %dma_wait3A_178 = arith.constant 0 : i32
      %dma_wait3A_179 = arith.constant 0 : i32
      %dma_wait3A_180 = tpu.memref_slice %arg7[%run_scoped3A_24, %dma_wait3A_178, %dma_wait3A_179] : memref<2x80x128xf32, #tpu.memory_space<vmem>> -> memref<1x80x128xf32, #tpu.memory_space<vmem>>
      %dma_wait3A_181 = tpu.memref_squeeze %dma_wait3A_180 : memref<1x80x128xf32, #tpu.memory_space<vmem>> -> memref<80x128xf32, #tpu.memory_space<vmem>>
      tpu.wait_dma2 semaphore(%run_scoped3A_157 : memref<!tpu.dma_semaphore, #tpu.memory_space<semaphore_mem>>) src(%dma_wait3A_181 : memref<80x128xf32, #tpu.memory_space<vmem>>) dst(%dma_wait3A_177 : memref<80x128xf32, #tpu.memory_space<vmem_shared>>)
      tpu.yield
    }) : () -> ()
    %mul3A_25 = arith.constant 640 : i32
    %mul3A_26 = arith.muli %arg1, %mul3A_25 : i32
    %add3A_27 = arith.constant 320 : i32
    %add3A_28 = arith.addi %mul3A_26, %add3A_27 : i32
    %run_scoped3A_29 = arith.constant 0 : i32
    "tpu.region"() ({
      %run_scoped3A_157 = tpu.sem_alloc : memref<!tpu.dma_semaphore, #tpu.memory_space<semaphore_mem>>
      %dma_start3A_158 = arith.constant 0 : i32
      %dma_start3A_159 = arith.constant 0 : i32
      %dma_start3A_160 = tpu.memref_slice %arg7[%run_scoped3A_29, %dma_start3A_158, %dma_start3A_159] : memref<2x80x128xf32, #tpu.memory_space<vmem>> -> memref<1x80x128xf32, #tpu.memory_space<vmem>>
      %dma_start3A_161 = tpu.memref_squeeze %dma_start3A_160 : memref<1x80x128xf32, #tpu.memory_space<vmem>> -> memref<80x128xf32, #tpu.memory_space<vmem>>
      %dma_start3A_162 = arith.constant 0 : i32
      %dma_start3A_163 = tpu.memref_slice %arg8[%add3A_28, %dma_start3A_162] : memref<10240x128xf32, #tpu.memory_space<vmem_shared>> -> memref<80x128xf32, #tpu.memory_space<vmem_shared>>
      %dma_start3A_164 = arith.constant 0 : i32
      %dma_start3A_165 = tpu.memref_slice %arg8[%add3A_28, %dma_start3A_164] : memref<10240x128xf32, #tpu.memory_space<vmem_shared>> -> memref<80x128xf32, #tpu.memory_space<vmem_shared>>
      %dma_start3A_166 = arith.constant 0 : i32
      %dma_start3A_167 = arith.constant 0 : i32
      %dma_start3A_168 = tpu.memref_slice %arg7[%run_scoped3A_29, %dma_start3A_166, %dma_start3A_167] : memref<2x80x128xf32, #tpu.memory_space<vmem>> -> memref<1x80x128xf32, #tpu.memory_space<vmem>>
      %dma_start3A_169 = tpu.memref_squeeze %dma_start3A_168 : memref<1x80x128xf32, #tpu.memory_space<vmem>> -> memref<80x128xf32, #tpu.memory_space<vmem>>
      tpu.enqueue_dma source(%dma_start3A_169 : memref<80x128xf32, #tpu.memory_space<vmem>>) target(%dma_start3A_165 : memref<80x128xf32, #tpu.memory_space<vmem_shared>>) target_semaphore(%run_scoped3A_157 : memref<!tpu.dma_semaphore, #tpu.memory_space<semaphore_mem>>)
      %dma_wait3A_170 = arith.constant 0 : i32
      %dma_wait3A_171 = arith.constant 0 : i32
      %dma_wait3A_172 = tpu.memref_slice %arg7[%run_scoped3A_29, %dma_wait3A_170, %dma_wait3A_171] : memref<2x80x128xf32, #tpu.memory_space<vmem>> -> memref<1x80x128xf32, #tpu.memory_space<vmem>>
      %dma_wait3A_173 = tpu.memref_squeeze %dma_wait3A_172 : memref<1x80x128xf32, #tpu.memory_space<vmem>> -> memref<80x128xf32, #tpu.memory_space<vmem>>
      %dma_wait3A_174 = arith.constant 0 : i32
      %dma_wait3A_175 = tpu.memref_slice %arg8[%add3A_28, %dma_wait3A_174] : memref<10240x128xf32, #tpu.memory_space<vmem_shared>> -> memref<80x128xf32, #tpu.memory_space<vmem_shared>>
      %dma_wait3A_176 = arith.constant 0 : i32
      %dma_wait3A_177 = tpu.memref_slice %arg8[%add3A_28, %dma_wait3A_176] : memref<10240x128xf32, #tpu.memory_space<vmem_shared>> -> memref<80x128xf32, #tpu.memory_space<vmem_shared>>
      %dma_wait3A_178 = arith.constant 0 : i32
      %dma_wait3A_179 = arith.constant 0 : i32
      %dma_wait3A_180 = tpu.memref_slice %arg7[%run_scoped3A_29, %dma_wait3A_178, %dma_wait3A_179] : memref<2x80x128xf32, #tpu.memory_space<vmem>> -> memref<1x80x128xf32, #tpu.memory_space<vmem>>
      %dma_wait3A_181 = tpu.memref_squeeze %dma_wait3A_180 : memref<1x80x128xf32, #tpu.memory_space<vmem>> -> memref<80x128xf32, #tpu.memory_space<vmem>>
      tpu.wait_dma2 semaphore(%run_scoped3A_157 : memref<!tpu.dma_semaphore, #tpu.memory_space<semaphore_mem>>) src(%dma_wait3A_181 : memref<80x128xf32, #tpu.memory_space<vmem>>) dst(%dma_wait3A_177 : memref<80x128xf32, #tpu.memory_space<vmem_shared>>)
      tpu.yield
    }) : () -> ()
    %mul3A_30 = arith.constant 640 : i32
    %mul3A_31 = arith.muli %arg1, %mul3A_30 : i32
    %add3A_32 = arith.constant 400 : i32
    %add3A_33 = arith.addi %mul3A_31, %add3A_32 : i32
    %run_scoped3A_34 = arith.constant 0 : i32
    "tpu.region"() ({
      %run_scoped3A_157 = tpu.sem_alloc : memref<!tpu.dma_semaphore, #tpu.memory_space<semaphore_mem>>
      %dma_start3A_158 = arith.constant 0 : i32
      %dma_start3A_159 = arith.constant 0 : i32
      %dma_start3A_160 = tpu.memref_slice %arg7[%run_scoped3A_34, %dma_start3A_158, %dma_start3A_159] : memref<2x80x128xf32, #tpu.memory_space<vmem>> -> memref<1x80x128xf32, #tpu.memory_space<vmem>>
      %dma_start3A_161 = tpu.memref_squeeze %dma_start3A_160 : memref<1x80x128xf32, #tpu.memory_space<vmem>> -> memref<80x128xf32, #tpu.memory_space<vmem>>
      %dma_start3A_162 = arith.constant 0 : i32
      %dma_start3A_163 = tpu.memref_slice %arg8[%add3A_33, %dma_start3A_162] : memref<10240x128xf32, #tpu.memory_space<vmem_shared>> -> memref<80x128xf32, #tpu.memory_space<vmem_shared>>
      %dma_start3A_164 = arith.constant 0 : i32
      %dma_start3A_165 = tpu.memref_slice %arg8[%add3A_33, %dma_start3A_164] : memref<10240x128xf32, #tpu.memory_space<vmem_shared>> -> memref<80x128xf32, #tpu.memory_space<vmem_shared>>
      %dma_start3A_166 = arith.constant 0 : i32
      %dma_start3A_167 = arith.constant 0 : i32
      %dma_start3A_168 = tpu.memref_slice %arg7[%run_scoped3A_34, %dma_start3A_166, %dma_start3A_167] : memref<2x80x128xf32, #tpu.memory_space<vmem>> -> memref<1x80x128xf32, #tpu.memory_space<vmem>>
      %dma_start3A_169 = tpu.memref_squeeze %dma_start3A_168 : memref<1x80x128xf32, #tpu.memory_space<vmem>> -> memref<80x128xf32, #tpu.memory_space<vmem>>
      tpu.enqueue_dma source(%dma_start3A_169 : memref<80x128xf32, #tpu.memory_space<vmem>>) target(%dma_start3A_165 : memref<80x128xf32, #tpu.memory_space<vmem_shared>>) target_semaphore(%run_scoped3A_157 : memref<!tpu.dma_semaphore, #tpu.memory_space<semaphore_mem>>)
      %dma_wait3A_170 = arith.constant 0 : i32
      %dma_wait3A_171 = arith.constant 0 : i32
      %dma_wait3A_172 = tpu.memref_slice %arg7[%run_scoped3A_34, %dma_wait3A_170, %dma_wait3A_171] : memref<2x80x128xf32, #tpu.memory_space<vmem>> -> memref<1x80x128xf32, #tpu.memory_space<vmem>>
      %dma_wait3A_173 = tpu.memref_squeeze %dma_wait3A_172 : memref<1x80x128xf32, #tpu.memory_space<vmem>> -> memref<80x128xf32, #tpu.memory_space<vmem>>
      %dma_wait3A_174 = arith.constant 0 : i32
      %dma_wait3A_175 = tpu.memref_slice %arg8[%add3A_33, %dma_wait3A_174] : memref<10240x128xf32, #tpu.memory_space<vmem_shared>> -> memref<80x128xf32, #tpu.memory_space<vmem_shared>>
      %dma_wait3A_176 = arith.constant 0 : i32
      %dma_wait3A_177 = tpu.memref_slice %arg8[%add3A_33, %dma_wait3A_176] : memref<10240x128xf32, #tpu.memory_space<vmem_shared>> -> memref<80x128xf32, #tpu.memory_space<vmem_shared>>
      %dma_wait3A_178 = arith.constant 0 : i32
      %dma_wait3A_179 = arith.constant 0 : i32
      %dma_wait3A_180 = tpu.memref_slice %arg7[%run_scoped3A_34, %dma_wait3A_178, %dma_wait3A_179] : memref<2x80x128xf32, #tpu.memory_space<vmem>> -> memref<1x80x128xf32, #tpu.memory_space<vmem>>
      %dma_wait3A_181 = tpu.memref_squeeze %dma_wait3A_180 : memref<1x80x128xf32, #tpu.memory_space<vmem>> -> memref<80x128xf32, #tpu.memory_space<vmem>>
      tpu.wait_dma2 semaphore(%run_scoped3A_157 : memref<!tpu.dma_semaphore, #tpu.memory_space<semaphore_mem>>) src(%dma_wait3A_181 : memref<80x128xf32, #tpu.memory_space<vmem>>) dst(%dma_wait3A_177 : memref<80x128xf32, #tpu.memory_space<vmem_shared>>)
      tpu.yield
    }) : () -> ()
    %mul3A_35 = arith.constant 640 : i32
    %mul3A_36 = arith.muli %arg1, %mul3A_35 : i32
    %add3A_37 = arith.constant 480 : i32
    %add3A_38 = arith.addi %mul3A_36, %add3A_37 : i32
    %run_scoped3A_39 = arith.constant 0 : i32
    "tpu.region"() ({
      %run_scoped3A_157 = tpu.sem_alloc : memref<!tpu.dma_semaphore, #tpu.memory_space<semaphore_mem>>
      %dma_start3A_158 = arith.constant 0 : i32
      %dma_start3A_159 = arith.constant 0 : i32
      %dma_start3A_160 = tpu.memref_slice %arg7[%run_scoped3A_39, %dma_start3A_158, %dma_start3A_159] : memref<2x80x128xf32, #tpu.memory_space<vmem>> -> memref<1x80x128xf32, #tpu.memory_space<vmem>>
      %dma_start3A_161 = tpu.memref_squeeze %dma_start3A_160 : memref<1x80x128xf32, #tpu.memory_space<vmem>> -> memref<80x128xf32, #tpu.memory_space<vmem>>
      %dma_start3A_162 = arith.constant 0 : i32
      %dma_start3A_163 = tpu.memref_slice %arg8[%add3A_38, %dma_start3A_162] : memref<10240x128xf32, #tpu.memory_space<vmem_shared>> -> memref<80x128xf32, #tpu.memory_space<vmem_shared>>
      %dma_start3A_164 = arith.constant 0 : i32
      %dma_start3A_165 = tpu.memref_slice %arg8[%add3A_38, %dma_start3A_164] : memref<10240x128xf32, #tpu.memory_space<vmem_shared>> -> memref<80x128xf32, #tpu.memory_space<vmem_shared>>
      %dma_start3A_166 = arith.constant 0 : i32
      %dma_start3A_167 = arith.constant 0 : i32
      %dma_start3A_168 = tpu.memref_slice %arg7[%run_scoped3A_39, %dma_start3A_166, %dma_start3A_167] : memref<2x80x128xf32, #tpu.memory_space<vmem>> -> memref<1x80x128xf32, #tpu.memory_space<vmem>>
      %dma_start3A_169 = tpu.memref_squeeze %dma_start3A_168 : memref<1x80x128xf32, #tpu.memory_space<vmem>> -> memref<80x128xf32, #tpu.memory_space<vmem>>
      tpu.enqueue_dma source(%dma_start3A_169 : memref<80x128xf32, #tpu.memory_space<vmem>>) target(%dma_start3A_165 : memref<80x128xf32, #tpu.memory_space<vmem_shared>>) target_semaphore(%run_scoped3A_157 : memref<!tpu.dma_semaphore, #tpu.memory_space<semaphore_mem>>)
      %dma_wait3A_170 = arith.constant 0 : i32
      %dma_wait3A_171 = arith.constant 0 : i32
      %dma_wait3A_172 = tpu.memref_slice %arg7[%run_scoped3A_39, %dma_wait3A_170, %dma_wait3A_171] : memref<2x80x128xf32, #tpu.memory_space<vmem>> -> memref<1x80x128xf32, #tpu.memory_space<vmem>>
      %dma_wait3A_173 = tpu.memref_squeeze %dma_wait3A_172 : memref<1x80x128xf32, #tpu.memory_space<vmem>> -> memref<80x128xf32, #tpu.memory_space<vmem>>
      %dma_wait3A_174 = arith.constant 0 : i32
      %dma_wait3A_175 = tpu.memref_slice %arg8[%add3A_38, %dma_wait3A_174] : memref<10240x128xf32, #tpu.memory_space<vmem_shared>> -> memref<80x128xf32, #tpu.memory_space<vmem_shared>>
      %dma_wait3A_176 = arith.constant 0 : i32
      %dma_wait3A_177 = tpu.memref_slice %arg8[%add3A_38, %dma_wait3A_176] : memref<10240x128xf32, #tpu.memory_space<vmem_shared>> -> memref<80x128xf32, #tpu.memory_space<vmem_shared>>
      %dma_wait3A_178 = arith.constant 0 : i32
      %dma_wait3A_179 = arith.constant 0 : i32
      %dma_wait3A_180 = tpu.memref_slice %arg7[%run_scoped3A_39, %dma_wait3A_178, %dma_wait3A_179] : memref<2x80x128xf32, #tpu.memory_space<vmem>> -> memref<1x80x128xf32, #tpu.memory_space<vmem>>
      %dma_wait3A_181 = tpu.memref_squeeze %dma_wait3A_180 : memref<1x80x128xf32, #tpu.memory_space<vmem>> -> memref<80x128xf32, #tpu.memory_space<vmem>>
      tpu.wait_dma2 semaphore(%run_scoped3A_157 : memref<!tpu.dma_semaphore, #tpu.memory_space<semaphore_mem>>) src(%dma_wait3A_181 : memref<80x128xf32, #tpu.memory_space<vmem>>) dst(%dma_wait3A_177 : memref<80x128xf32, #tpu.memory_space<vmem_shared>>)
      tpu.yield
    }) : () -> ()
    %mul3A_40 = arith.constant 640 : i32
    %mul3A_41 = arith.muli %arg1, %mul3A_40 : i32
    %add3A_42 = arith.constant 560 : i32
    %add3A_43 = arith.addi %mul3A_41, %add3A_42 : i32
    %run_scoped3A_44 = arith.constant 0 : i32
    "tpu.region"() ({
      %run_scoped3A_157 = tpu.sem_alloc : memref<!tpu.dma_semaphore, #tpu.memory_space<semaphore_mem>>
      %dma_start3A_158 = arith.constant 0 : i32
      %dma_start3A_159 = arith.constant 0 : i32
      %dma_start3A_160 = tpu.memref_slice %arg7[%run_scoped3A_44, %dma_start3A_158, %dma_start3A_159] : memref<2x80x128xf32, #tpu.memory_space<vmem>> -> memref<1x80x128xf32, #tpu.memory_space<vmem>>
      %dma_start3A_161 = tpu.memref_squeeze %dma_start3A_160 : memref<1x80x128xf32, #tpu.memory_space<vmem>> -> memref<80x128xf32, #tpu.memory_space<vmem>>
      %dma_start3A_162 = arith.constant 0 : i32
      %dma_start3A_163 = tpu.memref_slice %arg8[%add3A_43, %dma_start3A_162] : memref<10240x128xf32, #tpu.memory_space<vmem_shared>> -> memref<80x128xf32, #tpu.memory_space<vmem_shared>>
      %dma_start3A_164 = arith.constant 0 : i32
      %dma_start3A_165 = tpu.memref_slice %arg8[%add3A_43, %dma_start3A_164] : memref<10240x128xf32, #tpu.memory_space<vmem_shared>> -> memref<80x128xf32, #tpu.memory_space<vmem_shared>>
      %dma_start3A_166 = arith.constant 0 : i32
      %dma_start3A_167 = arith.constant 0 : i32
      %dma_start3A_168 = tpu.memref_slice %arg7[%run_scoped3A_44, %dma_start3A_166, %dma_start3A_167] : memref<2x80x128xf32, #tpu.memory_space<vmem>> -> memref<1x80x128xf32, #tpu.memory_space<vmem>>
      %dma_start3A_169 = tpu.memref_squeeze %dma_start3A_168 : memref<1x80x128xf32, #tpu.memory_space<vmem>> -> memref<80x128xf32, #tpu.memory_space<vmem>>
      tpu.enqueue_dma source(%dma_start3A_169 : memref<80x128xf32, #tpu.memory_space<vmem>>) target(%dma_start3A_165 : memref<80x128xf32, #tpu.memory_space<vmem_shared>>) target_semaphore(%run_scoped3A_157 : memref<!tpu.dma_semaphore, #tpu.memory_space<semaphore_mem>>)
      %dma_wait3A_170 = arith.constant 0 : i32
      %dma_wait3A_171 = arith.constant 0 : i32
      %dma_wait3A_172 = tpu.memref_slice %arg7[%run_scoped3A_44, %dma_wait3A_170, %dma_wait3A_171] : memref<2x80x128xf32, #tpu.memory_space<vmem>> -> memref<1x80x128xf32, #tpu.memory_space<vmem>>
      %dma_wait3A_173 = tpu.memref_squeeze %dma_wait3A_172 : memref<1x80x128xf32, #tpu.memory_space<vmem>> -> memref<80x128xf32, #tpu.memory_space<vmem>>
      %dma_wait3A_174 = arith.constant 0 : i32
      %dma_wait3A_175 = tpu.memref_slice %arg8[%add3A_43, %dma_wait3A_174] : memref<10240x128xf32, #tpu.memory_space<vmem_shared>> -> memref<80x128xf32, #tpu.memory_space<vmem_shared>>
      %dma_wait3A_176 = arith.constant 0 : i32
      %dma_wait3A_177 = tpu.memref_slice %arg8[%add3A_43, %dma_wait3A_176] : memref<10240x128xf32, #tpu.memory_space<vmem_shared>> -> memref<80x128xf32, #tpu.memory_space<vmem_shared>>
      %dma_wait3A_178 = arith.constant 0 : i32
      %dma_wait3A_179 = arith.constant 0 : i32
      %dma_wait3A_180 = tpu.memref_slice %arg7[%run_scoped3A_44, %dma_wait3A_178, %dma_wait3A_179] : memref<2x80x128xf32, #tpu.memory_space<vmem>> -> memref<1x80x128xf32, #tpu.memory_space<vmem>>
      %dma_wait3A_181 = tpu.memref_squeeze %dma_wait3A_180 : memref<1x80x128xf32, #tpu.memory_space<vmem>> -> memref<80x128xf32, #tpu.memory_space<vmem>>
      tpu.wait_dma2 semaphore(%run_scoped3A_157 : memref<!tpu.dma_semaphore, #tpu.memory_space<semaphore_mem>>) src(%dma_wait3A_181 : memref<80x128xf32, #tpu.memory_space<vmem>>) dst(%dma_wait3A_177 : memref<80x128xf32, #tpu.memory_space<vmem_shared>>)
      tpu.yield
    }) : () -> ()
    %barrier3A = arith.constant 0 : index
    tpu.barrier barrier_id(%barrier3A)
    %dma_start3A = arith.constant 0 : i32
    %dma_start3A_45 = arith.constant 0 : i32
    %dma_start3A_46 = arith.constant 0 : i32
    %dma_start3A_47 = arith.constant 0 : i32
    %dma_start3A_48 = tpu.memref_slice %arg6[%dma_start3A_45, %dma_start3A_46, %dma_start3A_47] : memref<3x2x80xi32, #tpu.memory_space<vmem>> -> memref<1x1x80xi32, #tpu.memory_space<vmem>>
    %dma_start3A_49 = tpu.memref_squeeze %dma_start3A_48 : memref<1x1x80xi32, #tpu.memory_space<vmem>> -> memref<80xi32, #tpu.memory_space<vmem>>
    %dma_start3A_50 = arith.constant 0 : i32
    %dma_start3A_51 = tpu.memref_slice %arg3[%add3A, %dma_start3A, %dma_start3A_50] : memref<32x125x80xi32, #tpu.memory_space<hbm>> -> memref<1x1x80xi32, #tpu.memory_space<hbm>>
    %dma_start3A_52 = tpu.memref_squeeze %dma_start3A_51 : memref<1x1x80xi32, #tpu.memory_space<hbm>> -> memref<80xi32, #tpu.memory_space<hbm>>
    %dma_start3A_53 = arith.constant 0 : i32
    %dma_start3A_54 = tpu.memref_slice %arg6[%dma_start3A_45, %dma_start3A_46, %dma_start3A_53] : memref<3x2x80xi32, #tpu.memory_space<vmem>> -> memref<1x1x80xi32, #tpu.memory_space<vmem>>
    %dma_start3A_55 = tpu.memref_squeeze %dma_start3A_54 : memref<1x1x80xi32, #tpu.memory_space<vmem>> -> memref<80xi32, #tpu.memory_space<vmem>>
    %dma_start3A_56 = arith.constant 0 : i32
    %dma_start3A_57 = tpu.memref_slice %arg3[%add3A, %dma_start3A, %dma_start3A_56] : memref<32x125x80xi32, #tpu.memory_space<hbm>> -> memref<1x1x80xi32, #tpu.memory_space<hbm>>
    %dma_start3A_58 = tpu.memref_squeeze %dma_start3A_57 : memref<1x1x80xi32, #tpu.memory_space<hbm>> -> memref<80xi32, #tpu.memory_space<hbm>>
    tpu.enqueue_dma source(%dma_start3A_58 : memref<80xi32, #tpu.memory_space<hbm>>) target(%dma_start3A_55 : memref<80xi32, #tpu.memory_space<vmem>>) target_semaphore(%arg11 : memref<!tpu.dma_semaphore, #tpu.memory_space<semaphore_mem>>)
    %dma_start3A_59 = arith.constant 0 : i32
    %dma_start3A_60 = arith.constant 0 : i32
    %dma_start3A_61 = arith.constant 1 : i32
    %dma_start3A_62 = arith.constant 0 : i32
    %dma_start3A_63 = tpu.memref_slice %arg6[%dma_start3A_60, %dma_start3A_61, %dma_start3A_62] : memref<3x2x80xi32, #tpu.memory_space<vmem>> -> memref<1x1x80xi32, #tpu.memory_space<vmem>>
    %dma_start3A_64 = tpu.memref_squeeze %dma_start3A_63 : memref<1x1x80xi32, #tpu.memory_space<vmem>> -> memref<80xi32, #tpu.memory_space<vmem>>
    %dma_start3A_65 = arith.constant 0 : i32
    %dma_start3A_66 = tpu.memref_slice %arg4[%add3A, %dma_start3A_59, %dma_start3A_65] : memref<32x125x80xi32, #tpu.memory_space<hbm>> -> memref<1x1x80xi32, #tpu.memory_space<hbm>>
    %dma_start3A_67 = tpu.memref_squeeze %dma_start3A_66 : memref<1x1x80xi32, #tpu.memory_space<hbm>> -> memref<80xi32, #tpu.memory_space<hbm>>
    %dma_start3A_68 = arith.constant 0 : i32
    %dma_start3A_69 = tpu.memref_slice %arg6[%dma_start3A_60, %dma_start3A_61, %dma_start3A_68] : memref<3x2x80xi32, #tpu.memory_space<vmem>> -> memref<1x1x80xi32, #tpu.memory_space<vmem>>
    %dma_start3A_70 = tpu.memref_squeeze %dma_start3A_69 : memref<1x1x80xi32, #tpu.memory_space<vmem>> -> memref<80xi32, #tpu.memory_space<vmem>>
    %dma_start3A_71 = arith.constant 0 : i32
    %dma_start3A_72 = tpu.memref_slice %arg4[%add3A, %dma_start3A_59, %dma_start3A_71] : memref<32x125x80xi32, #tpu.memory_space<hbm>> -> memref<1x1x80xi32, #tpu.memory_space<hbm>>
    %dma_start3A_73 = tpu.memref_squeeze %dma_start3A_72 : memref<1x1x80xi32, #tpu.memory_space<hbm>> -> memref<80xi32, #tpu.memory_space<hbm>>
    tpu.enqueue_dma source(%dma_start3A_73 : memref<80xi32, #tpu.memory_space<hbm>>) target(%dma_start3A_70 : memref<80xi32, #tpu.memory_space<vmem>>) target_semaphore(%arg11 : memref<!tpu.dma_semaphore, #tpu.memory_space<semaphore_mem>>)
    %dma_start3A_74 = arith.constant 1 : i32
    %dma_start3A_75 = arith.constant 1 : i32
    %dma_start3A_76 = arith.constant 0 : i32
    %dma_start3A_77 = arith.constant 0 : i32
    %dma_start3A_78 = tpu.memref_slice %arg6[%dma_start3A_75, %dma_start3A_76, %dma_start3A_77] : memref<3x2x80xi32, #tpu.memory_space<vmem>> -> memref<1x1x80xi32, #tpu.memory_space<vmem>>
    %dma_start3A_79 = tpu.memref_squeeze %dma_start3A_78 : memref<1x1x80xi32, #tpu.memory_space<vmem>> -> memref<80xi32, #tpu.memory_space<vmem>>
    %dma_start3A_80 = arith.constant 0 : i32
    %dma_start3A_81 = tpu.memref_slice %arg3[%add3A, %dma_start3A_74, %dma_start3A_80] : memref<32x125x80xi32, #tpu.memory_space<hbm>> -> memref<1x1x80xi32, #tpu.memory_space<hbm>>
    %dma_start3A_82 = tpu.memref_squeeze %dma_start3A_81 : memref<1x1x80xi32, #tpu.memory_space<hbm>> -> memref<80xi32, #tpu.memory_space<hbm>>
    %dma_start3A_83 = arith.constant 0 : i32
    %dma_start3A_84 = tpu.memref_slice %arg6[%dma_start3A_75, %dma_start3A_76, %dma_start3A_83] : memref<3x2x80xi32, #tpu.memory_space<vmem>> -> memref<1x1x80xi32, #tpu.memory_space<vmem>>
    %dma_start3A_85 = tpu.memref_squeeze %dma_start3A_84 : memref<1x1x80xi32, #tpu.memory_space<vmem>> -> memref<80xi32, #tpu.memory_space<vmem>>
    %dma_start3A_86 = arith.constant 0 : i32
    %dma_start3A_87 = tpu.memref_slice %arg3[%add3A, %dma_start3A_74, %dma_start3A_86] : memref<32x125x80xi32, #tpu.memory_space<hbm>> -> memref<1x1x80xi32, #tpu.memory_space<hbm>>
    %dma_start3A_88 = tpu.memref_squeeze %dma_start3A_87 : memref<1x1x80xi32, #tpu.memory_space<hbm>> -> memref<80xi32, #tpu.memory_space<hbm>>
    tpu.enqueue_dma source(%dma_start3A_88 : memref<80xi32, #tpu.memory_space<hbm>>) target(%dma_start3A_85 : memref<80xi32, #tpu.memory_space<vmem>>) target_semaphore(%arg12 : memref<!tpu.dma_semaphore, #tpu.memory_space<semaphore_mem>>)
    %dma_start3A_89 = arith.constant 1 : i32
    %dma_start3A_90 = arith.constant 1 : i32
    %dma_start3A_91 = arith.constant 1 : i32
    %dma_start3A_92 = arith.constant 0 : i32
    %dma_start3A_93 = tpu.memref_slice %arg6[%dma_start3A_90, %dma_start3A_91, %dma_start3A_92] : memref<3x2x80xi32, #tpu.memory_space<vmem>> -> memref<1x1x80xi32, #tpu.memory_space<vmem>>
    %dma_start3A_94 = tpu.memref_squeeze %dma_start3A_93 : memref<1x1x80xi32, #tpu.memory_space<vmem>> -> memref<80xi32, #tpu.memory_space<vmem>>
    %dma_start3A_95 = arith.constant 0 : i32
    %dma_start3A_96 = tpu.memref_slice %arg4[%add3A, %dma_start3A_89, %dma_start3A_95] : memref<32x125x80xi32, #tpu.memory_space<hbm>> -> memref<1x1x80xi32, #tpu.memory_space<hbm>>
    %dma_start3A_97 = tpu.memref_squeeze %dma_start3A_96 : memref<1x1x80xi32, #tpu.memory_space<hbm>> -> memref<80xi32, #tpu.memory_space<hbm>>
    %dma_start3A_98 = arith.constant 0 : i32
    %dma_start3A_99 = tpu.memref_slice %arg6[%dma_start3A_90, %dma_start3A_91, %dma_start3A_98] : memref<3x2x80xi32, #tpu.memory_space<vmem>> -> memref<1x1x80xi32, #tpu.memory_space<vmem>>
    %dma_start3A_100 = tpu.memref_squeeze %dma_start3A_99 : memref<1x1x80xi32, #tpu.memory_space<vmem>> -> memref<80xi32, #tpu.memory_space<vmem>>
    %dma_start3A_101 = arith.constant 0 : i32
    %dma_start3A_102 = tpu.memref_slice %arg4[%add3A, %dma_start3A_89, %dma_start3A_101] : memref<32x125x80xi32, #tpu.memory_space<hbm>> -> memref<1x1x80xi32, #tpu.memory_space<hbm>>
    %dma_start3A_103 = tpu.memref_squeeze %dma_start3A_102 : memref<1x1x80xi32, #tpu.memory_space<hbm>> -> memref<80xi32, #tpu.memory_space<hbm>>
    tpu.enqueue_dma source(%dma_start3A_103 : memref<80xi32, #tpu.memory_space<hbm>>) target(%dma_start3A_100 : memref<80xi32, #tpu.memory_space<vmem>>) target_semaphore(%arg12 : memref<!tpu.dma_semaphore, #tpu.memory_space<semaphore_mem>>)
    %dma_wait3A = arith.constant 0 : i32
    %dma_wait3A_104 = arith.constant 0 : i32
    %dma_wait3A_105 = arith.constant 0 : i32
    %dma_wait3A_106 = arith.constant 0 : i32
    %dma_wait3A_107 = tpu.memref_slice %arg6[%dma_wait3A_104, %dma_wait3A_105, %dma_wait3A_106] : memref<3x2x80xi32, #tpu.memory_space<vmem>> -> memref<1x1x80xi32, #tpu.memory_space<vmem>>
    %dma_wait3A_108 = tpu.memref_squeeze %dma_wait3A_107 : memref<1x1x80xi32, #tpu.memory_space<vmem>> -> memref<80xi32, #tpu.memory_space<vmem>>
    %dma_wait3A_109 = arith.constant 0 : i32
    %dma_wait3A_110 = tpu.memref_slice %arg3[%add3A, %dma_wait3A, %dma_wait3A_109] : memref<32x125x80xi32, #tpu.memory_space<hbm>> -> memref<1x1x80xi32, #tpu.memory_space<hbm>>
    %dma_wait3A_111 = tpu.memref_squeeze %dma_wait3A_110 : memref<1x1x80xi32, #tpu.memory_space<hbm>> -> memref<80xi32, #tpu.memory_space<hbm>>
    %dma_wait3A_112 = arith.constant 0 : i32
    %dma_wait3A_113 = tpu.memref_slice %arg6[%dma_wait3A_104, %dma_wait3A_105, %dma_wait3A_112] : memref<3x2x80xi32, #tpu.memory_space<vmem>> -> memref<1x1x80xi32, #tpu.memory_space<vmem>>
    %dma_wait3A_114 = tpu.memref_squeeze %dma_wait3A_113 : memref<1x1x80xi32, #tpu.memory_space<vmem>> -> memref<80xi32, #tpu.memory_space<vmem>>
    %dma_wait3A_115 = arith.constant 0 : i32
    %dma_wait3A_116 = tpu.memref_slice %arg3[%add3A, %dma_wait3A, %dma_wait3A_115] : memref<32x125x80xi32, #tpu.memory_space<hbm>> -> memref<1x1x80xi32, #tpu.memory_space<hbm>>
    %dma_wait3A_117 = tpu.memref_squeeze %dma_wait3A_116 : memref<1x1x80xi32, #tpu.memory_space<hbm>> -> memref<80xi32, #tpu.memory_space<hbm>>
    tpu.wait_dma2 semaphore(%arg11 : memref<!tpu.dma_semaphore, #tpu.memory_space<semaphore_mem>>) src(%dma_wait3A_117 : memref<80xi32, #tpu.memory_space<hbm>>) dst(%dma_wait3A_114 : memref<80xi32, #tpu.memory_space<vmem>>)
    %dma_wait3A_118 = arith.constant 0 : i32
    %dma_wait3A_119 = arith.constant 0 : i32
    %dma_wait3A_120 = arith.constant 1 : i32
    %dma_wait3A_121 = arith.constant 0 : i32
    %dma_wait3A_122 = tpu.memref_slice %arg6[%dma_wait3A_119, %dma_wait3A_120, %dma_wait3A_121] : memref<3x2x80xi32, #tpu.memory_space<vmem>> -> memref<1x1x80xi32, #tpu.memory_space<vmem>>
    %dma_wait3A_123 = tpu.memref_squeeze %dma_wait3A_122 : memref<1x1x80xi32, #tpu.memory_space<vmem>> -> memref<80xi32, #tpu.memory_space<vmem>>
    %dma_wait3A_124 = arith.constant 0 : i32
    %dma_wait3A_125 = tpu.memref_slice %arg4[%add3A, %dma_wait3A_118, %dma_wait3A_124] : memref<32x125x80xi32, #tpu.memory_space<hbm>> -> memref<1x1x80xi32, #tpu.memory_space<hbm>>
    %dma_wait3A_126 = tpu.memref_squeeze %dma_wait3A_125 : memref<1x1x80xi32, #tpu.memory_space<hbm>> -> memref<80xi32, #tpu.memory_space<hbm>>
    %dma_wait3A_127 = arith.constant 0 : i32
    %dma_wait3A_128 = tpu.memref_slice %arg6[%dma_wait3A_119, %dma_wait3A_120, %dma_wait3A_127] : memref<3x2x80xi32, #tpu.memory_space<vmem>> -> memref<1x1x80xi32, #tpu.memory_space<vmem>>
    %dma_wait3A_129 = tpu.memref_squeeze %dma_wait3A_128 : memref<1x1x80xi32, #tpu.memory_space<vmem>> -> memref<80xi32, #tpu.memory_space<vmem>>
    %dma_wait3A_130 = arith.constant 0 : i32
    %dma_wait3A_131 = tpu.memref_slice %arg4[%add3A, %dma_wait3A_118, %dma_wait3A_130] : memref<32x125x80xi32, #tpu.memory_space<hbm>> -> memref<1x1x80xi32, #tpu.memory_space<hbm>>
    %dma_wait3A_132 = tpu.memref_squeeze %dma_wait3A_131 : memref<1x1x80xi32, #tpu.memory_space<hbm>> -> memref<80xi32, #tpu.memory_space<hbm>>
    tpu.wait_dma2 semaphore(%arg11 : memref<!tpu.dma_semaphore, #tpu.memory_space<semaphore_mem>>) src(%dma_wait3A_132 : memref<80xi32, #tpu.memory_space<hbm>>) dst(%dma_wait3A_129 : memref<80xi32, #tpu.memory_space<vmem>>)
    %dma_start3A_133 = arith.constant 0 : i32
    %dma_start3A_134 = arith.constant 0 : i32
    %dma_start3A_135 = arith.constant 0 : i32
    %dma_start3A_136 = arith.constant 0 : i32
    %dma_start3A_137 = arith.constant 0 : i32
    %dma_start3A_138 = tpu.memref_slice %arg7[%dma_start3A_135, %dma_start3A_136, %dma_start3A_137] : memref<2x80x128xf32, #tpu.memory_space<vmem>> -> memref<1x80x128xf32, #tpu.memory_space<vmem>>
    %dma_start3A_139 = tpu.memref_squeeze %dma_start3A_138 : memref<1x80x128xf32, #tpu.memory_space<vmem>> -> memref<80x128xf32, #tpu.memory_space<vmem>>
    %dma_start3A_140 = arith.constant 0 : i32
    %dma_start3A_141 = tpu.memref_slice %arg6[%dma_start3A_133, %dma_start3A_134, %dma_start3A_140] : memref<3x2x80xi32, #tpu.memory_space<vmem>> -> memref<1x1x80xi32, #tpu.memory_space<vmem>>
    %dma_start3A_142 = tpu.memref_squeeze %dma_start3A_141 : memref<1x1x80xi32, #tpu.memory_space<vmem>> -> memref<80xi32, #tpu.memory_space<vmem>>
    %dma_start3A_143 = arith.constant 0 : i32
    %dma_start3A_144 = arith.constant 0 : i32
    %dma_start3A_145 = tpu.memref_slice %arg2[%dma_start3A_143, %dma_start3A_144] : memref<10000x128xf32, #tpu.memory_space<hbm>> -> memref<10000x128xf32, #tpu.memory_space<hbm>>
    tpu.enqueue_indirect_dma source(%dma_start3A_145 : memref<10000x128xf32, #tpu.memory_space<hbm>>) target(%dma_start3A_139 : memref<80x128xf32, #tpu.memory_space<vmem>>) offsets(%dma_start3A_142 : memref<80xi32, #tpu.memory_space<vmem>>) semaphore(%arg9 : memref<!tpu.dma_semaphore, #tpu.memory_space<semaphore_mem>>)
    %scan3A_146 = arith.constant 0 : i32
    %scan3A_147 = arith.constant 0 : i32
    %scan3A_148 = arith.constant 125 : i32
    %scan3A_149 = arith.addi %scan3A_147, %scan3A_148 : i32
    %scan3A_150 = arith.constant 1 : i32
    scf.for %scan3A_157 = %scan3A_147 to %scan3A_149 step %scan3A_150  : i32 {
      %rem3A = arith.constant 2 : i32
      %rem3A_158 = arith.remsi %scan3A_157, %rem3A : i32
      %rem3A_159 = arith.constant 3 : i32
      %rem3A_160 = arith.remsi %scan3A_157, %rem3A_159 : i32
      %add3A_161 = arith.constant 1 : i32
      %add3A_162 = arith.addi %scan3A_157, %add3A_161 : i32
      %rem3A_163 = arith.constant 3 : i32
      %rem3A_164 = arith.remsi %add3A_162, %rem3A_163 : i32
      %add3A_165 = arith.constant 2 : i32
      %add3A_166 = arith.addi %scan3A_157, %add3A_165 : i32
      %rem3A_167 = arith.constant 3 : i32
      %rem3A_168 = arith.remsi %add3A_166, %rem3A_167 : i32
      %dma_wait3A_169 = arith.constant 0 : i32
      %dma_wait3A_170 = arith.constant 0 : i32
      %dma_wait3A_171 = arith.constant 0 : i32
      %dma_wait3A_172 = tpu.memref_slice %arg7[%rem3A_158, %dma_wait3A_170, %dma_wait3A_171] : memref<2x80x128xf32, #tpu.memory_space<vmem>> -> memref<1x80x128xf32, #tpu.memory_space<vmem>>
      %dma_wait3A_173 = tpu.memref_squeeze %dma_wait3A_172 : memref<1x80x128xf32, #tpu.memory_space<vmem>> -> memref<80x128xf32, #tpu.memory_space<vmem>>
      %dma_wait3A_174 = arith.constant 0 : i32
      %dma_wait3A_175 = tpu.memref_slice %arg6[%rem3A_160, %dma_wait3A_169, %dma_wait3A_174] : memref<3x2x80xi32, #tpu.memory_space<vmem>> -> memref<1x1x80xi32, #tpu.memory_space<vmem>>
      %dma_wait3A_176 = tpu.memref_squeeze %dma_wait3A_175 : memref<1x1x80xi32, #tpu.memory_space<vmem>> -> memref<80xi32, #tpu.memory_space<vmem>>
      %dma_wait3A_177 = arith.constant 0 : i32
      %dma_wait3A_178 = arith.constant 0 : i32
      %dma_wait3A_179 = tpu.memref_slice %arg2[%dma_wait3A_177, %dma_wait3A_178] : memref<10000x128xf32, #tpu.memory_space<hbm>> -> memref<10000x128xf32, #tpu.memory_space<hbm>>
      tpu.wait_indirect_dma semaphore(%arg9 : memref<!tpu.dma_semaphore, #tpu.memory_space<semaphore_mem>>) src(%dma_wait3A_179 : memref<10000x128xf32, #tpu.memory_space<hbm>>) dst(%dma_wait3A_173 : memref<80x128xf32, #tpu.memory_space<vmem>>)
      %add3A_180 = arith.constant 2 : i32
      %add3A_181 = arith.addi %scan3A_157, %add3A_180 : i32
      %lt3A = arith.constant 125 : i32
      %lt3A_182 = arith.cmpi slt, %add3A_181, %lt3A : i32
      %eq3A = arith.constant 0 : i32
      %eq3A_183 = arith.cmpi eq, %rem3A_158, %eq3A : i32
      %and3A = arith.andi %lt3A_182, %eq3A_183 : i1
      %convert_element_type3A = arith.extui %and3A : i1 to i32
      %cond3A = arith.constant 0 : i32
      %cond3A_184 = arith.cmpi ne, %convert_element_type3A, %cond3A : i32
      scf.if %cond3A_184 {
        %add3A_215 = arith.constant 2 : i32
        %add3A_216 = arith.addi %scan3A_157, %add3A_215 : i32
        %dma_start3A_217 = arith.constant 0 : i32
        %dma_start3A_218 = arith.constant 0 : i32
        %dma_start3A_219 = tpu.memref_slice %arg6[%rem3A_168, %dma_start3A_217, %dma_start3A_218] : memref<3x2x80xi32, #tpu.memory_space<vmem>> -> memref<1x1x80xi32, #tpu.memory_space<vmem>>
        %dma_start3A_220 = tpu.memref_squeeze %dma_start3A_219 : memref<1x1x80xi32, #tpu.memory_space<vmem>> -> memref<80xi32, #tpu.memory_space<vmem>>
        %dma_start3A_221 = arith.constant 0 : i32
        %dma_start3A_222 = tpu.memref_slice %arg3[%add3A, %add3A_216, %dma_start3A_221] : memref<32x125x80xi32, #tpu.memory_space<hbm>> -> memref<1x1x80xi32, #tpu.memory_space<hbm>>
        %dma_start3A_223 = tpu.memref_squeeze %dma_start3A_222 : memref<1x1x80xi32, #tpu.memory_space<hbm>> -> memref<80xi32, #tpu.memory_space<hbm>>
        %dma_start3A_224 = arith.constant 0 : i32
        %dma_start3A_225 = tpu.memref_slice %arg6[%rem3A_168, %dma_start3A_217, %dma_start3A_224] : memref<3x2x80xi32, #tpu.memory_space<vmem>> -> memref<1x1x80xi32, #tpu.memory_space<vmem>>
        %dma_start3A_226 = tpu.memref_squeeze %dma_start3A_225 : memref<1x1x80xi32, #tpu.memory_space<vmem>> -> memref<80xi32, #tpu.memory_space<vmem>>
        %dma_start3A_227 = arith.constant 0 : i32
        %dma_start3A_228 = tpu.memref_slice %arg3[%add3A, %add3A_216, %dma_start3A_227] : memref<32x125x80xi32, #tpu.memory_space<hbm>> -> memref<1x1x80xi32, #tpu.memory_space<hbm>>
        %dma_start3A_229 = tpu.memref_squeeze %dma_start3A_228 : memref<1x1x80xi32, #tpu.memory_space<hbm>> -> memref<80xi32, #tpu.memory_space<hbm>>
        tpu.enqueue_dma source(%dma_start3A_229 : memref<80xi32, #tpu.memory_space<hbm>>) target(%dma_start3A_226 : memref<80xi32, #tpu.memory_space<vmem>>) target_semaphore(%arg11 : memref<!tpu.dma_semaphore, #tpu.memory_space<semaphore_mem>>)
        %dma_start3A_230 = arith.constant 1 : i32
        %dma_start3A_231 = arith.constant 0 : i32
        %dma_start3A_232 = tpu.memref_slice %arg6[%rem3A_168, %dma_start3A_230, %dma_start3A_231] : memref<3x2x80xi32, #tpu.memory_space<vmem>> -> memref<1x1x80xi32, #tpu.memory_space<vmem>>
        %dma_start3A_233 = tpu.memref_squeeze %dma_start3A_232 : memref<1x1x80xi32, #tpu.memory_space<vmem>> -> memref<80xi32, #tpu.memory_space<vmem>>
        %dma_start3A_234 = arith.constant 0 : i32
        %dma_start3A_235 = tpu.memref_slice %arg4[%add3A, %add3A_216, %dma_start3A_234] : memref<32x125x80xi32, #tpu.memory_space<hbm>> -> memref<1x1x80xi32, #tpu.memory_space<hbm>>
        %dma_start3A_236 = tpu.memref_squeeze %dma_start3A_235 : memref<1x1x80xi32, #tpu.memory_space<hbm>> -> memref<80xi32, #tpu.memory_space<hbm>>
        %dma_start3A_237 = arith.constant 0 : i32
        %dma_start3A_238 = tpu.memref_slice %arg6[%rem3A_168, %dma_start3A_230, %dma_start3A_237] : memref<3x2x80xi32, #tpu.memory_space<vmem>> -> memref<1x1x80xi32, #tpu.memory_space<vmem>>
        %dma_start3A_239 = tpu.memref_squeeze %dma_start3A_238 : memref<1x1x80xi32, #tpu.memory_space<vmem>> -> memref<80xi32, #tpu.memory_space<vmem>>
        %dma_start3A_240 = arith.constant 0 : i32
        %dma_start3A_241 = tpu.memref_slice %arg4[%add3A, %add3A_216, %dma_start3A_240] : memref<32x125x80xi32, #tpu.memory_space<hbm>> -> memref<1x1x80xi32, #tpu.memory_space<hbm>>
        %dma_start3A_242 = tpu.memref_squeeze %dma_start3A_241 : memref<1x1x80xi32, #tpu.memory_space<hbm>> -> memref<80xi32, #tpu.memory_space<hbm>>
        tpu.enqueue_dma source(%dma_start3A_242 : memref<80xi32, #tpu.memory_space<hbm>>) target(%dma_start3A_239 : memref<80xi32, #tpu.memory_space<vmem>>) target_semaphore(%arg11 : memref<!tpu.dma_semaphore, #tpu.memory_space<semaphore_mem>>)
      } else {
      }
      %add3A_185 = arith.constant 2 : i32
      %add3A_186 = arith.addi %scan3A_157, %add3A_185 : i32
      %lt3A_187 = arith.constant 125 : i32
      %lt3A_188 = arith.cmpi slt, %add3A_186, %lt3A_187 : i32
      %eq3A_189 = arith.constant 1 : i32
      %eq3A_190 = arith.cmpi eq, %rem3A_158, %eq3A_189 : i32
      %and3A_191 = arith.andi %lt3A_188, %eq3A_190 : i1
      %convert_element_type3A_192 = arith.extui %and3A_191 : i1 to i32
      %cond3A_193 = arith.constant 0 : i32
      %cond3A_194 = arith.cmpi ne, %convert_element_type3A_192, %cond3A_193 : i32
      scf.if %cond3A_194 {
        %add3A_215 = arith.constant 2 : i32
        %add3A_216 = arith.addi %scan3A_157, %add3A_215 : i32
        %dma_start3A_217 = arith.constant 0 : i32
        %dma_start3A_218 = arith.constant 0 : i32
        %dma_start3A_219 = tpu.memref_slice %arg6[%rem3A_168, %dma_start3A_217, %dma_start3A_218] : memref<3x2x80xi32, #tpu.memory_space<vmem>> -> memref<1x1x80xi32, #tpu.memory_space<vmem>>
        %dma_start3A_220 = tpu.memref_squeeze %dma_start3A_219 : memref<1x1x80xi32, #tpu.memory_space<vmem>> -> memref<80xi32, #tpu.memory_space<vmem>>
        %dma_start3A_221 = arith.constant 0 : i32
        %dma_start3A_222 = tpu.memref_slice %arg3[%add3A, %add3A_216, %dma_start3A_221] : memref<32x125x80xi32, #tpu.memory_space<hbm>> -> memref<1x1x80xi32, #tpu.memory_space<hbm>>
        %dma_start3A_223 = tpu.memref_squeeze %dma_start3A_222 : memref<1x1x80xi32, #tpu.memory_space<hbm>> -> memref<80xi32, #tpu.memory_space<hbm>>
        %dma_start3A_224 = arith.constant 0 : i32
        %dma_start3A_225 = tpu.memref_slice %arg6[%rem3A_168, %dma_start3A_217, %dma_start3A_224] : memref<3x2x80xi32, #tpu.memory_space<vmem>> -> memref<1x1x80xi32, #tpu.memory_space<vmem>>
        %dma_start3A_226 = tpu.memref_squeeze %dma_start3A_225 : memref<1x1x80xi32, #tpu.memory_space<vmem>> -> memref<80xi32, #tpu.memory_space<vmem>>
        %dma_start3A_227 = arith.constant 0 : i32
        %dma_start3A_228 = tpu.memref_slice %arg3[%add3A, %add3A_216, %dma_start3A_227] : memref<32x125x80xi32, #tpu.memory_space<hbm>> -> memref<1x1x80xi32, #tpu.memory_space<hbm>>
        %dma_start3A_229 = tpu.memref_squeeze %dma_start3A_228 : memref<1x1x80xi32, #tpu.memory_space<hbm>> -> memref<80xi32, #tpu.memory_space<hbm>>
        tpu.enqueue_dma source(%dma_start3A_229 : memref<80xi32, #tpu.memory_space<hbm>>) target(%dma_start3A_226 : memref<80xi32, #tpu.memory_space<vmem>>) target_semaphore(%arg12 : memref<!tpu.dma_semaphore, #tpu.memory_space<semaphore_mem>>)
        %dma_start3A_230 = arith.constant 1 : i32
        %dma_start3A_231 = arith.constant 0 : i32
        %dma_start3A_232 = tpu.memref_slice %arg6[%rem3A_168, %dma_start3A_230, %dma_start3A_231] : memref<3x2x80xi32, #tpu.memory_space<vmem>> -> memref<1x1x80xi32, #tpu.memory_space<vmem>>
        %dma_start3A_233 = tpu.memref_squeeze %dma_start3A_232 : memref<1x1x80xi32, #tpu.memory_space<vmem>> -> memref<80xi32, #tpu.memory_space<vmem>>
        %dma_start3A_234 = arith.constant 0 : i32
        %dma_start3A_235 = tpu.memref_slice %arg4[%add3A, %add3A_216, %dma_start3A_234] : memref<32x125x80xi32, #tpu.memory_space<hbm>> -> memref<1x1x80xi32, #tpu.memory_space<hbm>>
        %dma_start3A_236 = tpu.memref_squeeze %dma_start3A_235 : memref<1x1x80xi32, #tpu.memory_space<hbm>> -> memref<80xi32, #tpu.memory_space<hbm>>
        %dma_start3A_237 = arith.constant 0 : i32
        %dma_start3A_238 = tpu.memref_slice %arg6[%rem3A_168, %dma_start3A_230, %dma_start3A_237] : memref<3x2x80xi32, #tpu.memory_space<vmem>> -> memref<1x1x80xi32, #tpu.memory_space<vmem>>
        %dma_start3A_239 = tpu.memref_squeeze %dma_start3A_238 : memref<1x1x80xi32, #tpu.memory_space<vmem>> -> memref<80xi32, #tpu.memory_space<vmem>>
        %dma_start3A_240 = arith.constant 0 : i32
        %dma_start3A_241 = tpu.memref_slice %arg4[%add3A, %add3A_216, %dma_start3A_240] : memref<32x125x80xi32, #tpu.memory_space<hbm>> -> memref<1x1x80xi32, #tpu.memory_space<hbm>>
        %dma_start3A_242 = tpu.memref_squeeze %dma_start3A_241 : memref<1x1x80xi32, #tpu.memory_space<hbm>> -> memref<80xi32, #tpu.memory_space<hbm>>
        tpu.enqueue_dma source(%dma_start3A_242 : memref<80xi32, #tpu.memory_space<hbm>>) target(%dma_start3A_239 : memref<80xi32, #tpu.memory_space<vmem>>) target_semaphore(%arg12 : memref<!tpu.dma_semaphore, #tpu.memory_space<semaphore_mem>>)
      } else {
      }
      %add3A_195 = arith.constant 1 : i32
      %add3A_196 = arith.addi %scan3A_157, %add3A_195 : i32
      %lt3A_197 = arith.constant 125 : i32
      %lt3A_198 = arith.cmpi slt, %add3A_196, %lt3A_197 : i32
      %eq3A_199 = arith.constant 0 : i32
      %eq3A_200 = arith.cmpi eq, %rem3A_158, %eq3A_199 : i32
      %and3A_201 = arith.andi %lt3A_198, %eq3A_200 : i1
      %convert_element_type3A_202 = arith.extui %and3A_201 : i1 to i32
      %cond3A_203 = arith.constant 0 : i32
      %cond3A_204 = arith.cmpi ne, %convert_element_type3A_202, %cond3A_203 : i32
      scf.if %cond3A_204 {
        %add3A_215 = arith.constant 1 : i32
        %add3A_216 = arith.addi %scan3A_157, %add3A_215 : i32
        %dma_wait3A_217 = arith.constant 0 : i32
        %dma_wait3A_218 = arith.constant 0 : i32
        %dma_wait3A_219 = tpu.memref_slice %arg6[%rem3A_164, %dma_wait3A_217, %dma_wait3A_218] : memref<3x2x80xi32, #tpu.memory_space<vmem>> -> memref<1x1x80xi32, #tpu.memory_space<vmem>>
        %dma_wait3A_220 = tpu.memref_squeeze %dma_wait3A_219 : memref<1x1x80xi32, #tpu.memory_space<vmem>> -> memref<80xi32, #tpu.memory_space<vmem>>
        %dma_wait3A_221 = arith.constant 0 : i32
        %dma_wait3A_222 = tpu.memref_slice %arg3[%add3A, %add3A_216, %dma_wait3A_221] : memref<32x125x80xi32, #tpu.memory_space<hbm>> -> memref<1x1x80xi32, #tpu.memory_space<hbm>>
        %dma_wait3A_223 = tpu.memref_squeeze %dma_wait3A_222 : memref<1x1x80xi32, #tpu.memory_space<hbm>> -> memref<80xi32, #tpu.memory_space<hbm>>
        %dma_wait3A_224 = arith.constant 0 : i32
        %dma_wait3A_225 = tpu.memref_slice %arg6[%rem3A_164, %dma_wait3A_217, %dma_wait3A_224] : memref<3x2x80xi32, #tpu.memory_space<vmem>> -> memref<1x1x80xi32, #tpu.memory_space<vmem>>
        %dma_wait3A_226 = tpu.memref_squeeze %dma_wait3A_225 : memref<1x1x80xi32, #tpu.memory_space<vmem>> -> memref<80xi32, #tpu.memory_space<vmem>>
        %dma_wait3A_227 = arith.constant 0 : i32
        %dma_wait3A_228 = tpu.memref_slice %arg3[%add3A, %add3A_216, %dma_wait3A_227] : memref<32x125x80xi32, #tpu.memory_space<hbm>> -> memref<1x1x80xi32, #tpu.memory_space<hbm>>
        %dma_wait3A_229 = tpu.memref_squeeze %dma_wait3A_228 : memref<1x1x80xi32, #tpu.memory_space<hbm>> -> memref<80xi32, #tpu.memory_space<hbm>>
        tpu.wait_dma2 semaphore(%arg12 : memref<!tpu.dma_semaphore, #tpu.memory_space<semaphore_mem>>) src(%dma_wait3A_229 : memref<80xi32, #tpu.memory_space<hbm>>) dst(%dma_wait3A_226 : memref<80xi32, #tpu.memory_space<vmem>>)
        %dma_wait3A_230 = arith.constant 1 : i32
        %dma_wait3A_231 = arith.constant 0 : i32
        %dma_wait3A_232 = tpu.memref_slice %arg6[%rem3A_164, %dma_wait3A_230, %dma_wait3A_231] : memref<3x2x80xi32, #tpu.memory_space<vmem>> -> memref<1x1x80xi32, #tpu.memory_space<vmem>>
        %dma_wait3A_233 = tpu.memref_squeeze %dma_wait3A_232 : memref<1x1x80xi32, #tpu.memory_space<vmem>> -> memref<80xi32, #tpu.memory_space<vmem>>
        %dma_wait3A_234 = arith.constant 0 : i32
        %dma_wait3A_235 = tpu.memref_slice %arg4[%add3A, %add3A_216, %dma_wait3A_234] : memref<32x125x80xi32, #tpu.memory_space<hbm>> -> memref<1x1x80xi32, #tpu.memory_space<hbm>>
        %dma_wait3A_236 = tpu.memref_squeeze %dma_wait3A_235 : memref<1x1x80xi32, #tpu.memory_space<hbm>> -> memref<80xi32, #tpu.memory_space<hbm>>
        %dma_wait3A_237 = arith.constant 0 : i32
        %dma_wait3A_238 = tpu.memref_slice %arg6[%rem3A_164, %dma_wait3A_230, %dma_wait3A_237] : memref<3x2x80xi32, #tpu.memory_space<vmem>> -> memref<1x1x80xi32, #tpu.memory_space<vmem>>
        %dma_wait3A_239 = tpu.memref_squeeze %dma_wait3A_238 : memref<1x1x80xi32, #tpu.memory_space<vmem>> -> memref<80xi32, #tpu.memory_space<vmem>>
        %dma_wait3A_240 = arith.constant 0 : i32
        %dma_wait3A_241 = tpu.memref_slice %arg4[%add3A, %add3A_216, %dma_wait3A_240] : memref<32x125x80xi32, #tpu.memory_space<hbm>> -> memref<1x1x80xi32, #tpu.memory_space<hbm>>
        %dma_wait3A_242 = tpu.memref_squeeze %dma_wait3A_241 : memref<1x1x80xi32, #tpu.memory_space<hbm>> -> memref<80xi32, #tpu.memory_space<hbm>>
        tpu.wait_dma2 semaphore(%arg12 : memref<!tpu.dma_semaphore, #tpu.memory_space<semaphore_mem>>) src(%dma_wait3A_242 : memref<80xi32, #tpu.memory_space<hbm>>) dst(%dma_wait3A_239 : memref<80xi32, #tpu.memory_space<vmem>>)
        %sub3A = arith.constant 1 : i32
        %sub3A_243 = arith.subi %sub3A, %rem3A_158 : i32
        %dma_start3A_244 = arith.constant 0 : i32
        %dma_start3A_245 = arith.constant 0 : i32
        %dma_start3A_246 = arith.constant 0 : i32
        %dma_start3A_247 = tpu.memref_slice %arg7[%sub3A_243, %dma_start3A_245, %dma_start3A_246] : memref<2x80x128xf32, #tpu.memory_space<vmem>> -> memref<1x80x128xf32, #tpu.memory_space<vmem>>
        %dma_start3A_248 = tpu.memref_squeeze %dma_start3A_247 : memref<1x80x128xf32, #tpu.memory_space<vmem>> -> memref<80x128xf32, #tpu.memory_space<vmem>>
        %dma_start3A_249 = arith.constant 0 : i32
        %dma_start3A_250 = tpu.memref_slice %arg6[%rem3A_164, %dma_start3A_244, %dma_start3A_249] : memref<3x2x80xi32, #tpu.memory_space<vmem>> -> memref<1x1x80xi32, #tpu.memory_space<vmem>>
        %dma_start3A_251 = tpu.memref_squeeze %dma_start3A_250 : memref<1x1x80xi32, #tpu.memory_space<vmem>> -> memref<80xi32, #tpu.memory_space<vmem>>
        %dma_start3A_252 = arith.constant 0 : i32
        %dma_start3A_253 = arith.constant 0 : i32
        %dma_start3A_254 = tpu.memref_slice %arg2[%dma_start3A_252, %dma_start3A_253] : memref<10000x128xf32, #tpu.memory_space<hbm>> -> memref<10000x128xf32, #tpu.memory_space<hbm>>
        tpu.enqueue_indirect_dma source(%dma_start3A_254 : memref<10000x128xf32, #tpu.memory_space<hbm>>) target(%dma_start3A_248 : memref<80x128xf32, #tpu.memory_space<vmem>>) offsets(%dma_start3A_251 : memref<80xi32, #tpu.memory_space<vmem>>) semaphore(%arg9 : memref<!tpu.dma_semaphore, #tpu.memory_space<semaphore_mem>>)
      } else {
      }
      %add3A_205 = arith.constant 1 : i32
      %add3A_206 = arith.addi %scan3A_157, %add3A_205 : i32
      %lt3A_207 = arith.constant 125 : i32
      %lt3A_208 = arith.cmpi slt, %add3A_206, %lt3A_207 : i32
      %eq3A_209 = arith.constant 1 : i32
      %eq3A_210 = arith.cmpi eq, %rem3A_158, %eq3A_209 : i32
      %and3A_211 = arith.andi %lt3A_208, %eq3A_210 : i1
      %convert_element_type3A_212 = arith.extui %and3A_211 : i1 to i32
      %cond3A_213 = arith.constant 0 : i32
      %cond3A_214 = arith.cmpi ne, %convert_element_type3A_212, %cond3A_213 : i32
      scf.if %cond3A_214 {
        %add3A_215 = arith.constant 1 : i32
        %add3A_216 = arith.addi %scan3A_157, %add3A_215 : i32
        %dma_wait3A_217 = arith.constant 0 : i32
        %dma_wait3A_218 = arith.constant 0 : i32
        %dma_wait3A_219 = tpu.memref_slice %arg6[%rem3A_164, %dma_wait3A_217, %dma_wait3A_218] : memref<3x2x80xi32, #tpu.memory_space<vmem>> -> memref<1x1x80xi32, #tpu.memory_space<vmem>>
        %dma_wait3A_220 = tpu.memref_squeeze %dma_wait3A_219 : memref<1x1x80xi32, #tpu.memory_space<vmem>> -> memref<80xi32, #tpu.memory_space<vmem>>
        %dma_wait3A_221 = arith.constant 0 : i32
        %dma_wait3A_222 = tpu.memref_slice %arg3[%add3A, %add3A_216, %dma_wait3A_221] : memref<32x125x80xi32, #tpu.memory_space<hbm>> -> memref<1x1x80xi32, #tpu.memory_space<hbm>>
        %dma_wait3A_223 = tpu.memref_squeeze %dma_wait3A_222 : memref<1x1x80xi32, #tpu.memory_space<hbm>> -> memref<80xi32, #tpu.memory_space<hbm>>
        %dma_wait3A_224 = arith.constant 0 : i32
        %dma_wait3A_225 = tpu.memref_slice %arg6[%rem3A_164, %dma_wait3A_217, %dma_wait3A_224] : memref<3x2x80xi32, #tpu.memory_space<vmem>> -> memref<1x1x80xi32, #tpu.memory_space<vmem>>
        %dma_wait3A_226 = tpu.memref_squeeze %dma_wait3A_225 : memref<1x1x80xi32, #tpu.memory_space<vmem>> -> memref<80xi32, #tpu.memory_space<vmem>>
        %dma_wait3A_227 = arith.constant 0 : i32
        %dma_wait3A_228 = tpu.memref_slice %arg3[%add3A, %add3A_216, %dma_wait3A_227] : memref<32x125x80xi32, #tpu.memory_space<hbm>> -> memref<1x1x80xi32, #tpu.memory_space<hbm>>
        %dma_wait3A_229 = tpu.memref_squeeze %dma_wait3A_228 : memref<1x1x80xi32, #tpu.memory_space<hbm>> -> memref<80xi32, #tpu.memory_space<hbm>>
        tpu.wait_dma2 semaphore(%arg11 : memref<!tpu.dma_semaphore, #tpu.memory_space<semaphore_mem>>) src(%dma_wait3A_229 : memref<80xi32, #tpu.memory_space<hbm>>) dst(%dma_wait3A_226 : memref<80xi32, #tpu.memory_space<vmem>>)
        %dma_wait3A_230 = arith.constant 1 : i32
        %dma_wait3A_231 = arith.constant 0 : i32
        %dma_wait3A_232 = tpu.memref_slice %arg6[%rem3A_164, %dma_wait3A_230, %dma_wait3A_231] : memref<3x2x80xi32, #tpu.memory_space<vmem>> -> memref<1x1x80xi32, #tpu.memory_space<vmem>>
        %dma_wait3A_233 = tpu.memref_squeeze %dma_wait3A_232 : memref<1x1x80xi32, #tpu.memory_space<vmem>> -> memref<80xi32, #tpu.memory_space<vmem>>
        %dma_wait3A_234 = arith.constant 0 : i32
        %dma_wait3A_235 = tpu.memref_slice %arg4[%add3A, %add3A_216, %dma_wait3A_234] : memref<32x125x80xi32, #tpu.memory_space<hbm>> -> memref<1x1x80xi32, #tpu.memory_space<hbm>>
        %dma_wait3A_236 = tpu.memref_squeeze %dma_wait3A_235 : memref<1x1x80xi32, #tpu.memory_space<hbm>> -> memref<80xi32, #tpu.memory_space<hbm>>
        %dma_wait3A_237 = arith.constant 0 : i32
        %dma_wait3A_238 = tpu.memref_slice %arg6[%rem3A_164, %dma_wait3A_230, %dma_wait3A_237] : memref<3x2x80xi32, #tpu.memory_space<vmem>> -> memref<1x1x80xi32, #tpu.memory_space<vmem>>
        %dma_wait3A_239 = tpu.memref_squeeze %dma_wait3A_238 : memref<1x1x80xi32, #tpu.memory_space<vmem>> -> memref<80xi32, #tpu.memory_space<vmem>>
        %dma_wait3A_240 = arith.constant 0 : i32
        %dma_wait3A_241 = tpu.memref_slice %arg4[%add3A, %add3A_216, %dma_wait3A_240] : memref<32x125x80xi32, #tpu.memory_space<hbm>> -> memref<1x1x80xi32, #tpu.memory_space<hbm>>
        %dma_wait3A_242 = tpu.memref_squeeze %dma_wait3A_241 : memref<1x1x80xi32, #tpu.memory_space<hbm>> -> memref<80xi32, #tpu.memory_space<hbm>>
        tpu.wait_dma2 semaphore(%arg11 : memref<!tpu.dma_semaphore, #tpu.memory_space<semaphore_mem>>) src(%dma_wait3A_242 : memref<80xi32, #tpu.memory_space<hbm>>) dst(%dma_wait3A_239 : memref<80xi32, #tpu.memory_space<vmem>>)
        %sub3A = arith.constant 1 : i32
        %sub3A_243 = arith.subi %sub3A, %rem3A_158 : i32
        %dma_start3A_244 = arith.constant 0 : i32
        %dma_start3A_245 = arith.constant 0 : i32
        %dma_start3A_246 = arith.constant 0 : i32
        %dma_start3A_247 = tpu.memref_slice %arg7[%sub3A_243, %dma_start3A_245, %dma_start3A_246] : memref<2x80x128xf32, #tpu.memory_space<vmem>> -> memref<1x80x128xf32, #tpu.memory_space<vmem>>
        %dma_start3A_248 = tpu.memref_squeeze %dma_start3A_247 : memref<1x80x128xf32, #tpu.memory_space<vmem>> -> memref<80x128xf32, #tpu.memory_space<vmem>>
        %dma_start3A_249 = arith.constant 0 : i32
        %dma_start3A_250 = tpu.memref_slice %arg6[%rem3A_164, %dma_start3A_244, %dma_start3A_249] : memref<3x2x80xi32, #tpu.memory_space<vmem>> -> memref<1x1x80xi32, #tpu.memory_space<vmem>>
        %dma_start3A_251 = tpu.memref_squeeze %dma_start3A_250 : memref<1x1x80xi32, #tpu.memory_space<vmem>> -> memref<80xi32, #tpu.memory_space<vmem>>
        %dma_start3A_252 = arith.constant 0 : i32
        %dma_start3A_253 = arith.constant 0 : i32
        %dma_start3A_254 = tpu.memref_slice %arg2[%dma_start3A_252, %dma_start3A_253] : memref<10000x128xf32, #tpu.memory_space<hbm>> -> memref<10000x128xf32, #tpu.memory_space<hbm>>
        tpu.enqueue_indirect_dma source(%dma_start3A_254 : memref<10000x128xf32, #tpu.memory_space<hbm>>) target(%dma_start3A_248 : memref<80x128xf32, #tpu.memory_space<vmem>>) offsets(%dma_start3A_251 : memref<80xi32, #tpu.memory_space<vmem>>) semaphore(%arg9 : memref<!tpu.dma_semaphore, #tpu.memory_space<semaphore_mem>>)
      } else {
      }
    }
    %scan3A_151 = arith.constant 125 : i32
    %barrier3A_152 = arith.constant 0 : index
    tpu.barrier barrier_id(%barrier3A_152)
    %mul3A_153 = arith.constant 640 : i32
    %mul3A_154 = arith.muli %arg1, %mul3A_153 : i32
    %mul3A_155 = arith.constant 640 : i32
    %mul3A_156 = arith.muli %arg1, %mul3A_155 : i32
    "tpu.region"() ({
      %run_scoped3A_157 = tpu.sem_alloc : memref<!tpu.dma_semaphore, #tpu.memory_space<semaphore_mem>>
      %dma_start3A_158 = arith.constant 0 : i32
      %dma_start3A_159 = tpu.memref_slice %arg5[%arg0, %mul3A_156, %dma_start3A_158] : memref<2x10240x128xf32, #tpu.memory_space<hbm>> -> memref<1x640x128xf32, #tpu.memory_space<hbm>>
      %dma_start3A_160 = tpu.memref_squeeze %dma_start3A_159 : memref<1x640x128xf32, #tpu.memory_space<hbm>> -> memref<640x128xf32, #tpu.memory_space<hbm>>
      %dma_start3A_161 = arith.constant 0 : i32
      %dma_start3A_162 = tpu.memref_slice %arg8[%mul3A_154, %dma_start3A_161] : memref<10240x128xf32, #tpu.memory_space<vmem_shared>> -> memref<640x128xf32, #tpu.memory_space<vmem_shared>>
      tpu.enqueue_dma source(%dma_start3A_162 : memref<640x128xf32, #tpu.memory_space<vmem_shared>>) target(%dma_start3A_160 : memref<640x128xf32, #tpu.memory_space<hbm>>) target_semaphore(%run_scoped3A_157 : memref<!tpu.dma_semaphore, #tpu.memory_space<semaphore_mem>>)
      %dma_wait3A_163 = arith.constant 0 : i32
      %dma_wait3A_164 = tpu.memref_slice %arg5[%arg0, %mul3A_156, %dma_wait3A_163] : memref<2x10240x128xf32, #tpu.memory_space<hbm>> -> memref<1x640x128xf32, #tpu.memory_space<hbm>>
      %dma_wait3A_165 = tpu.memref_squeeze %dma_wait3A_164 : memref<1x640x128xf32, #tpu.memory_space<hbm>> -> memref<640x128xf32, #tpu.memory_space<hbm>>
      %dma_wait3A_166 = arith.constant 0 : i32
      %dma_wait3A_167 = tpu.memref_slice %arg8[%mul3A_154, %dma_wait3A_166] : memref<10240x128xf32, #tpu.memory_space<vmem_shared>> -> memref<640x128xf32, #tpu.memory_space<vmem_shared>>
      tpu.wait_dma2 semaphore(%run_scoped3A_157 : memref<!tpu.dma_semaphore, #tpu.memory_space<semaphore_mem>>) src(%dma_wait3A_167 : memref<640x128xf32, #tpu.memory_space<vmem_shared>>) dst(%dma_wait3A_165 : memref<640x128xf32, #tpu.memory_space<hbm>>)
      tpu.yield
    }) : () -> ()
    return
  }
}

#map = affine_map<(d0, d1) -> (0, 0, 0)>
#map1 = affine_map<(d0, d1) -> (0, 0)>
module attributes {stable_mosaic.version = 14 : i64} {
  func.func @_hist_body(%arg0: i32, %arg1: i32, %arg2: memref<32x125x80xi32, #tpu.memory_space<hbm>>, %arg3: memref<32x125x80xi32, #tpu.memory_space<hbm>>, %arg4: memref<32x125x80xi32, #tpu.memory_space<hbm>>, %arg5: memref<2x10240xf32, #tpu.memory_space<hbm>>, %arg6: memref<125x80xi32, #tpu.memory_space<vmem>>, %arg7: memref<125x80xi32, #tpu.memory_space<vmem>>, %arg8: memref<125x80xi32, #tpu.memory_space<vmem>>, %arg9: memref<80xf32, #tpu.memory_space<vmem>>, %arg10: memref<640xf32, #tpu.memory_space<vmem>>, %arg11: memref<10240xf32, #tpu.memory_space<vmem_shared>>, %arg12: memref<!tpu.dma_semaphore, #tpu.memory_space<semaphore_mem>>) attributes {dimension_semantics = [#tpu.dimension_semantics<core_parallel>, #tpu.dimension_semantics<subcore_parallel>], iteration_bounds = array<i64: 2, 16>, scalar_prefetch = 0 : i64, scratch_operands = 7 : i64, tpu.core_type = #tpu.core_type<sc_vector_subcore>, window_params = [{transform_indices = #map}, {transform_indices = #map}, {transform_indices = #map}, {transform_indices = #map1}]} {
    %mul3A = arith.constant 16 : i32
    %mul3A_0 = arith.muli %arg0, %mul3A : i32
    %add3A = arith.addi %mul3A_0, %arg1 : i32
    %dma_start3A = arith.constant 0 : i32
    %dma_start3A_1 = arith.constant 0 : i32
    %dma_start3A_2 = tpu.memref_slice %arg2[%add3A, %dma_start3A, %dma_start3A_1] : memref<32x125x80xi32, #tpu.memory_space<hbm>> -> memref<1x125x80xi32, #tpu.memory_space<hbm>>
    %dma_start3A_3 = tpu.memref_squeeze %dma_start3A_2 : memref<1x125x80xi32, #tpu.memory_space<hbm>> -> memref<125x80xi32, #tpu.memory_space<hbm>>
    %dma_start3A_4 = arith.constant 0 : i32
    %dma_start3A_5 = arith.constant 0 : i32
    %dma_start3A_6 = tpu.memref_slice %arg2[%add3A, %dma_start3A_4, %dma_start3A_5] : memref<32x125x80xi32, #tpu.memory_space<hbm>> -> memref<1x125x80xi32, #tpu.memory_space<hbm>>
    %dma_start3A_7 = tpu.memref_squeeze %dma_start3A_6 : memref<1x125x80xi32, #tpu.memory_space<hbm>> -> memref<125x80xi32, #tpu.memory_space<hbm>>
    tpu.enqueue_dma source(%dma_start3A_7 : memref<125x80xi32, #tpu.memory_space<hbm>>) target(%arg6 : memref<125x80xi32, #tpu.memory_space<vmem>>) target_semaphore(%arg12 : memref<!tpu.dma_semaphore, #tpu.memory_space<semaphore_mem>>)
    %dma_wait3A = arith.constant 0 : i32
    %dma_wait3A_8 = arith.constant 0 : i32
    %dma_wait3A_9 = tpu.memref_slice %arg2[%add3A, %dma_wait3A, %dma_wait3A_8] : memref<32x125x80xi32, #tpu.memory_space<hbm>> -> memref<1x125x80xi32, #tpu.memory_space<hbm>>
    %dma_wait3A_10 = tpu.memref_squeeze %dma_wait3A_9 : memref<1x125x80xi32, #tpu.memory_space<hbm>> -> memref<125x80xi32, #tpu.memory_space<hbm>>
    %dma_wait3A_11 = arith.constant 0 : i32
    %dma_wait3A_12 = arith.constant 0 : i32
    %dma_wait3A_13 = tpu.memref_slice %arg2[%add3A, %dma_wait3A_11, %dma_wait3A_12] : memref<32x125x80xi32, #tpu.memory_space<hbm>> -> memref<1x125x80xi32, #tpu.memory_space<hbm>>
    %dma_wait3A_14 = tpu.memref_squeeze %dma_wait3A_13 : memref<1x125x80xi32, #tpu.memory_space<hbm>> -> memref<125x80xi32, #tpu.memory_space<hbm>>
    tpu.wait_dma2 semaphore(%arg12 : memref<!tpu.dma_semaphore, #tpu.memory_space<semaphore_mem>>) src(%dma_wait3A_14 : memref<125x80xi32, #tpu.memory_space<hbm>>) dst(%arg6 : memref<125x80xi32, #tpu.memory_space<vmem>>)
    %dma_start3A_15 = arith.constant 0 : i32
    %dma_start3A_16 = arith.constant 0 : i32
    %dma_start3A_17 = tpu.memref_slice %arg3[%add3A, %dma_start3A_15, %dma_start3A_16] : memref<32x125x80xi32, #tpu.memory_space<hbm>> -> memref<1x125x80xi32, #tpu.memory_space<hbm>>
    %dma_start3A_18 = tpu.memref_squeeze %dma_start3A_17 : memref<1x125x80xi32, #tpu.memory_space<hbm>> -> memref<125x80xi32, #tpu.memory_space<hbm>>
    %dma_start3A_19 = arith.constant 0 : i32
    %dma_start3A_20 = arith.constant 0 : i32
    %dma_start3A_21 = tpu.memref_slice %arg3[%add3A, %dma_start3A_19, %dma_start3A_20] : memref<32x125x80xi32, #tpu.memory_space<hbm>> -> memref<1x125x80xi32, #tpu.memory_space<hbm>>
    %dma_start3A_22 = tpu.memref_squeeze %dma_start3A_21 : memref<1x125x80xi32, #tpu.memory_space<hbm>> -> memref<125x80xi32, #tpu.memory_space<hbm>>
    tpu.enqueue_dma source(%dma_start3A_22 : memref<125x80xi32, #tpu.memory_space<hbm>>) target(%arg7 : memref<125x80xi32, #tpu.memory_space<vmem>>) target_semaphore(%arg12 : memref<!tpu.dma_semaphore, #tpu.memory_space<semaphore_mem>>)
    %dma_wait3A_23 = arith.constant 0 : i32
    %dma_wait3A_24 = arith.constant 0 : i32
    %dma_wait3A_25 = tpu.memref_slice %arg3[%add3A, %dma_wait3A_23, %dma_wait3A_24] : memref<32x125x80xi32, #tpu.memory_space<hbm>> -> memref<1x125x80xi32, #tpu.memory_space<hbm>>
    %dma_wait3A_26 = tpu.memref_squeeze %dma_wait3A_25 : memref<1x125x80xi32, #tpu.memory_space<hbm>> -> memref<125x80xi32, #tpu.memory_space<hbm>>
    %dma_wait3A_27 = arith.constant 0 : i32
    %dma_wait3A_28 = arith.constant 0 : i32
    %dma_wait3A_29 = tpu.memref_slice %arg3[%add3A, %dma_wait3A_27, %dma_wait3A_28] : memref<32x125x80xi32, #tpu.memory_space<hbm>> -> memref<1x125x80xi32, #tpu.memory_space<hbm>>
    %dma_wait3A_30 = tpu.memref_squeeze %dma_wait3A_29 : memref<1x125x80xi32, #tpu.memory_space<hbm>> -> memref<125x80xi32, #tpu.memory_space<hbm>>
    tpu.wait_dma2 semaphore(%arg12 : memref<!tpu.dma_semaphore, #tpu.memory_space<semaphore_mem>>) src(%dma_wait3A_30 : memref<125x80xi32, #tpu.memory_space<hbm>>) dst(%arg7 : memref<125x80xi32, #tpu.memory_space<vmem>>)
    %broadcast_in_dim3A = arith.constant 1.000000e+00 : f32
    %broadcast_in_dim3A_31 = vector.broadcast %broadcast_in_dim3A : f32 to vector<16xf32>
    %swap3A = arith.constant 0 : index
    %swap3A_32 = tpu.vector_load %arg9[%swap3A] {strides = array<i32>} : memref<80xf32, #tpu.memory_space<vmem>>, vector<16xf32>,
    %swap3A_33 = vector.shape_cast %swap3A_32 : vector<16xf32> to vector<16xf32>
    %swap3A_34 = vector.shape_cast %broadcast_in_dim3A_31 : vector<16xf32> to vector<16xf32>
    tpu.vector_store %arg9[%swap3A], %swap3A_34 {strides = array<i32>} : memref<80xf32, #tpu.memory_space<vmem>>, vector<16xf32>,
    %broadcast_in_dim3A_35 = arith.constant 1.000000e+00 : f32
    %broadcast_in_dim3A_36 = vector.broadcast %broadcast_in_dim3A_35 : f32 to vector<16xf32>
    %swap3A_37 = arith.constant 16 : index
    %swap3A_38 = tpu.vector_load %arg9[%swap3A_37] {strides = array<i32>} : memref<80xf32, #tpu.memory_space<vmem>>, vector<16xf32>,
    %swap3A_39 = vector.shape_cast %swap3A_38 : vector<16xf32> to vector<16xf32>
    %swap3A_40 = vector.shape_cast %broadcast_in_dim3A_36 : vector<16xf32> to vector<16xf32>
    tpu.vector_store %arg9[%swap3A_37], %swap3A_40 {strides = array<i32>} : memref<80xf32, #tpu.memory_space<vmem>>, vector<16xf32>,
    %broadcast_in_dim3A_41 = arith.constant 1.000000e+00 : f32
    %broadcast_in_dim3A_42 = vector.broadcast %broadcast_in_dim3A_41 : f32 to vector<16xf32>
    %swap3A_43 = arith.constant 32 : index
    %swap3A_44 = tpu.vector_load %arg9[%swap3A_43] {strides = array<i32>} : memref<80xf32, #tpu.memory_space<vmem>>, vector<16xf32>,
    %swap3A_45 = vector.shape_cast %swap3A_44 : vector<16xf32> to vector<16xf32>
    %swap3A_46 = vector.shape_cast %broadcast_in_dim3A_42 : vector<16xf32> to vector<16xf32>
    tpu.vector_store %arg9[%swap3A_43], %swap3A_46 {strides = array<i32>} : memref<80xf32, #tpu.memory_space<vmem>>, vector<16xf32>,
    %broadcast_in_dim3A_47 = arith.constant 1.000000e+00 : f32
    %broadcast_in_dim3A_48 = vector.broadcast %broadcast_in_dim3A_47 : f32 to vector<16xf32>
    %swap3A_49 = arith.constant 48 : index
    %swap3A_50 = tpu.vector_load %arg9[%swap3A_49] {strides = array<i32>} : memref<80xf32, #tpu.memory_space<vmem>>, vector<16xf32>,
    %swap3A_51 = vector.shape_cast %swap3A_50 : vector<16xf32> to vector<16xf32>
    %swap3A_52 = vector.shape_cast %broadcast_in_dim3A_48 : vector<16xf32> to vector<16xf32>
    tpu.vector_store %arg9[%swap3A_49], %swap3A_52 {strides = array<i32>} : memref<80xf32, #tpu.memory_space<vmem>>, vector<16xf32>,
    %broadcast_in_dim3A_53 = arith.constant 1.000000e+00 : f32
    %broadcast_in_dim3A_54 = vector.broadcast %broadcast_in_dim3A_53 : f32 to vector<16xf32>
    %swap3A_55 = arith.constant 64 : index
    %swap3A_56 = tpu.vector_load %arg9[%swap3A_55] {strides = array<i32>} : memref<80xf32, #tpu.memory_space<vmem>>, vector<16xf32>,
    %swap3A_57 = vector.shape_cast %swap3A_56 : vector<16xf32> to vector<16xf32>
    %swap3A_58 = vector.shape_cast %broadcast_in_dim3A_54 : vector<16xf32> to vector<16xf32>
    tpu.vector_store %arg9[%swap3A_55], %swap3A_58 {strides = array<i32>} : memref<80xf32, #tpu.memory_space<vmem>>, vector<16xf32>,
    %scan3A = arith.constant 0 : i32
    %scan3A_59 = arith.constant 0 : i32
    %scan3A_60 = arith.constant 40 : i32
    %scan3A_61 = arith.addi %scan3A_59, %scan3A_60 : i32
    %scan3A_62 = arith.constant 1 : i32
    scf.for %scan3A_77 = %scan3A_59 to %scan3A_61 step %scan3A_62  : i32 {
      %broadcast_in_dim3A_78 = arith.constant 0.000000e+00 : f32
      %broadcast_in_dim3A_79 = vector.broadcast %broadcast_in_dim3A_78 : f32 to vector<16xf32>
      %mul3A_80 = arith.constant 16 : i32
      %mul3A_81 = arith.muli %scan3A_77, %mul3A_80 : i32
      %swap3A_82 = arith.index_cast %mul3A_81 : i32 to index
      %swap3A_83 = tpu.vector_load %arg10[%swap3A_82] {strides = array<i32>} : memref<640xf32, #tpu.memory_space<vmem>>, vector<16xf32>,
      %swap3A_84 = vector.shape_cast %swap3A_83 : vector<16xf32> to vector<16xf32>
      %swap3A_85 = vector.shape_cast %broadcast_in_dim3A_79 : vector<16xf32> to vector<16xf32>
      tpu.vector_store %arg10[%swap3A_82], %swap3A_85 {strides = array<i32>} : memref<640xf32, #tpu.memory_space<vmem>>, vector<16xf32>,
    }
    %scan3A_63 = arith.constant 40 : i32
    %mul3A_64 = arith.constant 640 : i32
    %mul3A_65 = arith.muli %arg1, %mul3A_64 : i32
    "tpu.region"() ({
      %run_scoped3A = tpu.sem_alloc : memref<!tpu.dma_semaphore, #tpu.memory_space<semaphore_mem>>
      %dma_start3A_77 = tpu.memref_slice %arg11[%mul3A_65] : memref<10240xf32, #tpu.memory_space<vmem_shared>> -> memref<640xf32, #tpu.memory_space<vmem_shared>>
      %dma_start3A_78 = tpu.memref_slice %arg11[%mul3A_65] : memref<10240xf32, #tpu.memory_space<vmem_shared>> -> memref<640xf32, #tpu.memory_space<vmem_shared>>
      tpu.enqueue_dma source(%arg10 : memref<640xf32, #tpu.memory_space<vmem>>) target(%dma_start3A_78 : memref<640xf32, #tpu.memory_space<vmem_shared>>) target_semaphore(%run_scoped3A : memref<!tpu.dma_semaphore, #tpu.memory_space<semaphore_mem>>)
      %dma_wait3A_79 = tpu.memref_slice %arg11[%mul3A_65] : memref<10240xf32, #tpu.memory_space<vmem_shared>> -> memref<640xf32, #tpu.memory_space<vmem_shared>>
      %dma_wait3A_80 = tpu.memref_slice %arg11[%mul3A_65] : memref<10240xf32, #tpu.memory_space<vmem_shared>> -> memref<640xf32, #tpu.memory_space<vmem_shared>>
      tpu.wait_dma2 semaphore(%run_scoped3A : memref<!tpu.dma_semaphore, #tpu.memory_space<semaphore_mem>>) src(%arg10 : memref<640xf32, #tpu.memory_space<vmem>>) dst(%dma_wait3A_80 : memref<640xf32, #tpu.memory_space<vmem_shared>>)
      tpu.yield
    }) : () -> ()
    %barrier3A = arith.constant 0 : index
    tpu.barrier barrier_id(%barrier3A)
    %scan3A_66 = arith.constant 0 : i32
    %scan3A_67 = arith.constant 0 : i32
    %scan3A_68 = arith.constant 125 : i32
    %scan3A_69 = arith.addi %scan3A_67, %scan3A_68 : i32
    %scan3A_70 = arith.constant 1 : i32
    scf.for %scan3A_77 = %scan3A_67 to %scan3A_69 step %scan3A_70  : i32 {
      %get3A = arith.index_cast %scan3A_77 : i32 to index
      %get3A_78 = arith.constant 0 : index
      %get3A_79 = tpu.vector_load %arg6[%get3A, %get3A_78] {strides = array<i32>} : memref<125x80xi32, #tpu.memory_space<vmem>>, vector<1x16xi32>,
      %get3A_80 = vector.shape_cast %get3A_79 : vector<1x16xi32> to vector<16xi32>
      %get3A_81 = arith.index_cast %scan3A_77 : i32 to index
      %get3A_82 = arith.constant 0 : index
      %get3A_83 = tpu.vector_load %arg7[%get3A_81, %get3A_82] {strides = array<i32>} : memref<125x80xi32, #tpu.memory_space<vmem>>, vector<1x16xi32>,
      %get3A_84 = vector.shape_cast %get3A_83 : vector<1x16xi32> to vector<16xi32>
      %eq3A = arith.cmpi eq, %get3A_80, %get3A_84 : vector<16xi32>
      %broadcast_in_dim3A_85 = arith.constant 10000 : i32
      %broadcast_in_dim3A_86 = vector.broadcast %broadcast_in_dim3A_85 : i32 to vector<16xi32>
      %select_n3A = arith.select %eq3A, %broadcast_in_dim3A_86, %get3A_84 : vector<16xi1>, vector<16xi32>
      %swap3A_87 = arith.index_cast %scan3A_77 : i32 to index
      %swap3A_88 = arith.constant 0 : index
      %swap3A_89 = tpu.vector_load %arg8[%swap3A_87, %swap3A_88] {strides = array<i32>} : memref<125x80xi32, #tpu.memory_space<vmem>>, vector<1x16xi32>,
      %swap3A_90 = vector.shape_cast %swap3A_89 : vector<1x16xi32> to vector<16xi32>
      %swap3A_91 = vector.shape_cast %select_n3A : vector<16xi32> to vector<1x16xi32>
      tpu.vector_store %arg8[%swap3A_87, %swap3A_88], %swap3A_91 {strides = array<i32>} : memref<125x80xi32, #tpu.memory_space<vmem>>, vector<1x16xi32>,
      %get3A_92 = arith.index_cast %scan3A_77 : i32 to index
      %get3A_93 = arith.constant 16 : index
      %get3A_94 = tpu.vector_load %arg6[%get3A_92, %get3A_93] {strides = array<i32>} : memref<125x80xi32, #tpu.memory_space<vmem>>, vector<1x16xi32>,
      %get3A_95 = vector.shape_cast %get3A_94 : vector<1x16xi32> to vector<16xi32>
      %get3A_96 = arith.index_cast %scan3A_77 : i32 to index
      %get3A_97 = arith.constant 16 : index
      %get3A_98 = tpu.vector_load %arg7[%get3A_96, %get3A_97] {strides = array<i32>} : memref<125x80xi32, #tpu.memory_space<vmem>>, vector<1x16xi32>,
      %get3A_99 = vector.shape_cast %get3A_98 : vector<1x16xi32> to vector<16xi32>
      %eq3A_100 = arith.cmpi eq, %get3A_95, %get3A_99 : vector<16xi32>
      %broadcast_in_dim3A_101 = arith.constant 10000 : i32
      %broadcast_in_dim3A_102 = vector.broadcast %broadcast_in_dim3A_101 : i32 to vector<16xi32>
      %select_n3A_103 = arith.select %eq3A_100, %broadcast_in_dim3A_102, %get3A_99 : vector<16xi1>, vector<16xi32>
      %swap3A_104 = arith.index_cast %scan3A_77 : i32 to index
      %swap3A_105 = arith.constant 16 : index
      %swap3A_106 = tpu.vector_load %arg8[%swap3A_104, %swap3A_105] {strides = array<i32>} : memref<125x80xi32, #tpu.memory_space<vmem>>, vector<1x16xi32>,
      %swap3A_107 = vector.shape_cast %swap3A_106 : vector<1x16xi32> to vector<16xi32>
      %swap3A_108 = vector.shape_cast %select_n3A_103 : vector<16xi32> to vector<1x16xi32>
      tpu.vector_store %arg8[%swap3A_104, %swap3A_105], %swap3A_108 {strides = array<i32>} : memref<125x80xi32, #tpu.memory_space<vmem>>, vector<1x16xi32>,
      %get3A_109 = arith.index_cast %scan3A_77 : i32 to index
      %get3A_110 = arith.constant 32 : index
      %get3A_111 = tpu.vector_load %arg6[%get3A_109, %get3A_110] {strides = array<i32>} : memref<125x80xi32, #tpu.memory_space<vmem>>, vector<1x16xi32>,
      %get3A_112 = vector.shape_cast %get3A_111 : vector<1x16xi32> to vector<16xi32>
      %get3A_113 = arith.index_cast %scan3A_77 : i32 to index
      %get3A_114 = arith.constant 32 : index
      %get3A_115 = tpu.vector_load %arg7[%get3A_113, %get3A_114] {strides = array<i32>} : memref<125x80xi32, #tpu.memory_space<vmem>>, vector<1x16xi32>,
      %get3A_116 = vector.shape_cast %get3A_115 : vector<1x16xi32> to vector<16xi32>
      %eq3A_117 = arith.cmpi eq, %get3A_112, %get3A_116 : vector<16xi32>
      %broadcast_in_dim3A_118 = arith.constant 10000 : i32
      %broadcast_in_dim3A_119 = vector.broadcast %broadcast_in_dim3A_118 : i32 to vector<16xi32>
      %select_n3A_120 = arith.select %eq3A_117, %broadcast_in_dim3A_119, %get3A_116 : vector<16xi1>, vector<16xi32>
      %swap3A_121 = arith.index_cast %scan3A_77 : i32 to index
      %swap3A_122 = arith.constant 32 : index
      %swap3A_123 = tpu.vector_load %arg8[%swap3A_121, %swap3A_122] {strides = array<i32>} : memref<125x80xi32, #tpu.memory_space<vmem>>, vector<1x16xi32>,
      %swap3A_124 = vector.shape_cast %swap3A_123 : vector<1x16xi32> to vector<16xi32>
      %swap3A_125 = vector.shape_cast %select_n3A_120 : vector<16xi32> to vector<1x16xi32>
      tpu.vector_store %arg8[%swap3A_121, %swap3A_122], %swap3A_125 {strides = array<i32>} : memref<125x80xi32, #tpu.memory_space<vmem>>, vector<1x16xi32>,
      %get3A_126 = arith.index_cast %scan3A_77 : i32 to index
      %get3A_127 = arith.constant 48 : index
      %get3A_128 = tpu.vector_load %arg6[%get3A_126, %get3A_127] {strides = array<i32>} : memref<125x80xi32, #tpu.memory_space<vmem>>, vector<1x16xi32>,
      %get3A_129 = vector.shape_cast %get3A_128 : vector<1x16xi32> to vector<16xi32>
      %get3A_130 = arith.index_cast %scan3A_77 : i32 to index
      %get3A_131 = arith.constant 48 : index
      %get3A_132 = tpu.vector_load %arg7[%get3A_130, %get3A_131] {strides = array<i32>} : memref<125x80xi32, #tpu.memory_space<vmem>>, vector<1x16xi32>,
      %get3A_133 = vector.shape_cast %get3A_132 : vector<1x16xi32> to vector<16xi32>
      %eq3A_134 = arith.cmpi eq, %get3A_129, %get3A_133 : vector<16xi32>
      %broadcast_in_dim3A_135 = arith.constant 10000 : i32
      %broadcast_in_dim3A_136 = vector.broadcast %broadcast_in_dim3A_135 : i32 to vector<16xi32>
      %select_n3A_137 = arith.select %eq3A_134, %broadcast_in_dim3A_136, %get3A_133 : vector<16xi1>, vector<16xi32>
      %swap3A_138 = arith.index_cast %scan3A_77 : i32 to index
      %swap3A_139 = arith.constant 48 : index
      %swap3A_140 = tpu.vector_load %arg8[%swap3A_138, %swap3A_139] {strides = array<i32>} : memref<125x80xi32, #tpu.memory_space<vmem>>, vector<1x16xi32>,
      %swap3A_141 = vector.shape_cast %swap3A_140 : vector<1x16xi32> to vector<16xi32>
      %swap3A_142 = vector.shape_cast %select_n3A_137 : vector<16xi32> to vector<1x16xi32>
      tpu.vector_store %arg8[%swap3A_138, %swap3A_139], %swap3A_142 {strides = array<i32>} : memref<125x80xi32, #tpu.memory_space<vmem>>, vector<1x16xi32>,
      %get3A_143 = arith.index_cast %scan3A_77 : i32 to index
      %get3A_144 = arith.constant 64 : index
      %get3A_145 = tpu.vector_load %arg6[%get3A_143, %get3A_144] {strides = array<i32>} : memref<125x80xi32, #tpu.memory_space<vmem>>, vector<1x16xi32>,
      %get3A_146 = vector.shape_cast %get3A_145 : vector<1x16xi32> to vector<16xi32>
      %get3A_147 = arith.index_cast %scan3A_77 : i32 to index
      %get3A_148 = arith.constant 64 : index
      %get3A_149 = tpu.vector_load %arg7[%get3A_147, %get3A_148] {strides = array<i32>} : memref<125x80xi32, #tpu.memory_space<vmem>>, vector<1x16xi32>,
      %get3A_150 = vector.shape_cast %get3A_149 : vector<1x16xi32> to vector<16xi32>
      %eq3A_151 = arith.cmpi eq, %get3A_146, %get3A_150 : vector<16xi32>
      %broadcast_in_dim3A_152 = arith.constant 10000 : i32
      %broadcast_in_dim3A_153 = vector.broadcast %broadcast_in_dim3A_152 : i32 to vector<16xi32>
      %select_n3A_154 = arith.select %eq3A_151, %broadcast_in_dim3A_153, %get3A_150 : vector<16xi1>, vector<16xi32>
      %swap3A_155 = arith.index_cast %scan3A_77 : i32 to index
      %swap3A_156 = arith.constant 64 : index
      %swap3A_157 = tpu.vector_load %arg8[%swap3A_155, %swap3A_156] {strides = array<i32>} : memref<125x80xi32, #tpu.memory_space<vmem>>, vector<1x16xi32>,
      %swap3A_158 = vector.shape_cast %swap3A_157 : vector<1x16xi32> to vector<16xi32>
      %swap3A_159 = vector.shape_cast %select_n3A_154 : vector<16xi32> to vector<1x16xi32>
      tpu.vector_store %arg8[%swap3A_155, %swap3A_156], %swap3A_159 {strides = array<i32>} : memref<125x80xi32, #tpu.memory_space<vmem>>, vector<1x16xi32>,
      "tpu.region"() ({
        %run_scoped3A = tpu.sem_alloc : memref<!tpu.dma_semaphore, #tpu.memory_space<semaphore_mem>>
        %dma_start3A_160 = arith.constant 0 : i32
        %dma_start3A_161 = tpu.memref_slice %arg8[%scan3A_77, %dma_start3A_160] : memref<125x80xi32, #tpu.memory_space<vmem>> -> memref<1x80xi32, #tpu.memory_space<vmem>>
        %dma_start3A_162 = tpu.memref_squeeze %dma_start3A_161 : memref<1x80xi32, #tpu.memory_space<vmem>> -> memref<80xi32, #tpu.memory_space<vmem>>
        %dma_start3A_163 = arith.constant 0 : i32
        %dma_start3A_164 = tpu.memref_slice %arg11[%dma_start3A_163] : memref<10240xf32, #tpu.memory_space<vmem_shared>> -> memref<10240xf32, #tpu.memory_space<vmem_shared>>
        tpu.enqueue_indirect_dma source(%arg9 : memref<80xf32, #tpu.memory_space<vmem>>) target(%dma_start3A_164 : memref<10240xf32, #tpu.memory_space<vmem_shared>>) offsets(%dma_start3A_162 : memref<80xi32, #tpu.memory_space<vmem>>) semaphore(%run_scoped3A : memref<!tpu.dma_semaphore, #tpu.memory_space<semaphore_mem>>) {add = true}
        %dma_wait3A_165 = arith.constant 0 : i32
        %dma_wait3A_166 = tpu.memref_slice %arg8[%scan3A_77, %dma_wait3A_165] : memref<125x80xi32, #tpu.memory_space<vmem>> -> memref<1x80xi32, #tpu.memory_space<vmem>>
        %dma_wait3A_167 = tpu.memref_squeeze %dma_wait3A_166 : memref<1x80xi32, #tpu.memory_space<vmem>> -> memref<80xi32, #tpu.memory_space<vmem>>
        %dma_wait3A_168 = arith.constant 0 : i32
        %dma_wait3A_169 = tpu.memref_slice %arg11[%dma_wait3A_168] : memref<10240xf32, #tpu.memory_space<vmem_shared>> -> memref<10240xf32, #tpu.memory_space<vmem_shared>>
        tpu.wait_indirect_dma semaphore(%run_scoped3A : memref<!tpu.dma_semaphore, #tpu.memory_space<semaphore_mem>>) src(%arg9 : memref<80xf32, #tpu.memory_space<vmem>>) dst(%dma_wait3A_169 : memref<10240xf32, #tpu.memory_space<vmem_shared>>)
        tpu.yield
      }) : () -> ()
    }
    %scan3A_71 = arith.constant 125 : i32
    %barrier3A_72 = arith.constant 0 : index
    tpu.barrier barrier_id(%barrier3A_72)
    "tpu.region"() ({
      %run_scoped3A = tpu.sem_alloc : memref<!tpu.dma_semaphore, #tpu.memory_space<semaphore_mem>>
      %dma_start3A_77 = arith.constant 0 : i32
      %dma_start3A_78 = arith.constant 0 : i32
      %dma_start3A_79 = tpu.memref_slice %arg4[%add3A, %dma_start3A_77, %dma_start3A_78] : memref<32x125x80xi32, #tpu.memory_space<hbm>> -> memref<1x125x80xi32, #tpu.memory_space<hbm>>
      %dma_start3A_80 = tpu.memref_squeeze %dma_start3A_79 : memref<1x125x80xi32, #tpu.memory_space<hbm>> -> memref<125x80xi32, #tpu.memory_space<hbm>>
      %dma_start3A_81 = arith.constant 0 : i32
      %dma_start3A_82 = arith.constant 0 : i32
      %dma_start3A_83 = tpu.memref_slice %arg4[%add3A, %dma_start3A_81, %dma_start3A_82] : memref<32x125x80xi32, #tpu.memory_space<hbm>> -> memref<1x125x80xi32, #tpu.memory_space<hbm>>
      %dma_start3A_84 = tpu.memref_squeeze %dma_start3A_83 : memref<1x125x80xi32, #tpu.memory_space<hbm>> -> memref<125x80xi32, #tpu.memory_space<hbm>>
      tpu.enqueue_dma source(%arg8 : memref<125x80xi32, #tpu.memory_space<vmem>>) target(%dma_start3A_84 : memref<125x80xi32, #tpu.memory_space<hbm>>) target_semaphore(%run_scoped3A : memref<!tpu.dma_semaphore, #tpu.memory_space<semaphore_mem>>)
      %dma_wait3A_85 = arith.constant 0 : i32
      %dma_wait3A_86 = arith.constant 0 : i32
      %dma_wait3A_87 = tpu.memref_slice %arg4[%add3A, %dma_wait3A_85, %dma_wait3A_86] : memref<32x125x80xi32, #tpu.memory_space<hbm>> -> memref<1x125x80xi32, #tpu.memory_space<hbm>>
      %dma_wait3A_88 = tpu.memref_squeeze %dma_wait3A_87 : memref<1x125x80xi32, #tpu.memory_space<hbm>> -> memref<125x80xi32, #tpu.memory_space<hbm>>
      %dma_wait3A_89 = arith.constant 0 : i32
      %dma_wait3A_90 = arith.constant 0 : i32
      %dma_wait3A_91 = tpu.memref_slice %arg4[%add3A, %dma_wait3A_89, %dma_wait3A_90] : memref<32x125x80xi32, #tpu.memory_space<hbm>> -> memref<1x125x80xi32, #tpu.memory_space<hbm>>
      %dma_wait3A_92 = tpu.memref_squeeze %dma_wait3A_91 : memref<1x125x80xi32, #tpu.memory_space<hbm>> -> memref<125x80xi32, #tpu.memory_space<hbm>>
      tpu.wait_dma2 semaphore(%run_scoped3A : memref<!tpu.dma_semaphore, #tpu.memory_space<semaphore_mem>>) src(%arg8 : memref<125x80xi32, #tpu.memory_space<vmem>>) dst(%dma_wait3A_92 : memref<125x80xi32, #tpu.memory_space<hbm>>)
      tpu.yield
    }) : () -> ()
    %mul3A_73 = arith.constant 640 : i32
    %mul3A_74 = arith.muli %arg1, %mul3A_73 : i32
    %mul3A_75 = arith.constant 640 : i32
    %mul3A_76 = arith.muli %arg1, %mul3A_75 : i32
    "tpu.region"() ({
      %run_scoped3A = tpu.sem_alloc : memref<!tpu.dma_semaphore, #tpu.memory_space<semaphore_mem>>
      %dma_start3A_77 = tpu.memref_slice %arg5[%arg0, %mul3A_76] : memref<2x10240xf32, #tpu.memory_space<hbm>> -> memref<1x640xf32, #tpu.memory_space<hbm>>
      %dma_start3A_78 = tpu.memref_squeeze %dma_start3A_77 : memref<1x640xf32, #tpu.memory_space<hbm>> -> memref<640xf32, #tpu.memory_space<hbm>>
      %dma_start3A_79 = tpu.memref_slice %arg11[%mul3A_74] : memref<10240xf32, #tpu.memory_space<vmem_shared>> -> memref<640xf32, #tpu.memory_space<vmem_shared>>
      tpu.enqueue_dma source(%dma_start3A_79 : memref<640xf32, #tpu.memory_space<vmem_shared>>) target(%dma_start3A_78 : memref<640xf32, #tpu.memory_space<hbm>>) target_semaphore(%run_scoped3A : memref<!tpu.dma_semaphore, #tpu.memory_space<semaphore_mem>>)
      %dma_wait3A_80 = tpu.memref_slice %arg5[%arg0, %mul3A_76] : memref<2x10240xf32, #tpu.memory_space<hbm>> -> memref<1x640xf32, #tpu.memory_space<hbm>>
      %dma_wait3A_81 = tpu.memref_squeeze %dma_wait3A_80 : memref<1x640xf32, #tpu.memory_space<hbm>> -> memref<640xf32, #tpu.memory_space<hbm>>
      %dma_wait3A_82 = tpu.memref_slice %arg11[%mul3A_74] : memref<10240xf32, #tpu.memory_space<vmem_shared>> -> memref<640xf32, #tpu.memory_space<vmem_shared>>
      tpu.wait_dma2 semaphore(%run_scoped3A : memref<!tpu.dma_semaphore, #tpu.memory_space<semaphore_mem>>) src(%dma_wait3A_82 : memref<640xf32, #tpu.memory_space<vmem_shared>>) dst(%dma_wait3A_81 : memref<640xf32, #tpu.memory_space<hbm>>)
      tpu.yield
    }) : () -> ()
    return
  }
}

#map = affine_map<(d0, d1) -> (0, 0)>
#map1 = affine_map<(d0, d1) -> (0, 0, 0)>
module attributes {stable_mosaic.version = 14 : i64} {
  func.func @_conv_body(%arg0: i32, %arg1: i32, %arg2: memref<10000x128xf32, #tpu.memory_space<hbm>>, %arg3: memref<32x125x80xi32, #tpu.memory_space<hbm>>, %arg4: memref<32x125x80xi32, #tpu.memory_space<hbm>>, %arg5: memref<2x10240x128xf32, #tpu.memory_space<hbm>>, %arg6: memref<3x2x80xi32, #tpu.memory_space<vmem>>, %arg7: memref<2x80x128xf32, #tpu.memory_space<vmem>>, %arg8: memref<10240x128xf32, #tpu.memory_space<vmem_shared>>, %arg9: memref<!tpu.dma_semaphore, #tpu.memory_space<semaphore_mem>>, %arg10: memref<!tpu.dma_semaphore, #tpu.memory_space<semaphore_mem>>, %arg11: memref<!tpu.dma_semaphore, #tpu.memory_space<semaphore_mem>>, %arg12: memref<!tpu.dma_semaphore, #tpu.memory_space<semaphore_mem>>) attributes {dimension_semantics = [#tpu.dimension_semantics<core_parallel>, #tpu.dimension_semantics<subcore_parallel>], iteration_bounds = array<i64: 2, 16>, scalar_prefetch = 0 : i64, scratch_operands = 7 : i64, tpu.core_type = #tpu.core_type<sc_vector_subcore>, window_params = [{transform_indices = #map}, {transform_indices = #map1}, {transform_indices = #map1}, {transform_indices = #map1}]} {
    %mul3A = arith.constant 16 : i32
    %mul3A_0 = arith.muli %arg0, %mul3A : i32
    %add3A = arith.addi %mul3A_0, %arg1 : i32
    %scan3A = arith.constant 0 : i32
    %scan3A_1 = arith.constant 0 : i32
    %scan3A_2 = arith.constant 80 : i32
    %scan3A_3 = arith.addi %scan3A_1, %scan3A_2 : i32
    %scan3A_4 = arith.constant 1 : i32
    scf.for %scan3A_157 = %scan3A_1 to %scan3A_3 step %scan3A_4  : i32 {
      %broadcast_in_dim3A = arith.constant 0.000000e+00 : f32
      %broadcast_in_dim3A_158 = vector.broadcast %broadcast_in_dim3A : f32 to vector<16xf32>
      %swap3A = arith.constant 0 : i32
      %swap3A_159 = arith.index_cast %swap3A : i32 to index
      %swap3A_160 = arith.index_cast %scan3A_157 : i32 to index
      %swap3A_161 = arith.constant 0 : index
      %swap3A_162 = tpu.vector_load %arg7[%swap3A_159, %swap3A_160, %swap3A_161] {strides = array<i32>} : memref<2x80x128xf32, #tpu.memory_space<vmem>>, vector<1x1x16xf32>,
      %swap3A_163 = vector.shape_cast %swap3A_162 : vector<1x1x16xf32> to vector<16xf32>
      %swap3A_164 = vector.shape_cast %broadcast_in_dim3A_158 : vector<16xf32> to vector<1x1x16xf32>
      tpu.vector_store %arg7[%swap3A_159, %swap3A_160, %swap3A_161], %swap3A_164 {strides = array<i32>} : memref<2x80x128xf32, #tpu.memory_space<vmem>>, vector<1x1x16xf32>,
      %broadcast_in_dim3A_165 = arith.constant 0.000000e+00 : f32
      %broadcast_in_dim3A_166 = vector.broadcast %broadcast_in_dim3A_165 : f32 to vector<16xf32>
      %swap3A_167 = arith.constant 0 : i32
      %swap3A_168 = arith.index_cast %swap3A_167 : i32 to index
      %swap3A_169 = arith.index_cast %scan3A_157 : i32 to index
      %swap3A_170 = arith.constant 16 : index
      %swap3A_171 = tpu.vector_load %arg7[%swap3A_168, %swap3A_169, %swap3A_170] {strides = array<i32>} : memref<2x80x128xf32, #tpu.memory_space<vmem>>, vector<1x1x16xf32>,
      %swap3A_172 = vector.shape_cast %swap3A_171 : vector<1x1x16xf32> to vector<16xf32>
      %swap3A_173 = vector.shape_cast %broadcast_in_dim3A_166 : vector<16xf32> to vector<1x1x16xf32>
      tpu.vector_store %arg7[%swap3A_168, %swap3A_169, %swap3A_170], %swap3A_173 {strides = array<i32>} : memref<2x80x128xf32, #tpu.memory_space<vmem>>, vector<1x1x16xf32>,
      %broadcast_in_dim3A_174 = arith.constant 0.000000e+00 : f32
      %broadcast_in_dim3A_175 = vector.broadcast %broadcast_in_dim3A_174 : f32 to vector<16xf32>
      %swap3A_176 = arith.constant 0 : i32
      %swap3A_177 = arith.index_cast %swap3A_176 : i32 to index
      %swap3A_178 = arith.index_cast %scan3A_157 : i32 to index
      %swap3A_179 = arith.constant 32 : index
      %swap3A_180 = tpu.vector_load %arg7[%swap3A_177, %swap3A_178, %swap3A_179] {strides = array<i32>} : memref<2x80x128xf32, #tpu.memory_space<vmem>>, vector<1x1x16xf32>,
      %swap3A_181 = vector.shape_cast %swap3A_180 : vector<1x1x16xf32> to vector<16xf32>
      %swap3A_182 = vector.shape_cast %broadcast_in_dim3A_175 : vector<16xf32> to vector<1x1x16xf32>
      tpu.vector_store %arg7[%swap3A_177, %swap3A_178, %swap3A_179], %swap3A_182 {strides = array<i32>} : memref<2x80x128xf32, #tpu.memory_space<vmem>>, vector<1x1x16xf32>,
      %broadcast_in_dim3A_183 = arith.constant 0.000000e+00 : f32
      %broadcast_in_dim3A_184 = vector.broadcast %broadcast_in_dim3A_183 : f32 to vector<16xf32>
      %swap3A_185 = arith.constant 0 : i32
      %swap3A_186 = arith.index_cast %swap3A_185 : i32 to index
      %swap3A_187 = arith.index_cast %scan3A_157 : i32 to index
      %swap3A_188 = arith.constant 48 : index
      %swap3A_189 = tpu.vector_load %arg7[%swap3A_186, %swap3A_187, %swap3A_188] {strides = array<i32>} : memref<2x80x128xf32, #tpu.memory_space<vmem>>, vector<1x1x16xf32>,
      %swap3A_190 = vector.shape_cast %swap3A_189 : vector<1x1x16xf32> to vector<16xf32>
      %swap3A_191 = vector.shape_cast %broadcast_in_dim3A_184 : vector<16xf32> to vector<1x1x16xf32>
      tpu.vector_store %arg7[%swap3A_186, %swap3A_187, %swap3A_188], %swap3A_191 {strides = array<i32>} : memref<2x80x128xf32, #tpu.memory_space<vmem>>, vector<1x1x16xf32>,
      %broadcast_in_dim3A_192 = arith.constant 0.000000e+00 : f32
      %broadcast_in_dim3A_193 = vector.broadcast %broadcast_in_dim3A_192 : f32 to vector<16xf32>
      %swap3A_194 = arith.constant 0 : i32
      %swap3A_195 = arith.index_cast %swap3A_194 : i32 to index
      %swap3A_196 = arith.index_cast %scan3A_157 : i32 to index
      %swap3A_197 = arith.constant 64 : index
      %swap3A_198 = tpu.vector_load %arg7[%swap3A_195, %swap3A_196, %swap3A_197] {strides = array<i32>} : memref<2x80x128xf32, #tpu.memory_space<vmem>>, vector<1x1x16xf32>,
      %swap3A_199 = vector.shape_cast %swap3A_198 : vector<1x1x16xf32> to vector<16xf32>
      %swap3A_200 = vector.shape_cast %broadcast_in_dim3A_193 : vector<16xf32> to vector<1x1x16xf32>
      tpu.vector_store %arg7[%swap3A_195, %swap3A_196, %swap3A_197], %swap3A_200 {strides = array<i32>} : memref<2x80x128xf32, #tpu.memory_space<vmem>>, vector<1x1x16xf32>,
      %broadcast_in_dim3A_201 = arith.constant 0.000000e+00 : f32
      %broadcast_in_dim3A_202 = vector.broadcast %broadcast_in_dim3A_201 : f32 to vector<16xf32>
      %swap3A_203 = arith.constant 0 : i32
      %swap3A_204 = arith.index_cast %swap3A_203 : i32 to index
      %swap3A_205 = arith.index_cast %scan3A_157 : i32 to index
      %swap3A_206 = arith.constant 80 : index
      %swap3A_207 = tpu.vector_load %arg7[%swap3A_204, %swap3A_205, %swap3A_206] {strides = array<i32>} : memref<2x80x128xf32, #tpu.memory_space<vmem>>, vector<1x1x16xf32>,
      %swap3A_208 = vector.shape_cast %swap3A_207 : vector<1x1x16xf32> to vector<16xf32>
      %swap3A_209 = vector.shape_cast %broadcast_in_dim3A_202 : vector<16xf32> to vector<1x1x16xf32>
      tpu.vector_store %arg7[%swap3A_204, %swap3A_205, %swap3A_206], %swap3A_209 {strides = array<i32>} : memref<2x80x128xf32, #tpu.memory_space<vmem>>, vector<1x1x16xf32>,
      %broadcast_in_dim3A_210 = arith.constant 0.000000e+00 : f32
      %broadcast_in_dim3A_211 = vector.broadcast %broadcast_in_dim3A_210 : f32 to vector<16xf32>
      %swap3A_212 = arith.constant 0 : i32
      %swap3A_213 = arith.index_cast %swap3A_212 : i32 to index
      %swap3A_214 = arith.index_cast %scan3A_157 : i32 to index
      %swap3A_215 = arith.constant 96 : index
      %swap3A_216 = tpu.vector_load %arg7[%swap3A_213, %swap3A_214, %swap3A_215] {strides = array<i32>} : memref<2x80x128xf32, #tpu.memory_space<vmem>>, vector<1x1x16xf32>,
      %swap3A_217 = vector.shape_cast %swap3A_216 : vector<1x1x16xf32> to vector<16xf32>
      %swap3A_218 = vector.shape_cast %broadcast_in_dim3A_211 : vector<16xf32> to vector<1x1x16xf32>
      tpu.vector_store %arg7[%swap3A_213, %swap3A_214, %swap3A_215], %swap3A_218 {strides = array<i32>} : memref<2x80x128xf32, #tpu.memory_space<vmem>>, vector<1x1x16xf32>,
      %broadcast_in_dim3A_219 = arith.constant 0.000000e+00 : f32
      %broadcast_in_dim3A_220 = vector.broadcast %broadcast_in_dim3A_219 : f32 to vector<16xf32>
      %swap3A_221 = arith.constant 0 : i32
      %swap3A_222 = arith.index_cast %swap3A_221 : i32 to index
      %swap3A_223 = arith.index_cast %scan3A_157 : i32 to index
      %swap3A_224 = arith.constant 112 : index
      %swap3A_225 = tpu.vector_load %arg7[%swap3A_222, %swap3A_223, %swap3A_224] {strides = array<i32>} : memref<2x80x128xf32, #tpu.memory_space<vmem>>, vector<1x1x16xf32>,
      %swap3A_226 = vector.shape_cast %swap3A_225 : vector<1x1x16xf32> to vector<16xf32>
      %swap3A_227 = vector.shape_cast %broadcast_in_dim3A_220 : vector<16xf32> to vector<1x1x16xf32>
      tpu.vector_store %arg7[%swap3A_222, %swap3A_223, %swap3A_224], %swap3A_227 {strides = array<i32>} : memref<2x80x128xf32, #tpu.memory_space<vmem>>, vector<1x1x16xf32>,
    }
    %scan3A_5 = arith.constant 80 : i32
    %mul3A_6 = arith.constant 640 : i32
    %mul3A_7 = arith.muli %arg1, %mul3A_6 : i32
    %add3A_8 = arith.constant 0 : i32
    %add3A_9 = arith.addi %mul3A_7, %add3A_8 : i32
    %run_scoped3A = arith.constant 0 : i32
    "tpu.region"() ({
      %run_scoped3A_157 = tpu.sem_alloc : memref<!tpu.dma_semaphore, #tpu.memory_space<semaphore_mem>>
      %dma_start3A_158 = arith.constant 0 : i32
      %dma_start3A_159 = arith.constant 0 : i32
      %dma_start3A_160 = tpu.memref_slice %arg7[%run_scoped3A, %dma_start3A_158, %dma_start3A_159] : memref<2x80x128xf32, #tpu.memory_space<vmem>> -> memref<1x80x128xf32, #tpu.memory_space<vmem>>
      %dma_start3A_161 = tpu.memref_squeeze %dma_start3A_160 : memref<1x80x128xf32, #tpu.memory_space<vmem>> -> memref<80x128xf32, #tpu.memory_space<vmem>>
      %dma_start3A_162 = arith.constant 0 : i32
      %dma_start3A_163 = tpu.memref_slice %arg8[%add3A_9, %dma_start3A_162] : memref<10240x128xf32, #tpu.memory_space<vmem_shared>> -> memref<80x128xf32, #tpu.memory_space<vmem_shared>>
      %dma_start3A_164 = arith.constant 0 : i32
      %dma_start3A_165 = tpu.memref_slice %arg8[%add3A_9, %dma_start3A_164] : memref<10240x128xf32, #tpu.memory_space<vmem_shared>> -> memref<80x128xf32, #tpu.memory_space<vmem_shared>>
      %dma_start3A_166 = arith.constant 0 : i32
      %dma_start3A_167 = arith.constant 0 : i32
      %dma_start3A_168 = tpu.memref_slice %arg7[%run_scoped3A, %dma_start3A_166, %dma_start3A_167] : memref<2x80x128xf32, #tpu.memory_space<vmem>> -> memref<1x80x128xf32, #tpu.memory_space<vmem>>
      %dma_start3A_169 = tpu.memref_squeeze %dma_start3A_168 : memref<1x80x128xf32, #tpu.memory_space<vmem>> -> memref<80x128xf32, #tpu.memory_space<vmem>>
      tpu.enqueue_dma source(%dma_start3A_169 : memref<80x128xf32, #tpu.memory_space<vmem>>) target(%dma_start3A_165 : memref<80x128xf32, #tpu.memory_space<vmem_shared>>) target_semaphore(%run_scoped3A_157 : memref<!tpu.dma_semaphore, #tpu.memory_space<semaphore_mem>>)
      %dma_wait3A_170 = arith.constant 0 : i32
      %dma_wait3A_171 = arith.constant 0 : i32
      %dma_wait3A_172 = tpu.memref_slice %arg7[%run_scoped3A, %dma_wait3A_170, %dma_wait3A_171] : memref<2x80x128xf32, #tpu.memory_space<vmem>> -> memref<1x80x128xf32, #tpu.memory_space<vmem>>
      %dma_wait3A_173 = tpu.memref_squeeze %dma_wait3A_172 : memref<1x80x128xf32, #tpu.memory_space<vmem>> -> memref<80x128xf32, #tpu.memory_space<vmem>>
      %dma_wait3A_174 = arith.constant 0 : i32
      %dma_wait3A_175 = tpu.memref_slice %arg8[%add3A_9, %dma_wait3A_174] : memref<10240x128xf32, #tpu.memory_space<vmem_shared>> -> memref<80x128xf32, #tpu.memory_space<vmem_shared>>
      %dma_wait3A_176 = arith.constant 0 : i32
      %dma_wait3A_177 = tpu.memref_slice %arg8[%add3A_9, %dma_wait3A_176] : memref<10240x128xf32, #tpu.memory_space<vmem_shared>> -> memref<80x128xf32, #tpu.memory_space<vmem_shared>>
      %dma_wait3A_178 = arith.constant 0 : i32
      %dma_wait3A_179 = arith.constant 0 : i32
      %dma_wait3A_180 = tpu.memref_slice %arg7[%run_scoped3A, %dma_wait3A_178, %dma_wait3A_179] : memref<2x80x128xf32, #tpu.memory_space<vmem>> -> memref<1x80x128xf32, #tpu.memory_space<vmem>>
      %dma_wait3A_181 = tpu.memref_squeeze %dma_wait3A_180 : memref<1x80x128xf32, #tpu.memory_space<vmem>> -> memref<80x128xf32, #tpu.memory_space<vmem>>
      tpu.wait_dma2 semaphore(%run_scoped3A_157 : memref<!tpu.dma_semaphore, #tpu.memory_space<semaphore_mem>>) src(%dma_wait3A_181 : memref<80x128xf32, #tpu.memory_space<vmem>>) dst(%dma_wait3A_177 : memref<80x128xf32, #tpu.memory_space<vmem_shared>>)
      tpu.yield
    }) : () -> ()
    %mul3A_10 = arith.constant 640 : i32
    %mul3A_11 = arith.muli %arg1, %mul3A_10 : i32
    %add3A_12 = arith.constant 80 : i32
    %add3A_13 = arith.addi %mul3A_11, %add3A_12 : i32
    %run_scoped3A_14 = arith.constant 0 : i32
    "tpu.region"() ({
      %run_scoped3A_157 = tpu.sem_alloc : memref<!tpu.dma_semaphore, #tpu.memory_space<semaphore_mem>>
      %dma_start3A_158 = arith.constant 0 : i32
      %dma_start3A_159 = arith.constant 0 : i32
      %dma_start3A_160 = tpu.memref_slice %arg7[%run_scoped3A_14, %dma_start3A_158, %dma_start3A_159] : memref<2x80x128xf32, #tpu.memory_space<vmem>> -> memref<1x80x128xf32, #tpu.memory_space<vmem>>
      %dma_start3A_161 = tpu.memref_squeeze %dma_start3A_160 : memref<1x80x128xf32, #tpu.memory_space<vmem>> -> memref<80x128xf32, #tpu.memory_space<vmem>>
      %dma_start3A_162 = arith.constant 0 : i32
      %dma_start3A_163 = tpu.memref_slice %arg8[%add3A_13, %dma_start3A_162] : memref<10240x128xf32, #tpu.memory_space<vmem_shared>> -> memref<80x128xf32, #tpu.memory_space<vmem_shared>>
      %dma_start3A_164 = arith.constant 0 : i32
      %dma_start3A_165 = tpu.memref_slice %arg8[%add3A_13, %dma_start3A_164] : memref<10240x128xf32, #tpu.memory_space<vmem_shared>> -> memref<80x128xf32, #tpu.memory_space<vmem_shared>>
      %dma_start3A_166 = arith.constant 0 : i32
      %dma_start3A_167 = arith.constant 0 : i32
      %dma_start3A_168 = tpu.memref_slice %arg7[%run_scoped3A_14, %dma_start3A_166, %dma_start3A_167] : memref<2x80x128xf32, #tpu.memory_space<vmem>> -> memref<1x80x128xf32, #tpu.memory_space<vmem>>
      %dma_start3A_169 = tpu.memref_squeeze %dma_start3A_168 : memref<1x80x128xf32, #tpu.memory_space<vmem>> -> memref<80x128xf32, #tpu.memory_space<vmem>>
      tpu.enqueue_dma source(%dma_start3A_169 : memref<80x128xf32, #tpu.memory_space<vmem>>) target(%dma_start3A_165 : memref<80x128xf32, #tpu.memory_space<vmem_shared>>) target_semaphore(%run_scoped3A_157 : memref<!tpu.dma_semaphore, #tpu.memory_space<semaphore_mem>>)
      %dma_wait3A_170 = arith.constant 0 : i32
      %dma_wait3A_171 = arith.constant 0 : i32
      %dma_wait3A_172 = tpu.memref_slice %arg7[%run_scoped3A_14, %dma_wait3A_170, %dma_wait3A_171] : memref<2x80x128xf32, #tpu.memory_space<vmem>> -> memref<1x80x128xf32, #tpu.memory_space<vmem>>
      %dma_wait3A_173 = tpu.memref_squeeze %dma_wait3A_172 : memref<1x80x128xf32, #tpu.memory_space<vmem>> -> memref<80x128xf32, #tpu.memory_space<vmem>>
      %dma_wait3A_174 = arith.constant 0 : i32
      %dma_wait3A_175 = tpu.memref_slice %arg8[%add3A_13, %dma_wait3A_174] : memref<10240x128xf32, #tpu.memory_space<vmem_shared>> -> memref<80x128xf32, #tpu.memory_space<vmem_shared>>
      %dma_wait3A_176 = arith.constant 0 : i32
      %dma_wait3A_177 = tpu.memref_slice %arg8[%add3A_13, %dma_wait3A_176] : memref<10240x128xf32, #tpu.memory_space<vmem_shared>> -> memref<80x128xf32, #tpu.memory_space<vmem_shared>>
      %dma_wait3A_178 = arith.constant 0 : i32
      %dma_wait3A_179 = arith.constant 0 : i32
      %dma_wait3A_180 = tpu.memref_slice %arg7[%run_scoped3A_14, %dma_wait3A_178, %dma_wait3A_179] : memref<2x80x128xf32, #tpu.memory_space<vmem>> -> memref<1x80x128xf32, #tpu.memory_space<vmem>>
      %dma_wait3A_181 = tpu.memref_squeeze %dma_wait3A_180 : memref<1x80x128xf32, #tpu.memory_space<vmem>> -> memref<80x128xf32, #tpu.memory_space<vmem>>
      tpu.wait_dma2 semaphore(%run_scoped3A_157 : memref<!tpu.dma_semaphore, #tpu.memory_space<semaphore_mem>>) src(%dma_wait3A_181 : memref<80x128xf32, #tpu.memory_space<vmem>>) dst(%dma_wait3A_177 : memref<80x128xf32, #tpu.memory_space<vmem_shared>>)
      tpu.yield
    }) : () -> ()
    %mul3A_15 = arith.constant 640 : i32
    %mul3A_16 = arith.muli %arg1, %mul3A_15 : i32
    %add3A_17 = arith.constant 160 : i32
    %add3A_18 = arith.addi %mul3A_16, %add3A_17 : i32
    %run_scoped3A_19 = arith.constant 0 : i32
    "tpu.region"() ({
      %run_scoped3A_157 = tpu.sem_alloc : memref<!tpu.dma_semaphore, #tpu.memory_space<semaphore_mem>>
      %dma_start3A_158 = arith.constant 0 : i32
      %dma_start3A_159 = arith.constant 0 : i32
      %dma_start3A_160 = tpu.memref_slice %arg7[%run_scoped3A_19, %dma_start3A_158, %dma_start3A_159] : memref<2x80x128xf32, #tpu.memory_space<vmem>> -> memref<1x80x128xf32, #tpu.memory_space<vmem>>
      %dma_start3A_161 = tpu.memref_squeeze %dma_start3A_160 : memref<1x80x128xf32, #tpu.memory_space<vmem>> -> memref<80x128xf32, #tpu.memory_space<vmem>>
      %dma_start3A_162 = arith.constant 0 : i32
      %dma_start3A_163 = tpu.memref_slice %arg8[%add3A_18, %dma_start3A_162] : memref<10240x128xf32, #tpu.memory_space<vmem_shared>> -> memref<80x128xf32, #tpu.memory_space<vmem_shared>>
      %dma_start3A_164 = arith.constant 0 : i32
      %dma_start3A_165 = tpu.memref_slice %arg8[%add3A_18, %dma_start3A_164] : memref<10240x128xf32, #tpu.memory_space<vmem_shared>> -> memref<80x128xf32, #tpu.memory_space<vmem_shared>>
      %dma_start3A_166 = arith.constant 0 : i32
      %dma_start3A_167 = arith.constant 0 : i32
      %dma_start3A_168 = tpu.memref_slice %arg7[%run_scoped3A_19, %dma_start3A_166, %dma_start3A_167] : memref<2x80x128xf32, #tpu.memory_space<vmem>> -> memref<1x80x128xf32, #tpu.memory_space<vmem>>
      %dma_start3A_169 = tpu.memref_squeeze %dma_start3A_168 : memref<1x80x128xf32, #tpu.memory_space<vmem>> -> memref<80x128xf32, #tpu.memory_space<vmem>>
      tpu.enqueue_dma source(%dma_start3A_169 : memref<80x128xf32, #tpu.memory_space<vmem>>) target(%dma_start3A_165 : memref<80x128xf32, #tpu.memory_space<vmem_shared>>) target_semaphore(%run_scoped3A_157 : memref<!tpu.dma_semaphore, #tpu.memory_space<semaphore_mem>>)
      %dma_wait3A_170 = arith.constant 0 : i32
      %dma_wait3A_171 = arith.constant 0 : i32
      %dma_wait3A_172 = tpu.memref_slice %arg7[%run_scoped3A_19, %dma_wait3A_170, %dma_wait3A_171] : memref<2x80x128xf32, #tpu.memory_space<vmem>> -> memref<1x80x128xf32, #tpu.memory_space<vmem>>
      %dma_wait3A_173 = tpu.memref_squeeze %dma_wait3A_172 : memref<1x80x128xf32, #tpu.memory_space<vmem>> -> memref<80x128xf32, #tpu.memory_space<vmem>>
      %dma_wait3A_174 = arith.constant 0 : i32
      %dma_wait3A_175 = tpu.memref_slice %arg8[%add3A_18, %dma_wait3A_174] : memref<10240x128xf32, #tpu.memory_space<vmem_shared>> -> memref<80x128xf32, #tpu.memory_space<vmem_shared>>
      %dma_wait3A_176 = arith.constant 0 : i32
      %dma_wait3A_177 = tpu.memref_slice %arg8[%add3A_18, %dma_wait3A_176] : memref<10240x128xf32, #tpu.memory_space<vmem_shared>> -> memref<80x128xf32, #tpu.memory_space<vmem_shared>>
      %dma_wait3A_178 = arith.constant 0 : i32
      %dma_wait3A_179 = arith.constant 0 : i32
      %dma_wait3A_180 = tpu.memref_slice %arg7[%run_scoped3A_19, %dma_wait3A_178, %dma_wait3A_179] : memref<2x80x128xf32, #tpu.memory_space<vmem>> -> memref<1x80x128xf32, #tpu.memory_space<vmem>>
      %dma_wait3A_181 = tpu.memref_squeeze %dma_wait3A_180 : memref<1x80x128xf32, #tpu.memory_space<vmem>> -> memref<80x128xf32, #tpu.memory_space<vmem>>
      tpu.wait_dma2 semaphore(%run_scoped3A_157 : memref<!tpu.dma_semaphore, #tpu.memory_space<semaphore_mem>>) src(%dma_wait3A_181 : memref<80x128xf32, #tpu.memory_space<vmem>>) dst(%dma_wait3A_177 : memref<80x128xf32, #tpu.memory_space<vmem_shared>>)
      tpu.yield
    }) : () -> ()
    %mul3A_20 = arith.constant 640 : i32
    %mul3A_21 = arith.muli %arg1, %mul3A_20 : i32
    %add3A_22 = arith.constant 240 : i32
    %add3A_23 = arith.addi %mul3A_21, %add3A_22 : i32
    %run_scoped3A_24 = arith.constant 0 : i32
    "tpu.region"() ({
      %run_scoped3A_157 = tpu.sem_alloc : memref<!tpu.dma_semaphore, #tpu.memory_space<semaphore_mem>>
      %dma_start3A_158 = arith.constant 0 : i32
      %dma_start3A_159 = arith.constant 0 : i32
      %dma_start3A_160 = tpu.memref_slice %arg7[%run_scoped3A_24, %dma_start3A_158, %dma_start3A_159] : memref<2x80x128xf32, #tpu.memory_space<vmem>> -> memref<1x80x128xf32, #tpu.memory_space<vmem>>
      %dma_start3A_161 = tpu.memref_squeeze %dma_start3A_160 : memref<1x80x128xf32, #tpu.memory_space<vmem>> -> memref<80x128xf32, #tpu.memory_space<vmem>>
      %dma_start3A_162 = arith.constant 0 : i32
      %dma_start3A_163 = tpu.memref_slice %arg8[%add3A_23, %dma_start3A_162] : memref<10240x128xf32, #tpu.memory_space<vmem_shared>> -> memref<80x128xf32, #tpu.memory_space<vmem_shared>>
      %dma_start3A_164 = arith.constant 0 : i32
      %dma_start3A_165 = tpu.memref_slice %arg8[%add3A_23, %dma_start3A_164] : memref<10240x128xf32, #tpu.memory_space<vmem_shared>> -> memref<80x128xf32, #tpu.memory_space<vmem_shared>>
      %dma_start3A_166 = arith.constant 0 : i32
      %dma_start3A_167 = arith.constant 0 : i32
      %dma_start3A_168 = tpu.memref_slice %arg7[%run_scoped3A_24, %dma_start3A_166, %dma_start3A_167] : memref<2x80x128xf32, #tpu.memory_space<vmem>> -> memref<1x80x128xf32, #tpu.memory_space<vmem>>
      %dma_start3A_169 = tpu.memref_squeeze %dma_start3A_168 : memref<1x80x128xf32, #tpu.memory_space<vmem>> -> memref<80x128xf32, #tpu.memory_space<vmem>>
      tpu.enqueue_dma source(%dma_start3A_169 : memref<80x128xf32, #tpu.memory_space<vmem>>) target(%dma_start3A_165 : memref<80x128xf32, #tpu.memory_space<vmem_shared>>) target_semaphore(%run_scoped3A_157 : memref<!tpu.dma_semaphore, #tpu.memory_space<semaphore_mem>>)
      %dma_wait3A_170 = arith.constant 0 : i32
      %dma_wait3A_171 = arith.constant 0 : i32
      %dma_wait3A_172 = tpu.memref_slice %arg7[%run_scoped3A_24, %dma_wait3A_170, %dma_wait3A_171] : memref<2x80x128xf32, #tpu.memory_space<vmem>> -> memref<1x80x128xf32, #tpu.memory_space<vmem>>
      %dma_wait3A_173 = tpu.memref_squeeze %dma_wait3A_172 : memref<1x80x128xf32, #tpu.memory_space<vmem>> -> memref<80x128xf32, #tpu.memory_space<vmem>>
      %dma_wait3A_174 = arith.constant 0 : i32
      %dma_wait3A_175 = tpu.memref_slice %arg8[%add3A_23, %dma_wait3A_174] : memref<10240x128xf32, #tpu.memory_space<vmem_shared>> -> memref<80x128xf32, #tpu.memory_space<vmem_shared>>
      %dma_wait3A_176 = arith.constant 0 : i32
      %dma_wait3A_177 = tpu.memref_slice %arg8[%add3A_23, %dma_wait3A_176] : memref<10240x128xf32, #tpu.memory_space<vmem_shared>> -> memref<80x128xf32, #tpu.memory_space<vmem_shared>>
      %dma_wait3A_178 = arith.constant 0 : i32
      %dma_wait3A_179 = arith.constant 0 : i32
      %dma_wait3A_180 = tpu.memref_slice %arg7[%run_scoped3A_24, %dma_wait3A_178, %dma_wait3A_179] : memref<2x80x128xf32, #tpu.memory_space<vmem>> -> memref<1x80x128xf32, #tpu.memory_space<vmem>>
      %dma_wait3A_181 = tpu.memref_squeeze %dma_wait3A_180 : memref<1x80x128xf32, #tpu.memory_space<vmem>> -> memref<80x128xf32, #tpu.memory_space<vmem>>
      tpu.wait_dma2 semaphore(%run_scoped3A_157 : memref<!tpu.dma_semaphore, #tpu.memory_space<semaphore_mem>>) src(%dma_wait3A_181 : memref<80x128xf32, #tpu.memory_space<vmem>>) dst(%dma_wait3A_177 : memref<80x128xf32, #tpu.memory_space<vmem_shared>>)
      tpu.yield
    }) : () -> ()
    %mul3A_25 = arith.constant 640 : i32
    %mul3A_26 = arith.muli %arg1, %mul3A_25 : i32
    %add3A_27 = arith.constant 320 : i32
    %add3A_28 = arith.addi %mul3A_26, %add3A_27 : i32
    %run_scoped3A_29 = arith.constant 0 : i32
    "tpu.region"() ({
      %run_scoped3A_157 = tpu.sem_alloc : memref<!tpu.dma_semaphore, #tpu.memory_space<semaphore_mem>>
      %dma_start3A_158 = arith.constant 0 : i32
      %dma_start3A_159 = arith.constant 0 : i32
      %dma_start3A_160 = tpu.memref_slice %arg7[%run_scoped3A_29, %dma_start3A_158, %dma_start3A_159] : memref<2x80x128xf32, #tpu.memory_space<vmem>> -> memref<1x80x128xf32, #tpu.memory_space<vmem>>
      %dma_start3A_161 = tpu.memref_squeeze %dma_start3A_160 : memref<1x80x128xf32, #tpu.memory_space<vmem>> -> memref<80x128xf32, #tpu.memory_space<vmem>>
      %dma_start3A_162 = arith.constant 0 : i32
      %dma_start3A_163 = tpu.memref_slice %arg8[%add3A_28, %dma_start3A_162] : memref<10240x128xf32, #tpu.memory_space<vmem_shared>> -> memref<80x128xf32, #tpu.memory_space<vmem_shared>>
      %dma_start3A_164 = arith.constant 0 : i32
      %dma_start3A_165 = tpu.memref_slice %arg8[%add3A_28, %dma_start3A_164] : memref<10240x128xf32, #tpu.memory_space<vmem_shared>> -> memref<80x128xf32, #tpu.memory_space<vmem_shared>>
      %dma_start3A_166 = arith.constant 0 : i32
      %dma_start3A_167 = arith.constant 0 : i32
      %dma_start3A_168 = tpu.memref_slice %arg7[%run_scoped3A_29, %dma_start3A_166, %dma_start3A_167] : memref<2x80x128xf32, #tpu.memory_space<vmem>> -> memref<1x80x128xf32, #tpu.memory_space<vmem>>
      %dma_start3A_169 = tpu.memref_squeeze %dma_start3A_168 : memref<1x80x128xf32, #tpu.memory_space<vmem>> -> memref<80x128xf32, #tpu.memory_space<vmem>>
      tpu.enqueue_dma source(%dma_start3A_169 : memref<80x128xf32, #tpu.memory_space<vmem>>) target(%dma_start3A_165 : memref<80x128xf32, #tpu.memory_space<vmem_shared>>) target_semaphore(%run_scoped3A_157 : memref<!tpu.dma_semaphore, #tpu.memory_space<semaphore_mem>>)
      %dma_wait3A_170 = arith.constant 0 : i32
      %dma_wait3A_171 = arith.constant 0 : i32
      %dma_wait3A_172 = tpu.memref_slice %arg7[%run_scoped3A_29, %dma_wait3A_170, %dma_wait3A_171] : memref<2x80x128xf32, #tpu.memory_space<vmem>> -> memref<1x80x128xf32, #tpu.memory_space<vmem>>
      %dma_wait3A_173 = tpu.memref_squeeze %dma_wait3A_172 : memref<1x80x128xf32, #tpu.memory_space<vmem>> -> memref<80x128xf32, #tpu.memory_space<vmem>>
      %dma_wait3A_174 = arith.constant 0 : i32
      %dma_wait3A_175 = tpu.memref_slice %arg8[%add3A_28, %dma_wait3A_174] : memref<10240x128xf32, #tpu.memory_space<vmem_shared>> -> memref<80x128xf32, #tpu.memory_space<vmem_shared>>
      %dma_wait3A_176 = arith.constant 0 : i32
      %dma_wait3A_177 = tpu.memref_slice %arg8[%add3A_28, %dma_wait3A_176] : memref<10240x128xf32, #tpu.memory_space<vmem_shared>> -> memref<80x128xf32, #tpu.memory_space<vmem_shared>>
      %dma_wait3A_178 = arith.constant 0 : i32
      %dma_wait3A_179 = arith.constant 0 : i32
      %dma_wait3A_180 = tpu.memref_slice %arg7[%run_scoped3A_29, %dma_wait3A_178, %dma_wait3A_179] : memref<2x80x128xf32, #tpu.memory_space<vmem>> -> memref<1x80x128xf32, #tpu.memory_space<vmem>>
      %dma_wait3A_181 = tpu.memref_squeeze %dma_wait3A_180 : memref<1x80x128xf32, #tpu.memory_space<vmem>> -> memref<80x128xf32, #tpu.memory_space<vmem>>
      tpu.wait_dma2 semaphore(%run_scoped3A_157 : memref<!tpu.dma_semaphore, #tpu.memory_space<semaphore_mem>>) src(%dma_wait3A_181 : memref<80x128xf32, #tpu.memory_space<vmem>>) dst(%dma_wait3A_177 : memref<80x128xf32, #tpu.memory_space<vmem_shared>>)
      tpu.yield
    }) : () -> ()
    %mul3A_30 = arith.constant 640 : i32
    %mul3A_31 = arith.muli %arg1, %mul3A_30 : i32
    %add3A_32 = arith.constant 400 : i32
    %add3A_33 = arith.addi %mul3A_31, %add3A_32 : i32
    %run_scoped3A_34 = arith.constant 0 : i32
    "tpu.region"() ({
      %run_scoped3A_157 = tpu.sem_alloc : memref<!tpu.dma_semaphore, #tpu.memory_space<semaphore_mem>>
      %dma_start3A_158 = arith.constant 0 : i32
      %dma_start3A_159 = arith.constant 0 : i32
      %dma_start3A_160 = tpu.memref_slice %arg7[%run_scoped3A_34, %dma_start3A_158, %dma_start3A_159] : memref<2x80x128xf32, #tpu.memory_space<vmem>> -> memref<1x80x128xf32, #tpu.memory_space<vmem>>
      %dma_start3A_161 = tpu.memref_squeeze %dma_start3A_160 : memref<1x80x128xf32, #tpu.memory_space<vmem>> -> memref<80x128xf32, #tpu.memory_space<vmem>>
      %dma_start3A_162 = arith.constant 0 : i32
      %dma_start3A_163 = tpu.memref_slice %arg8[%add3A_33, %dma_start3A_162] : memref<10240x128xf32, #tpu.memory_space<vmem_shared>> -> memref<80x128xf32, #tpu.memory_space<vmem_shared>>
      %dma_start3A_164 = arith.constant 0 : i32
      %dma_start3A_165 = tpu.memref_slice %arg8[%add3A_33, %dma_start3A_164] : memref<10240x128xf32, #tpu.memory_space<vmem_shared>> -> memref<80x128xf32, #tpu.memory_space<vmem_shared>>
      %dma_start3A_166 = arith.constant 0 : i32
      %dma_start3A_167 = arith.constant 0 : i32
      %dma_start3A_168 = tpu.memref_slice %arg7[%run_scoped3A_34, %dma_start3A_166, %dma_start3A_167] : memref<2x80x128xf32, #tpu.memory_space<vmem>> -> memref<1x80x128xf32, #tpu.memory_space<vmem>>
      %dma_start3A_169 = tpu.memref_squeeze %dma_start3A_168 : memref<1x80x128xf32, #tpu.memory_space<vmem>> -> memref<80x128xf32, #tpu.memory_space<vmem>>
      tpu.enqueue_dma source(%dma_start3A_169 : memref<80x128xf32, #tpu.memory_space<vmem>>) target(%dma_start3A_165 : memref<80x128xf32, #tpu.memory_space<vmem_shared>>) target_semaphore(%run_scoped3A_157 : memref<!tpu.dma_semaphore, #tpu.memory_space<semaphore_mem>>)
      %dma_wait3A_170 = arith.constant 0 : i32
      %dma_wait3A_171 = arith.constant 0 : i32
      %dma_wait3A_172 = tpu.memref_slice %arg7[%run_scoped3A_34, %dma_wait3A_170, %dma_wait3A_171] : memref<2x80x128xf32, #tpu.memory_space<vmem>> -> memref<1x80x128xf32, #tpu.memory_space<vmem>>
      %dma_wait3A_173 = tpu.memref_squeeze %dma_wait3A_172 : memref<1x80x128xf32, #tpu.memory_space<vmem>> -> memref<80x128xf32, #tpu.memory_space<vmem>>
      %dma_wait3A_174 = arith.constant 0 : i32
      %dma_wait3A_175 = tpu.memref_slice %arg8[%add3A_33, %dma_wait3A_174] : memref<10240x128xf32, #tpu.memory_space<vmem_shared>> -> memref<80x128xf32, #tpu.memory_space<vmem_shared>>
      %dma_wait3A_176 = arith.constant 0 : i32
      %dma_wait3A_177 = tpu.memref_slice %arg8[%add3A_33, %dma_wait3A_176] : memref<10240x128xf32, #tpu.memory_space<vmem_shared>> -> memref<80x128xf32, #tpu.memory_space<vmem_shared>>
      %dma_wait3A_178 = arith.constant 0 : i32
      %dma_wait3A_179 = arith.constant 0 : i32
      %dma_wait3A_180 = tpu.memref_slice %arg7[%run_scoped3A_34, %dma_wait3A_178, %dma_wait3A_179] : memref<2x80x128xf32, #tpu.memory_space<vmem>> -> memref<1x80x128xf32, #tpu.memory_space<vmem>>
      %dma_wait3A_181 = tpu.memref_squeeze %dma_wait3A_180 : memref<1x80x128xf32, #tpu.memory_space<vmem>> -> memref<80x128xf32, #tpu.memory_space<vmem>>
      tpu.wait_dma2 semaphore(%run_scoped3A_157 : memref<!tpu.dma_semaphore, #tpu.memory_space<semaphore_mem>>) src(%dma_wait3A_181 : memref<80x128xf32, #tpu.memory_space<vmem>>) dst(%dma_wait3A_177 : memref<80x128xf32, #tpu.memory_space<vmem_shared>>)
      tpu.yield
    }) : () -> ()
    %mul3A_35 = arith.constant 640 : i32
    %mul3A_36 = arith.muli %arg1, %mul3A_35 : i32
    %add3A_37 = arith.constant 480 : i32
    %add3A_38 = arith.addi %mul3A_36, %add3A_37 : i32
    %run_scoped3A_39 = arith.constant 0 : i32
    "tpu.region"() ({
      %run_scoped3A_157 = tpu.sem_alloc : memref<!tpu.dma_semaphore, #tpu.memory_space<semaphore_mem>>
      %dma_start3A_158 = arith.constant 0 : i32
      %dma_start3A_159 = arith.constant 0 : i32
      %dma_start3A_160 = tpu.memref_slice %arg7[%run_scoped3A_39, %dma_start3A_158, %dma_start3A_159] : memref<2x80x128xf32, #tpu.memory_space<vmem>> -> memref<1x80x128xf32, #tpu.memory_space<vmem>>
      %dma_start3A_161 = tpu.memref_squeeze %dma_start3A_160 : memref<1x80x128xf32, #tpu.memory_space<vmem>> -> memref<80x128xf32, #tpu.memory_space<vmem>>
      %dma_start3A_162 = arith.constant 0 : i32
      %dma_start3A_163 = tpu.memref_slice %arg8[%add3A_38, %dma_start3A_162] : memref<10240x128xf32, #tpu.memory_space<vmem_shared>> -> memref<80x128xf32, #tpu.memory_space<vmem_shared>>
      %dma_start3A_164 = arith.constant 0 : i32
      %dma_start3A_165 = tpu.memref_slice %arg8[%add3A_38, %dma_start3A_164] : memref<10240x128xf32, #tpu.memory_space<vmem_shared>> -> memref<80x128xf32, #tpu.memory_space<vmem_shared>>
      %dma_start3A_166 = arith.constant 0 : i32
      %dma_start3A_167 = arith.constant 0 : i32
      %dma_start3A_168 = tpu.memref_slice %arg7[%run_scoped3A_39, %dma_start3A_166, %dma_start3A_167] : memref<2x80x128xf32, #tpu.memory_space<vmem>> -> memref<1x80x128xf32, #tpu.memory_space<vmem>>
      %dma_start3A_169 = tpu.memref_squeeze %dma_start3A_168 : memref<1x80x128xf32, #tpu.memory_space<vmem>> -> memref<80x128xf32, #tpu.memory_space<vmem>>
      tpu.enqueue_dma source(%dma_start3A_169 : memref<80x128xf32, #tpu.memory_space<vmem>>) target(%dma_start3A_165 : memref<80x128xf32, #tpu.memory_space<vmem_shared>>) target_semaphore(%run_scoped3A_157 : memref<!tpu.dma_semaphore, #tpu.memory_space<semaphore_mem>>)
      %dma_wait3A_170 = arith.constant 0 : i32
      %dma_wait3A_171 = arith.constant 0 : i32
      %dma_wait3A_172 = tpu.memref_slice %arg7[%run_scoped3A_39, %dma_wait3A_170, %dma_wait3A_171] : memref<2x80x128xf32, #tpu.memory_space<vmem>> -> memref<1x80x128xf32, #tpu.memory_space<vmem>>
      %dma_wait3A_173 = tpu.memref_squeeze %dma_wait3A_172 : memref<1x80x128xf32, #tpu.memory_space<vmem>> -> memref<80x128xf32, #tpu.memory_space<vmem>>
      %dma_wait3A_174 = arith.constant 0 : i32
      %dma_wait3A_175 = tpu.memref_slice %arg8[%add3A_38, %dma_wait3A_174] : memref<10240x128xf32, #tpu.memory_space<vmem_shared>> -> memref<80x128xf32, #tpu.memory_space<vmem_shared>>
      %dma_wait3A_176 = arith.constant 0 : i32
      %dma_wait3A_177 = tpu.memref_slice %arg8[%add3A_38, %dma_wait3A_176] : memref<10240x128xf32, #tpu.memory_space<vmem_shared>> -> memref<80x128xf32, #tpu.memory_space<vmem_shared>>
      %dma_wait3A_178 = arith.constant 0 : i32
      %dma_wait3A_179 = arith.constant 0 : i32
      %dma_wait3A_180 = tpu.memref_slice %arg7[%run_scoped3A_39, %dma_wait3A_178, %dma_wait3A_179] : memref<2x80x128xf32, #tpu.memory_space<vmem>> -> memref<1x80x128xf32, #tpu.memory_space<vmem>>
      %dma_wait3A_181 = tpu.memref_squeeze %dma_wait3A_180 : memref<1x80x128xf32, #tpu.memory_space<vmem>> -> memref<80x128xf32, #tpu.memory_space<vmem>>
      tpu.wait_dma2 semaphore(%run_scoped3A_157 : memref<!tpu.dma_semaphore, #tpu.memory_space<semaphore_mem>>) src(%dma_wait3A_181 : memref<80x128xf32, #tpu.memory_space<vmem>>) dst(%dma_wait3A_177 : memref<80x128xf32, #tpu.memory_space<vmem_shared>>)
      tpu.yield
    }) : () -> ()
    %mul3A_40 = arith.constant 640 : i32
    %mul3A_41 = arith.muli %arg1, %mul3A_40 : i32
    %add3A_42 = arith.constant 560 : i32
    %add3A_43 = arith.addi %mul3A_41, %add3A_42 : i32
    %run_scoped3A_44 = arith.constant 0 : i32
    "tpu.region"() ({
      %run_scoped3A_157 = tpu.sem_alloc : memref<!tpu.dma_semaphore, #tpu.memory_space<semaphore_mem>>
      %dma_start3A_158 = arith.constant 0 : i32
      %dma_start3A_159 = arith.constant 0 : i32
      %dma_start3A_160 = tpu.memref_slice %arg7[%run_scoped3A_44, %dma_start3A_158, %dma_start3A_159] : memref<2x80x128xf32, #tpu.memory_space<vmem>> -> memref<1x80x128xf32, #tpu.memory_space<vmem>>
      %dma_start3A_161 = tpu.memref_squeeze %dma_start3A_160 : memref<1x80x128xf32, #tpu.memory_space<vmem>> -> memref<80x128xf32, #tpu.memory_space<vmem>>
      %dma_start3A_162 = arith.constant 0 : i32
      %dma_start3A_163 = tpu.memref_slice %arg8[%add3A_43, %dma_start3A_162] : memref<10240x128xf32, #tpu.memory_space<vmem_shared>> -> memref<80x128xf32, #tpu.memory_space<vmem_shared>>
      %dma_start3A_164 = arith.constant 0 : i32
      %dma_start3A_165 = tpu.memref_slice %arg8[%add3A_43, %dma_start3A_164] : memref<10240x128xf32, #tpu.memory_space<vmem_shared>> -> memref<80x128xf32, #tpu.memory_space<vmem_shared>>
      %dma_start3A_166 = arith.constant 0 : i32
      %dma_start3A_167 = arith.constant 0 : i32
      %dma_start3A_168 = tpu.memref_slice %arg7[%run_scoped3A_44, %dma_start3A_166, %dma_start3A_167] : memref<2x80x128xf32, #tpu.memory_space<vmem>> -> memref<1x80x128xf32, #tpu.memory_space<vmem>>
      %dma_start3A_169 = tpu.memref_squeeze %dma_start3A_168 : memref<1x80x128xf32, #tpu.memory_space<vmem>> -> memref<80x128xf32, #tpu.memory_space<vmem>>
      tpu.enqueue_dma source(%dma_start3A_169 : memref<80x128xf32, #tpu.memory_space<vmem>>) target(%dma_start3A_165 : memref<80x128xf32, #tpu.memory_space<vmem_shared>>) target_semaphore(%run_scoped3A_157 : memref<!tpu.dma_semaphore, #tpu.memory_space<semaphore_mem>>)
      %dma_wait3A_170 = arith.constant 0 : i32
      %dma_wait3A_171 = arith.constant 0 : i32
      %dma_wait3A_172 = tpu.memref_slice %arg7[%run_scoped3A_44, %dma_wait3A_170, %dma_wait3A_171] : memref<2x80x128xf32, #tpu.memory_space<vmem>> -> memref<1x80x128xf32, #tpu.memory_space<vmem>>
      %dma_wait3A_173 = tpu.memref_squeeze %dma_wait3A_172 : memref<1x80x128xf32, #tpu.memory_space<vmem>> -> memref<80x128xf32, #tpu.memory_space<vmem>>
      %dma_wait3A_174 = arith.constant 0 : i32
      %dma_wait3A_175 = tpu.memref_slice %arg8[%add3A_43, %dma_wait3A_174] : memref<10240x128xf32, #tpu.memory_space<vmem_shared>> -> memref<80x128xf32, #tpu.memory_space<vmem_shared>>
      %dma_wait3A_176 = arith.constant 0 : i32
      %dma_wait3A_177 = tpu.memref_slice %arg8[%add3A_43, %dma_wait3A_176] : memref<10240x128xf32, #tpu.memory_space<vmem_shared>> -> memref<80x128xf32, #tpu.memory_space<vmem_shared>>
      %dma_wait3A_178 = arith.constant 0 : i32
      %dma_wait3A_179 = arith.constant 0 : i32
      %dma_wait3A_180 = tpu.memref_slice %arg7[%run_scoped3A_44, %dma_wait3A_178, %dma_wait3A_179] : memref<2x80x128xf32, #tpu.memory_space<vmem>> -> memref<1x80x128xf32, #tpu.memory_space<vmem>>
      %dma_wait3A_181 = tpu.memref_squeeze %dma_wait3A_180 : memref<1x80x128xf32, #tpu.memory_space<vmem>> -> memref<80x128xf32, #tpu.memory_space<vmem>>
      tpu.wait_dma2 semaphore(%run_scoped3A_157 : memref<!tpu.dma_semaphore, #tpu.memory_space<semaphore_mem>>) src(%dma_wait3A_181 : memref<80x128xf32, #tpu.memory_space<vmem>>) dst(%dma_wait3A_177 : memref<80x128xf32, #tpu.memory_space<vmem_shared>>)
      tpu.yield
    }) : () -> ()
    %barrier3A = arith.constant 0 : index
    tpu.barrier barrier_id(%barrier3A)
    %dma_start3A = arith.constant 0 : i32
    %dma_start3A_45 = arith.constant 0 : i32
    %dma_start3A_46 = arith.constant 0 : i32
    %dma_start3A_47 = arith.constant 0 : i32
    %dma_start3A_48 = tpu.memref_slice %arg6[%dma_start3A_45, %dma_start3A_46, %dma_start3A_47] : memref<3x2x80xi32, #tpu.memory_space<vmem>> -> memref<1x1x80xi32, #tpu.memory_space<vmem>>
    %dma_start3A_49 = tpu.memref_squeeze %dma_start3A_48 : memref<1x1x80xi32, #tpu.memory_space<vmem>> -> memref<80xi32, #tpu.memory_space<vmem>>
    %dma_start3A_50 = arith.constant 0 : i32
    %dma_start3A_51 = tpu.memref_slice %arg3[%add3A, %dma_start3A, %dma_start3A_50] : memref<32x125x80xi32, #tpu.memory_space<hbm>> -> memref<1x1x80xi32, #tpu.memory_space<hbm>>
    %dma_start3A_52 = tpu.memref_squeeze %dma_start3A_51 : memref<1x1x80xi32, #tpu.memory_space<hbm>> -> memref<80xi32, #tpu.memory_space<hbm>>
    %dma_start3A_53 = arith.constant 0 : i32
    %dma_start3A_54 = tpu.memref_slice %arg6[%dma_start3A_45, %dma_start3A_46, %dma_start3A_53] : memref<3x2x80xi32, #tpu.memory_space<vmem>> -> memref<1x1x80xi32, #tpu.memory_space<vmem>>
    %dma_start3A_55 = tpu.memref_squeeze %dma_start3A_54 : memref<1x1x80xi32, #tpu.memory_space<vmem>> -> memref<80xi32, #tpu.memory_space<vmem>>
    %dma_start3A_56 = arith.constant 0 : i32
    %dma_start3A_57 = tpu.memref_slice %arg3[%add3A, %dma_start3A, %dma_start3A_56] : memref<32x125x80xi32, #tpu.memory_space<hbm>> -> memref<1x1x80xi32, #tpu.memory_space<hbm>>
    %dma_start3A_58 = tpu.memref_squeeze %dma_start3A_57 : memref<1x1x80xi32, #tpu.memory_space<hbm>> -> memref<80xi32, #tpu.memory_space<hbm>>
    tpu.enqueue_dma source(%dma_start3A_58 : memref<80xi32, #tpu.memory_space<hbm>>) target(%dma_start3A_55 : memref<80xi32, #tpu.memory_space<vmem>>) target_semaphore(%arg11 : memref<!tpu.dma_semaphore, #tpu.memory_space<semaphore_mem>>)
    %dma_start3A_59 = arith.constant 0 : i32
    %dma_start3A_60 = arith.constant 0 : i32
    %dma_start3A_61 = arith.constant 1 : i32
    %dma_start3A_62 = arith.constant 0 : i32
    %dma_start3A_63 = tpu.memref_slice %arg6[%dma_start3A_60, %dma_start3A_61, %dma_start3A_62] : memref<3x2x80xi32, #tpu.memory_space<vmem>> -> memref<1x1x80xi32, #tpu.memory_space<vmem>>
    %dma_start3A_64 = tpu.memref_squeeze %dma_start3A_63 : memref<1x1x80xi32, #tpu.memory_space<vmem>> -> memref<80xi32, #tpu.memory_space<vmem>>
    %dma_start3A_65 = arith.constant 0 : i32
    %dma_start3A_66 = tpu.memref_slice %arg4[%add3A, %dma_start3A_59, %dma_start3A_65] : memref<32x125x80xi32, #tpu.memory_space<hbm>> -> memref<1x1x80xi32, #tpu.memory_space<hbm>>
    %dma_start3A_67 = tpu.memref_squeeze %dma_start3A_66 : memref<1x1x80xi32, #tpu.memory_space<hbm>> -> memref<80xi32, #tpu.memory_space<hbm>>
    %dma_start3A_68 = arith.constant 0 : i32
    %dma_start3A_69 = tpu.memref_slice %arg6[%dma_start3A_60, %dma_start3A_61, %dma_start3A_68] : memref<3x2x80xi32, #tpu.memory_space<vmem>> -> memref<1x1x80xi32, #tpu.memory_space<vmem>>
    %dma_start3A_70 = tpu.memref_squeeze %dma_start3A_69 : memref<1x1x80xi32, #tpu.memory_space<vmem>> -> memref<80xi32, #tpu.memory_space<vmem>>
    %dma_start3A_71 = arith.constant 0 : i32
    %dma_start3A_72 = tpu.memref_slice %arg4[%add3A, %dma_start3A_59, %dma_start3A_71] : memref<32x125x80xi32, #tpu.memory_space<hbm>> -> memref<1x1x80xi32, #tpu.memory_space<hbm>>
    %dma_start3A_73 = tpu.memref_squeeze %dma_start3A_72 : memref<1x1x80xi32, #tpu.memory_space<hbm>> -> memref<80xi32, #tpu.memory_space<hbm>>
    tpu.enqueue_dma source(%dma_start3A_73 : memref<80xi32, #tpu.memory_space<hbm>>) target(%dma_start3A_70 : memref<80xi32, #tpu.memory_space<vmem>>) target_semaphore(%arg11 : memref<!tpu.dma_semaphore, #tpu.memory_space<semaphore_mem>>)
    %dma_start3A_74 = arith.constant 1 : i32
    %dma_start3A_75 = arith.constant 1 : i32
    %dma_start3A_76 = arith.constant 0 : i32
    %dma_start3A_77 = arith.constant 0 : i32
    %dma_start3A_78 = tpu.memref_slice %arg6[%dma_start3A_75, %dma_start3A_76, %dma_start3A_77] : memref<3x2x80xi32, #tpu.memory_space<vmem>> -> memref<1x1x80xi32, #tpu.memory_space<vmem>>
    %dma_start3A_79 = tpu.memref_squeeze %dma_start3A_78 : memref<1x1x80xi32, #tpu.memory_space<vmem>> -> memref<80xi32, #tpu.memory_space<vmem>>
    %dma_start3A_80 = arith.constant 0 : i32
    %dma_start3A_81 = tpu.memref_slice %arg3[%add3A, %dma_start3A_74, %dma_start3A_80] : memref<32x125x80xi32, #tpu.memory_space<hbm>> -> memref<1x1x80xi32, #tpu.memory_space<hbm>>
    %dma_start3A_82 = tpu.memref_squeeze %dma_start3A_81 : memref<1x1x80xi32, #tpu.memory_space<hbm>> -> memref<80xi32, #tpu.memory_space<hbm>>
    %dma_start3A_83 = arith.constant 0 : i32
    %dma_start3A_84 = tpu.memref_slice %arg6[%dma_start3A_75, %dma_start3A_76, %dma_start3A_83] : memref<3x2x80xi32, #tpu.memory_space<vmem>> -> memref<1x1x80xi32, #tpu.memory_space<vmem>>
    %dma_start3A_85 = tpu.memref_squeeze %dma_start3A_84 : memref<1x1x80xi32, #tpu.memory_space<vmem>> -> memref<80xi32, #tpu.memory_space<vmem>>
    %dma_start3A_86 = arith.constant 0 : i32
    %dma_start3A_87 = tpu.memref_slice %arg3[%add3A, %dma_start3A_74, %dma_start3A_86] : memref<32x125x80xi32, #tpu.memory_space<hbm>> -> memref<1x1x80xi32, #tpu.memory_space<hbm>>
    %dma_start3A_88 = tpu.memref_squeeze %dma_start3A_87 : memref<1x1x80xi32, #tpu.memory_space<hbm>> -> memref<80xi32, #tpu.memory_space<hbm>>
    tpu.enqueue_dma source(%dma_start3A_88 : memref<80xi32, #tpu.memory_space<hbm>>) target(%dma_start3A_85 : memref<80xi32, #tpu.memory_space<vmem>>) target_semaphore(%arg12 : memref<!tpu.dma_semaphore, #tpu.memory_space<semaphore_mem>>)
    %dma_start3A_89 = arith.constant 1 : i32
    %dma_start3A_90 = arith.constant 1 : i32
    %dma_start3A_91 = arith.constant 1 : i32
    %dma_start3A_92 = arith.constant 0 : i32
    %dma_start3A_93 = tpu.memref_slice %arg6[%dma_start3A_90, %dma_start3A_91, %dma_start3A_92] : memref<3x2x80xi32, #tpu.memory_space<vmem>> -> memref<1x1x80xi32, #tpu.memory_space<vmem>>
    %dma_start3A_94 = tpu.memref_squeeze %dma_start3A_93 : memref<1x1x80xi32, #tpu.memory_space<vmem>> -> memref<80xi32, #tpu.memory_space<vmem>>
    %dma_start3A_95 = arith.constant 0 : i32
    %dma_start3A_96 = tpu.memref_slice %arg4[%add3A, %dma_start3A_89, %dma_start3A_95] : memref<32x125x80xi32, #tpu.memory_space<hbm>> -> memref<1x1x80xi32, #tpu.memory_space<hbm>>
    %dma_start3A_97 = tpu.memref_squeeze %dma_start3A_96 : memref<1x1x80xi32, #tpu.memory_space<hbm>> -> memref<80xi32, #tpu.memory_space<hbm>>
    %dma_start3A_98 = arith.constant 0 : i32
    %dma_start3A_99 = tpu.memref_slice %arg6[%dma_start3A_90, %dma_start3A_91, %dma_start3A_98] : memref<3x2x80xi32, #tpu.memory_space<vmem>> -> memref<1x1x80xi32, #tpu.memory_space<vmem>>
    %dma_start3A_100 = tpu.memref_squeeze %dma_start3A_99 : memref<1x1x80xi32, #tpu.memory_space<vmem>> -> memref<80xi32, #tpu.memory_space<vmem>>
    %dma_start3A_101 = arith.constant 0 : i32
    %dma_start3A_102 = tpu.memref_slice %arg4[%add3A, %dma_start3A_89, %dma_start3A_101] : memref<32x125x80xi32, #tpu.memory_space<hbm>> -> memref<1x1x80xi32, #tpu.memory_space<hbm>>
    %dma_start3A_103 = tpu.memref_squeeze %dma_start3A_102 : memref<1x1x80xi32, #tpu.memory_space<hbm>> -> memref<80xi32, #tpu.memory_space<hbm>>
    tpu.enqueue_dma source(%dma_start3A_103 : memref<80xi32, #tpu.memory_space<hbm>>) target(%dma_start3A_100 : memref<80xi32, #tpu.memory_space<vmem>>) target_semaphore(%arg12 : memref<!tpu.dma_semaphore, #tpu.memory_space<semaphore_mem>>)
    %dma_wait3A = arith.constant 0 : i32
    %dma_wait3A_104 = arith.constant 0 : i32
    %dma_wait3A_105 = arith.constant 0 : i32
    %dma_wait3A_106 = arith.constant 0 : i32
    %dma_wait3A_107 = tpu.memref_slice %arg6[%dma_wait3A_104, %dma_wait3A_105, %dma_wait3A_106] : memref<3x2x80xi32, #tpu.memory_space<vmem>> -> memref<1x1x80xi32, #tpu.memory_space<vmem>>
    %dma_wait3A_108 = tpu.memref_squeeze %dma_wait3A_107 : memref<1x1x80xi32, #tpu.memory_space<vmem>> -> memref<80xi32, #tpu.memory_space<vmem>>
    %dma_wait3A_109 = arith.constant 0 : i32
    %dma_wait3A_110 = tpu.memref_slice %arg3[%add3A, %dma_wait3A, %dma_wait3A_109] : memref<32x125x80xi32, #tpu.memory_space<hbm>> -> memref<1x1x80xi32, #tpu.memory_space<hbm>>
    %dma_wait3A_111 = tpu.memref_squeeze %dma_wait3A_110 : memref<1x1x80xi32, #tpu.memory_space<hbm>> -> memref<80xi32, #tpu.memory_space<hbm>>
    %dma_wait3A_112 = arith.constant 0 : i32
    %dma_wait3A_113 = tpu.memref_slice %arg6[%dma_wait3A_104, %dma_wait3A_105, %dma_wait3A_112] : memref<3x2x80xi32, #tpu.memory_space<vmem>> -> memref<1x1x80xi32, #tpu.memory_space<vmem>>
    %dma_wait3A_114 = tpu.memref_squeeze %dma_wait3A_113 : memref<1x1x80xi32, #tpu.memory_space<vmem>> -> memref<80xi32, #tpu.memory_space<vmem>>
    %dma_wait3A_115 = arith.constant 0 : i32
    %dma_wait3A_116 = tpu.memref_slice %arg3[%add3A, %dma_wait3A, %dma_wait3A_115] : memref<32x125x80xi32, #tpu.memory_space<hbm>> -> memref<1x1x80xi32, #tpu.memory_space<hbm>>
    %dma_wait3A_117 = tpu.memref_squeeze %dma_wait3A_116 : memref<1x1x80xi32, #tpu.memory_space<hbm>> -> memref<80xi32, #tpu.memory_space<hbm>>
    tpu.wait_dma2 semaphore(%arg11 : memref<!tpu.dma_semaphore, #tpu.memory_space<semaphore_mem>>) src(%dma_wait3A_117 : memref<80xi32, #tpu.memory_space<hbm>>) dst(%dma_wait3A_114 : memref<80xi32, #tpu.memory_space<vmem>>)
    %dma_wait3A_118 = arith.constant 0 : i32
    %dma_wait3A_119 = arith.constant 0 : i32
    %dma_wait3A_120 = arith.constant 1 : i32
    %dma_wait3A_121 = arith.constant 0 : i32
    %dma_wait3A_122 = tpu.memref_slice %arg6[%dma_wait3A_119, %dma_wait3A_120, %dma_wait3A_121] : memref<3x2x80xi32, #tpu.memory_space<vmem>> -> memref<1x1x80xi32, #tpu.memory_space<vmem>>
    %dma_wait3A_123 = tpu.memref_squeeze %dma_wait3A_122 : memref<1x1x80xi32, #tpu.memory_space<vmem>> -> memref<80xi32, #tpu.memory_space<vmem>>
    %dma_wait3A_124 = arith.constant 0 : i32
    %dma_wait3A_125 = tpu.memref_slice %arg4[%add3A, %dma_wait3A_118, %dma_wait3A_124] : memref<32x125x80xi32, #tpu.memory_space<hbm>> -> memref<1x1x80xi32, #tpu.memory_space<hbm>>
    %dma_wait3A_126 = tpu.memref_squeeze %dma_wait3A_125 : memref<1x1x80xi32, #tpu.memory_space<hbm>> -> memref<80xi32, #tpu.memory_space<hbm>>
    %dma_wait3A_127 = arith.constant 0 : i32
    %dma_wait3A_128 = tpu.memref_slice %arg6[%dma_wait3A_119, %dma_wait3A_120, %dma_wait3A_127] : memref<3x2x80xi32, #tpu.memory_space<vmem>> -> memref<1x1x80xi32, #tpu.memory_space<vmem>>
    %dma_wait3A_129 = tpu.memref_squeeze %dma_wait3A_128 : memref<1x1x80xi32, #tpu.memory_space<vmem>> -> memref<80xi32, #tpu.memory_space<vmem>>
    %dma_wait3A_130 = arith.constant 0 : i32
    %dma_wait3A_131 = tpu.memref_slice %arg4[%add3A, %dma_wait3A_118, %dma_wait3A_130] : memref<32x125x80xi32, #tpu.memory_space<hbm>> -> memref<1x1x80xi32, #tpu.memory_space<hbm>>
    %dma_wait3A_132 = tpu.memref_squeeze %dma_wait3A_131 : memref<1x1x80xi32, #tpu.memory_space<hbm>> -> memref<80xi32, #tpu.memory_space<hbm>>
    tpu.wait_dma2 semaphore(%arg11 : memref<!tpu.dma_semaphore, #tpu.memory_space<semaphore_mem>>) src(%dma_wait3A_132 : memref<80xi32, #tpu.memory_space<hbm>>) dst(%dma_wait3A_129 : memref<80xi32, #tpu.memory_space<vmem>>)
    %dma_start3A_133 = arith.constant 0 : i32
    %dma_start3A_134 = arith.constant 0 : i32
    %dma_start3A_135 = arith.constant 0 : i32
    %dma_start3A_136 = arith.constant 0 : i32
    %dma_start3A_137 = arith.constant 0 : i32
    %dma_start3A_138 = tpu.memref_slice %arg7[%dma_start3A_135, %dma_start3A_136, %dma_start3A_137] : memref<2x80x128xf32, #tpu.memory_space<vmem>> -> memref<1x80x128xf32, #tpu.memory_space<vmem>>
    %dma_start3A_139 = tpu.memref_squeeze %dma_start3A_138 : memref<1x80x128xf32, #tpu.memory_space<vmem>> -> memref<80x128xf32, #tpu.memory_space<vmem>>
    %dma_start3A_140 = arith.constant 0 : i32
    %dma_start3A_141 = tpu.memref_slice %arg6[%dma_start3A_133, %dma_start3A_134, %dma_start3A_140] : memref<3x2x80xi32, #tpu.memory_space<vmem>> -> memref<1x1x80xi32, #tpu.memory_space<vmem>>
    %dma_start3A_142 = tpu.memref_squeeze %dma_start3A_141 : memref<1x1x80xi32, #tpu.memory_space<vmem>> -> memref<80xi32, #tpu.memory_space<vmem>>
    %dma_start3A_143 = arith.constant 0 : i32
    %dma_start3A_144 = arith.constant 0 : i32
    %dma_start3A_145 = tpu.memref_slice %arg2[%dma_start3A_143, %dma_start3A_144] : memref<10000x128xf32, #tpu.memory_space<hbm>> -> memref<10000x128xf32, #tpu.memory_space<hbm>>
    tpu.enqueue_indirect_dma source(%dma_start3A_145 : memref<10000x128xf32, #tpu.memory_space<hbm>>) target(%dma_start3A_139 : memref<80x128xf32, #tpu.memory_space<vmem>>) offsets(%dma_start3A_142 : memref<80xi32, #tpu.memory_space<vmem>>) semaphore(%arg9 : memref<!tpu.dma_semaphore, #tpu.memory_space<semaphore_mem>>)
    %scan3A_146 = arith.constant 0 : i32
    %scan3A_147 = arith.constant 0 : i32
    %scan3A_148 = arith.constant 125 : i32
    %scan3A_149 = arith.addi %scan3A_147, %scan3A_148 : i32
    %scan3A_150 = arith.constant 1 : i32
    scf.for %scan3A_157 = %scan3A_147 to %scan3A_149 step %scan3A_150  : i32 {
      %rem3A = arith.constant 2 : i32
      %rem3A_158 = arith.remsi %scan3A_157, %rem3A : i32
      %rem3A_159 = arith.constant 3 : i32
      %rem3A_160 = arith.remsi %scan3A_157, %rem3A_159 : i32
      %add3A_161 = arith.constant 1 : i32
      %add3A_162 = arith.addi %scan3A_157, %add3A_161 : i32
      %rem3A_163 = arith.constant 3 : i32
      %rem3A_164 = arith.remsi %add3A_162, %rem3A_163 : i32
      %add3A_165 = arith.constant 2 : i32
      %add3A_166 = arith.addi %scan3A_157, %add3A_165 : i32
      %rem3A_167 = arith.constant 3 : i32
      %rem3A_168 = arith.remsi %add3A_166, %rem3A_167 : i32
      %dma_wait3A_169 = arith.constant 0 : i32
      %dma_wait3A_170 = arith.constant 0 : i32
      %dma_wait3A_171 = arith.constant 0 : i32
      %dma_wait3A_172 = tpu.memref_slice %arg7[%rem3A_158, %dma_wait3A_170, %dma_wait3A_171] : memref<2x80x128xf32, #tpu.memory_space<vmem>> -> memref<1x80x128xf32, #tpu.memory_space<vmem>>
      %dma_wait3A_173 = tpu.memref_squeeze %dma_wait3A_172 : memref<1x80x128xf32, #tpu.memory_space<vmem>> -> memref<80x128xf32, #tpu.memory_space<vmem>>
      %dma_wait3A_174 = arith.constant 0 : i32
      %dma_wait3A_175 = tpu.memref_slice %arg6[%rem3A_160, %dma_wait3A_169, %dma_wait3A_174] : memref<3x2x80xi32, #tpu.memory_space<vmem>> -> memref<1x1x80xi32, #tpu.memory_space<vmem>>
      %dma_wait3A_176 = tpu.memref_squeeze %dma_wait3A_175 : memref<1x1x80xi32, #tpu.memory_space<vmem>> -> memref<80xi32, #tpu.memory_space<vmem>>
      %dma_wait3A_177 = arith.constant 0 : i32
      %dma_wait3A_178 = arith.constant 0 : i32
      %dma_wait3A_179 = tpu.memref_slice %arg2[%dma_wait3A_177, %dma_wait3A_178] : memref<10000x128xf32, #tpu.memory_space<hbm>> -> memref<10000x128xf32, #tpu.memory_space<hbm>>
      tpu.wait_indirect_dma semaphore(%arg9 : memref<!tpu.dma_semaphore, #tpu.memory_space<semaphore_mem>>) src(%dma_wait3A_179 : memref<10000x128xf32, #tpu.memory_space<hbm>>) dst(%dma_wait3A_173 : memref<80x128xf32, #tpu.memory_space<vmem>>)
      %add3A_180 = arith.constant 2 : i32
      %add3A_181 = arith.addi %scan3A_157, %add3A_180 : i32
      %lt3A = arith.constant 125 : i32
      %lt3A_182 = arith.cmpi slt, %add3A_181, %lt3A : i32
      %eq3A = arith.constant 0 : i32
      %eq3A_183 = arith.cmpi eq, %rem3A_158, %eq3A : i32
      %and3A = arith.andi %lt3A_182, %eq3A_183 : i1
      %convert_element_type3A = arith.extui %and3A : i1 to i32
      %cond3A = arith.constant 0 : i32
      %cond3A_184 = arith.cmpi ne, %convert_element_type3A, %cond3A : i32
      scf.if %cond3A_184 {
        %add3A_215 = arith.constant 2 : i32
        %add3A_216 = arith.addi %scan3A_157, %add3A_215 : i32
        %dma_start3A_217 = arith.constant 0 : i32
        %dma_start3A_218 = arith.constant 0 : i32
        %dma_start3A_219 = tpu.memref_slice %arg6[%rem3A_168, %dma_start3A_217, %dma_start3A_218] : memref<3x2x80xi32, #tpu.memory_space<vmem>> -> memref<1x1x80xi32, #tpu.memory_space<vmem>>
        %dma_start3A_220 = tpu.memref_squeeze %dma_start3A_219 : memref<1x1x80xi32, #tpu.memory_space<vmem>> -> memref<80xi32, #tpu.memory_space<vmem>>
        %dma_start3A_221 = arith.constant 0 : i32
        %dma_start3A_222 = tpu.memref_slice %arg3[%add3A, %add3A_216, %dma_start3A_221] : memref<32x125x80xi32, #tpu.memory_space<hbm>> -> memref<1x1x80xi32, #tpu.memory_space<hbm>>
        %dma_start3A_223 = tpu.memref_squeeze %dma_start3A_222 : memref<1x1x80xi32, #tpu.memory_space<hbm>> -> memref<80xi32, #tpu.memory_space<hbm>>
        %dma_start3A_224 = arith.constant 0 : i32
        %dma_start3A_225 = tpu.memref_slice %arg6[%rem3A_168, %dma_start3A_217, %dma_start3A_224] : memref<3x2x80xi32, #tpu.memory_space<vmem>> -> memref<1x1x80xi32, #tpu.memory_space<vmem>>
        %dma_start3A_226 = tpu.memref_squeeze %dma_start3A_225 : memref<1x1x80xi32, #tpu.memory_space<vmem>> -> memref<80xi32, #tpu.memory_space<vmem>>
        %dma_start3A_227 = arith.constant 0 : i32
        %dma_start3A_228 = tpu.memref_slice %arg3[%add3A, %add3A_216, %dma_start3A_227] : memref<32x125x80xi32, #tpu.memory_space<hbm>> -> memref<1x1x80xi32, #tpu.memory_space<hbm>>
        %dma_start3A_229 = tpu.memref_squeeze %dma_start3A_228 : memref<1x1x80xi32, #tpu.memory_space<hbm>> -> memref<80xi32, #tpu.memory_space<hbm>>
        tpu.enqueue_dma source(%dma_start3A_229 : memref<80xi32, #tpu.memory_space<hbm>>) target(%dma_start3A_226 : memref<80xi32, #tpu.memory_space<vmem>>) target_semaphore(%arg11 : memref<!tpu.dma_semaphore, #tpu.memory_space<semaphore_mem>>)
        %dma_start3A_230 = arith.constant 1 : i32
        %dma_start3A_231 = arith.constant 0 : i32
        %dma_start3A_232 = tpu.memref_slice %arg6[%rem3A_168, %dma_start3A_230, %dma_start3A_231] : memref<3x2x80xi32, #tpu.memory_space<vmem>> -> memref<1x1x80xi32, #tpu.memory_space<vmem>>
        %dma_start3A_233 = tpu.memref_squeeze %dma_start3A_232 : memref<1x1x80xi32, #tpu.memory_space<vmem>> -> memref<80xi32, #tpu.memory_space<vmem>>
        %dma_start3A_234 = arith.constant 0 : i32
        %dma_start3A_235 = tpu.memref_slice %arg4[%add3A, %add3A_216, %dma_start3A_234] : memref<32x125x80xi32, #tpu.memory_space<hbm>> -> memref<1x1x80xi32, #tpu.memory_space<hbm>>
        %dma_start3A_236 = tpu.memref_squeeze %dma_start3A_235 : memref<1x1x80xi32, #tpu.memory_space<hbm>> -> memref<80xi32, #tpu.memory_space<hbm>>
        %dma_start3A_237 = arith.constant 0 : i32
        %dma_start3A_238 = tpu.memref_slice %arg6[%rem3A_168, %dma_start3A_230, %dma_start3A_237] : memref<3x2x80xi32, #tpu.memory_space<vmem>> -> memref<1x1x80xi32, #tpu.memory_space<vmem>>
        %dma_start3A_239 = tpu.memref_squeeze %dma_start3A_238 : memref<1x1x80xi32, #tpu.memory_space<vmem>> -> memref<80xi32, #tpu.memory_space<vmem>>
        %dma_start3A_240 = arith.constant 0 : i32
        %dma_start3A_241 = tpu.memref_slice %arg4[%add3A, %add3A_216, %dma_start3A_240] : memref<32x125x80xi32, #tpu.memory_space<hbm>> -> memref<1x1x80xi32, #tpu.memory_space<hbm>>
        %dma_start3A_242 = tpu.memref_squeeze %dma_start3A_241 : memref<1x1x80xi32, #tpu.memory_space<hbm>> -> memref<80xi32, #tpu.memory_space<hbm>>
        tpu.enqueue_dma source(%dma_start3A_242 : memref<80xi32, #tpu.memory_space<hbm>>) target(%dma_start3A_239 : memref<80xi32, #tpu.memory_space<vmem>>) target_semaphore(%arg11 : memref<!tpu.dma_semaphore, #tpu.memory_space<semaphore_mem>>)
      } else {
      }
      %add3A_185 = arith.constant 2 : i32
      %add3A_186 = arith.addi %scan3A_157, %add3A_185 : i32
      %lt3A_187 = arith.constant 125 : i32
      %lt3A_188 = arith.cmpi slt, %add3A_186, %lt3A_187 : i32
      %eq3A_189 = arith.constant 1 : i32
      %eq3A_190 = arith.cmpi eq, %rem3A_158, %eq3A_189 : i32
      %and3A_191 = arith.andi %lt3A_188, %eq3A_190 : i1
      %convert_element_type3A_192 = arith.extui %and3A_191 : i1 to i32
      %cond3A_193 = arith.constant 0 : i32
      %cond3A_194 = arith.cmpi ne, %convert_element_type3A_192, %cond3A_193 : i32
      scf.if %cond3A_194 {
        %add3A_215 = arith.constant 2 : i32
        %add3A_216 = arith.addi %scan3A_157, %add3A_215 : i32
        %dma_start3A_217 = arith.constant 0 : i32
        %dma_start3A_218 = arith.constant 0 : i32
        %dma_start3A_219 = tpu.memref_slice %arg6[%rem3A_168, %dma_start3A_217, %dma_start3A_218] : memref<3x2x80xi32, #tpu.memory_space<vmem>> -> memref<1x1x80xi32, #tpu.memory_space<vmem>>
        %dma_start3A_220 = tpu.memref_squeeze %dma_start3A_219 : memref<1x1x80xi32, #tpu.memory_space<vmem>> -> memref<80xi32, #tpu.memory_space<vmem>>
        %dma_start3A_221 = arith.constant 0 : i32
        %dma_start3A_222 = tpu.memref_slice %arg3[%add3A, %add3A_216, %dma_start3A_221] : memref<32x125x80xi32, #tpu.memory_space<hbm>> -> memref<1x1x80xi32, #tpu.memory_space<hbm>>
        %dma_start3A_223 = tpu.memref_squeeze %dma_start3A_222 : memref<1x1x80xi32, #tpu.memory_space<hbm>> -> memref<80xi32, #tpu.memory_space<hbm>>
        %dma_start3A_224 = arith.constant 0 : i32
        %dma_start3A_225 = tpu.memref_slice %arg6[%rem3A_168, %dma_start3A_217, %dma_start3A_224] : memref<3x2x80xi32, #tpu.memory_space<vmem>> -> memref<1x1x80xi32, #tpu.memory_space<vmem>>
        %dma_start3A_226 = tpu.memref_squeeze %dma_start3A_225 : memref<1x1x80xi32, #tpu.memory_space<vmem>> -> memref<80xi32, #tpu.memory_space<vmem>>
        %dma_start3A_227 = arith.constant 0 : i32
        %dma_start3A_228 = tpu.memref_slice %arg3[%add3A, %add3A_216, %dma_start3A_227] : memref<32x125x80xi32, #tpu.memory_space<hbm>> -> memref<1x1x80xi32, #tpu.memory_space<hbm>>
        %dma_start3A_229 = tpu.memref_squeeze %dma_start3A_228 : memref<1x1x80xi32, #tpu.memory_space<hbm>> -> memref<80xi32, #tpu.memory_space<hbm>>
        tpu.enqueue_dma source(%dma_start3A_229 : memref<80xi32, #tpu.memory_space<hbm>>) target(%dma_start3A_226 : memref<80xi32, #tpu.memory_space<vmem>>) target_semaphore(%arg12 : memref<!tpu.dma_semaphore, #tpu.memory_space<semaphore_mem>>)
        %dma_start3A_230 = arith.constant 1 : i32
        %dma_start3A_231 = arith.constant 0 : i32
        %dma_start3A_232 = tpu.memref_slice %arg6[%rem3A_168, %dma_start3A_230, %dma_start3A_231] : memref<3x2x80xi32, #tpu.memory_space<vmem>> -> memref<1x1x80xi32, #tpu.memory_space<vmem>>
        %dma_start3A_233 = tpu.memref_squeeze %dma_start3A_232 : memref<1x1x80xi32, #tpu.memory_space<vmem>> -> memref<80xi32, #tpu.memory_space<vmem>>
        %dma_start3A_234 = arith.constant 0 : i32
        %dma_start3A_235 = tpu.memref_slice %arg4[%add3A, %add3A_216, %dma_start3A_234] : memref<32x125x80xi32, #tpu.memory_space<hbm>> -> memref<1x1x80xi32, #tpu.memory_space<hbm>>
        %dma_start3A_236 = tpu.memref_squeeze %dma_start3A_235 : memref<1x1x80xi32, #tpu.memory_space<hbm>> -> memref<80xi32, #tpu.memory_space<hbm>>
        %dma_start3A_237 = arith.constant 0 : i32
        %dma_start3A_238 = tpu.memref_slice %arg6[%rem3A_168, %dma_start3A_230, %dma_start3A_237] : memref<3x2x80xi32, #tpu.memory_space<vmem>> -> memref<1x1x80xi32, #tpu.memory_space<vmem>>
        %dma_start3A_239 = tpu.memref_squeeze %dma_start3A_238 : memref<1x1x80xi32, #tpu.memory_space<vmem>> -> memref<80xi32, #tpu.memory_space<vmem>>
        %dma_start3A_240 = arith.constant 0 : i32
        %dma_start3A_241 = tpu.memref_slice %arg4[%add3A, %add3A_216, %dma_start3A_240] : memref<32x125x80xi32, #tpu.memory_space<hbm>> -> memref<1x1x80xi32, #tpu.memory_space<hbm>>
        %dma_start3A_242 = tpu.memref_squeeze %dma_start3A_241 : memref<1x1x80xi32, #tpu.memory_space<hbm>> -> memref<80xi32, #tpu.memory_space<hbm>>
        tpu.enqueue_dma source(%dma_start3A_242 : memref<80xi32, #tpu.memory_space<hbm>>) target(%dma_start3A_239 : memref<80xi32, #tpu.memory_space<vmem>>) target_semaphore(%arg12 : memref<!tpu.dma_semaphore, #tpu.memory_space<semaphore_mem>>)
      } else {
      }
      %add3A_195 = arith.constant 1 : i32
      %add3A_196 = arith.addi %scan3A_157, %add3A_195 : i32
      %lt3A_197 = arith.constant 125 : i32
      %lt3A_198 = arith.cmpi slt, %add3A_196, %lt3A_197 : i32
      %eq3A_199 = arith.constant 0 : i32
      %eq3A_200 = arith.cmpi eq, %rem3A_158, %eq3A_199 : i32
      %and3A_201 = arith.andi %lt3A_198, %eq3A_200 : i1
      %convert_element_type3A_202 = arith.extui %and3A_201 : i1 to i32
      %cond3A_203 = arith.constant 0 : i32
      %cond3A_204 = arith.cmpi ne, %convert_element_type3A_202, %cond3A_203 : i32
      scf.if %cond3A_204 {
        %add3A_215 = arith.constant 1 : i32
        %add3A_216 = arith.addi %scan3A_157, %add3A_215 : i32
        %dma_wait3A_217 = arith.constant 0 : i32
        %dma_wait3A_218 = arith.constant 0 : i32
        %dma_wait3A_219 = tpu.memref_slice %arg6[%rem3A_164, %dma_wait3A_217, %dma_wait3A_218] : memref<3x2x80xi32, #tpu.memory_space<vmem>> -> memref<1x1x80xi32, #tpu.memory_space<vmem>>
        %dma_wait3A_220 = tpu.memref_squeeze %dma_wait3A_219 : memref<1x1x80xi32, #tpu.memory_space<vmem>> -> memref<80xi32, #tpu.memory_space<vmem>>
        %dma_wait3A_221 = arith.constant 0 : i32
        %dma_wait3A_222 = tpu.memref_slice %arg3[%add3A, %add3A_216, %dma_wait3A_221] : memref<32x125x80xi32, #tpu.memory_space<hbm>> -> memref<1x1x80xi32, #tpu.memory_space<hbm>>
        %dma_wait3A_223 = tpu.memref_squeeze %dma_wait3A_222 : memref<1x1x80xi32, #tpu.memory_space<hbm>> -> memref<80xi32, #tpu.memory_space<hbm>>
        %dma_wait3A_224 = arith.constant 0 : i32
        %dma_wait3A_225 = tpu.memref_slice %arg6[%rem3A_164, %dma_wait3A_217, %dma_wait3A_224] : memref<3x2x80xi32, #tpu.memory_space<vmem>> -> memref<1x1x80xi32, #tpu.memory_space<vmem>>
        %dma_wait3A_226 = tpu.memref_squeeze %dma_wait3A_225 : memref<1x1x80xi32, #tpu.memory_space<vmem>> -> memref<80xi32, #tpu.memory_space<vmem>>
        %dma_wait3A_227 = arith.constant 0 : i32
        %dma_wait3A_228 = tpu.memref_slice %arg3[%add3A, %add3A_216, %dma_wait3A_227] : memref<32x125x80xi32, #tpu.memory_space<hbm>> -> memref<1x1x80xi32, #tpu.memory_space<hbm>>
        %dma_wait3A_229 = tpu.memref_squeeze %dma_wait3A_228 : memref<1x1x80xi32, #tpu.memory_space<hbm>> -> memref<80xi32, #tpu.memory_space<hbm>>
        tpu.wait_dma2 semaphore(%arg12 : memref<!tpu.dma_semaphore, #tpu.memory_space<semaphore_mem>>) src(%dma_wait3A_229 : memref<80xi32, #tpu.memory_space<hbm>>) dst(%dma_wait3A_226 : memref<80xi32, #tpu.memory_space<vmem>>)
        %dma_wait3A_230 = arith.constant 1 : i32
        %dma_wait3A_231 = arith.constant 0 : i32
        %dma_wait3A_232 = tpu.memref_slice %arg6[%rem3A_164, %dma_wait3A_230, %dma_wait3A_231] : memref<3x2x80xi32, #tpu.memory_space<vmem>> -> memref<1x1x80xi32, #tpu.memory_space<vmem>>
        %dma_wait3A_233 = tpu.memref_squeeze %dma_wait3A_232 : memref<1x1x80xi32, #tpu.memory_space<vmem>> -> memref<80xi32, #tpu.memory_space<vmem>>
        %dma_wait3A_234 = arith.constant 0 : i32
        %dma_wait3A_235 = tpu.memref_slice %arg4[%add3A, %add3A_216, %dma_wait3A_234] : memref<32x125x80xi32, #tpu.memory_space<hbm>> -> memref<1x1x80xi32, #tpu.memory_space<hbm>>
        %dma_wait3A_236 = tpu.memref_squeeze %dma_wait3A_235 : memref<1x1x80xi32, #tpu.memory_space<hbm>> -> memref<80xi32, #tpu.memory_space<hbm>>
        %dma_wait3A_237 = arith.constant 0 : i32
        %dma_wait3A_238 = tpu.memref_slice %arg6[%rem3A_164, %dma_wait3A_230, %dma_wait3A_237] : memref<3x2x80xi32, #tpu.memory_space<vmem>> -> memref<1x1x80xi32, #tpu.memory_space<vmem>>
        %dma_wait3A_239 = tpu.memref_squeeze %dma_wait3A_238 : memref<1x1x80xi32, #tpu.memory_space<vmem>> -> memref<80xi32, #tpu.memory_space<vmem>>
        %dma_wait3A_240 = arith.constant 0 : i32
        %dma_wait3A_241 = tpu.memref_slice %arg4[%add3A, %add3A_216, %dma_wait3A_240] : memref<32x125x80xi32, #tpu.memory_space<hbm>> -> memref<1x1x80xi32, #tpu.memory_space<hbm>>
        %dma_wait3A_242 = tpu.memref_squeeze %dma_wait3A_241 : memref<1x1x80xi32, #tpu.memory_space<hbm>> -> memref<80xi32, #tpu.memory_space<hbm>>
        tpu.wait_dma2 semaphore(%arg12 : memref<!tpu.dma_semaphore, #tpu.memory_space<semaphore_mem>>) src(%dma_wait3A_242 : memref<80xi32, #tpu.memory_space<hbm>>) dst(%dma_wait3A_239 : memref<80xi32, #tpu.memory_space<vmem>>)
        %sub3A = arith.constant 1 : i32
        %sub3A_243 = arith.subi %sub3A, %rem3A_158 : i32
        %dma_start3A_244 = arith.constant 0 : i32
        %dma_start3A_245 = arith.constant 0 : i32
        %dma_start3A_246 = arith.constant 0 : i32
        %dma_start3A_247 = tpu.memref_slice %arg7[%sub3A_243, %dma_start3A_245, %dma_start3A_246] : memref<2x80x128xf32, #tpu.memory_space<vmem>> -> memref<1x80x128xf32, #tpu.memory_space<vmem>>
        %dma_start3A_248 = tpu.memref_squeeze %dma_start3A_247 : memref<1x80x128xf32, #tpu.memory_space<vmem>> -> memref<80x128xf32, #tpu.memory_space<vmem>>
        %dma_start3A_249 = arith.constant 0 : i32
        %dma_start3A_250 = tpu.memref_slice %arg6[%rem3A_164, %dma_start3A_244, %dma_start3A_249] : memref<3x2x80xi32, #tpu.memory_space<vmem>> -> memref<1x1x80xi32, #tpu.memory_space<vmem>>
        %dma_start3A_251 = tpu.memref_squeeze %dma_start3A_250 : memref<1x1x80xi32, #tpu.memory_space<vmem>> -> memref<80xi32, #tpu.memory_space<vmem>>
        %dma_start3A_252 = arith.constant 0 : i32
        %dma_start3A_253 = arith.constant 0 : i32
        %dma_start3A_254 = tpu.memref_slice %arg2[%dma_start3A_252, %dma_start3A_253] : memref<10000x128xf32, #tpu.memory_space<hbm>> -> memref<10000x128xf32, #tpu.memory_space<hbm>>
        tpu.enqueue_indirect_dma source(%dma_start3A_254 : memref<10000x128xf32, #tpu.memory_space<hbm>>) target(%dma_start3A_248 : memref<80x128xf32, #tpu.memory_space<vmem>>) offsets(%dma_start3A_251 : memref<80xi32, #tpu.memory_space<vmem>>) semaphore(%arg9 : memref<!tpu.dma_semaphore, #tpu.memory_space<semaphore_mem>>)
      } else {
      }
      %add3A_205 = arith.constant 1 : i32
      %add3A_206 = arith.addi %scan3A_157, %add3A_205 : i32
      %lt3A_207 = arith.constant 125 : i32
      %lt3A_208 = arith.cmpi slt, %add3A_206, %lt3A_207 : i32
      %eq3A_209 = arith.constant 1 : i32
      %eq3A_210 = arith.cmpi eq, %rem3A_158, %eq3A_209 : i32
      %and3A_211 = arith.andi %lt3A_208, %eq3A_210 : i1
      %convert_element_type3A_212 = arith.extui %and3A_211 : i1 to i32
      %cond3A_213 = arith.constant 0 : i32
      %cond3A_214 = arith.cmpi ne, %convert_element_type3A_212, %cond3A_213 : i32
      scf.if %cond3A_214 {
        %add3A_215 = arith.constant 1 : i32
        %add3A_216 = arith.addi %scan3A_157, %add3A_215 : i32
        %dma_wait3A_217 = arith.constant 0 : i32
        %dma_wait3A_218 = arith.constant 0 : i32
        %dma_wait3A_219 = tpu.memref_slice %arg6[%rem3A_164, %dma_wait3A_217, %dma_wait3A_218] : memref<3x2x80xi32, #tpu.memory_space<vmem>> -> memref<1x1x80xi32, #tpu.memory_space<vmem>>
        %dma_wait3A_220 = tpu.memref_squeeze %dma_wait3A_219 : memref<1x1x80xi32, #tpu.memory_space<vmem>> -> memref<80xi32, #tpu.memory_space<vmem>>
        %dma_wait3A_221 = arith.constant 0 : i32
        %dma_wait3A_222 = tpu.memref_slice %arg3[%add3A, %add3A_216, %dma_wait3A_221] : memref<32x125x80xi32, #tpu.memory_space<hbm>> -> memref<1x1x80xi32, #tpu.memory_space<hbm>>
        %dma_wait3A_223 = tpu.memref_squeeze %dma_wait3A_222 : memref<1x1x80xi32, #tpu.memory_space<hbm>> -> memref<80xi32, #tpu.memory_space<hbm>>
        %dma_wait3A_224 = arith.constant 0 : i32
        %dma_wait3A_225 = tpu.memref_slice %arg6[%rem3A_164, %dma_wait3A_217, %dma_wait3A_224] : memref<3x2x80xi32, #tpu.memory_space<vmem>> -> memref<1x1x80xi32, #tpu.memory_space<vmem>>
        %dma_wait3A_226 = tpu.memref_squeeze %dma_wait3A_225 : memref<1x1x80xi32, #tpu.memory_space<vmem>> -> memref<80xi32, #tpu.memory_space<vmem>>
        %dma_wait3A_227 = arith.constant 0 : i32
        %dma_wait3A_228 = tpu.memref_slice %arg3[%add3A, %add3A_216, %dma_wait3A_227] : memref<32x125x80xi32, #tpu.memory_space<hbm>> -> memref<1x1x80xi32, #tpu.memory_space<hbm>>
        %dma_wait3A_229 = tpu.memref_squeeze %dma_wait3A_228 : memref<1x1x80xi32, #tpu.memory_space<hbm>> -> memref<80xi32, #tpu.memory_space<hbm>>
        tpu.wait_dma2 semaphore(%arg11 : memref<!tpu.dma_semaphore, #tpu.memory_space<semaphore_mem>>) src(%dma_wait3A_229 : memref<80xi32, #tpu.memory_space<hbm>>) dst(%dma_wait3A_226 : memref<80xi32, #tpu.memory_space<vmem>>)
        %dma_wait3A_230 = arith.constant 1 : i32
        %dma_wait3A_231 = arith.constant 0 : i32
        %dma_wait3A_232 = tpu.memref_slice %arg6[%rem3A_164, %dma_wait3A_230, %dma_wait3A_231] : memref<3x2x80xi32, #tpu.memory_space<vmem>> -> memref<1x1x80xi32, #tpu.memory_space<vmem>>
        %dma_wait3A_233 = tpu.memref_squeeze %dma_wait3A_232 : memref<1x1x80xi32, #tpu.memory_space<vmem>> -> memref<80xi32, #tpu.memory_space<vmem>>
        %dma_wait3A_234 = arith.constant 0 : i32
        %dma_wait3A_235 = tpu.memref_slice %arg4[%add3A, %add3A_216, %dma_wait3A_234] : memref<32x125x80xi32, #tpu.memory_space<hbm>> -> memref<1x1x80xi32, #tpu.memory_space<hbm>>
        %dma_wait3A_236 = tpu.memref_squeeze %dma_wait3A_235 : memref<1x1x80xi32, #tpu.memory_space<hbm>> -> memref<80xi32, #tpu.memory_space<hbm>>
        %dma_wait3A_237 = arith.constant 0 : i32
        %dma_wait3A_238 = tpu.memref_slice %arg6[%rem3A_164, %dma_wait3A_230, %dma_wait3A_237] : memref<3x2x80xi32, #tpu.memory_space<vmem>> -> memref<1x1x80xi32, #tpu.memory_space<vmem>>
        %dma_wait3A_239 = tpu.memref_squeeze %dma_wait3A_238 : memref<1x1x80xi32, #tpu.memory_space<vmem>> -> memref<80xi32, #tpu.memory_space<vmem>>
        %dma_wait3A_240 = arith.constant 0 : i32
        %dma_wait3A_241 = tpu.memref_slice %arg4[%add3A, %add3A_216, %dma_wait3A_240] : memref<32x125x80xi32, #tpu.memory_space<hbm>> -> memref<1x1x80xi32, #tpu.memory_space<hbm>>
        %dma_wait3A_242 = tpu.memref_squeeze %dma_wait3A_241 : memref<1x1x80xi32, #tpu.memory_space<hbm>> -> memref<80xi32, #tpu.memory_space<hbm>>
        tpu.wait_dma2 semaphore(%arg11 : memref<!tpu.dma_semaphore, #tpu.memory_space<semaphore_mem>>) src(%dma_wait3A_242 : memref<80xi32, #tpu.memory_space<hbm>>) dst(%dma_wait3A_239 : memref<80xi32, #tpu.memory_space<vmem>>)
        %sub3A = arith.constant 1 : i32
        %sub3A_243 = arith.subi %sub3A, %rem3A_158 : i32
        %dma_start3A_244 = arith.constant 0 : i32
        %dma_start3A_245 = arith.constant 0 : i32
        %dma_start3A_246 = arith.constant 0 : i32
        %dma_start3A_247 = tpu.memref_slice %arg7[%sub3A_243, %dma_start3A_245, %dma_start3A_246] : memref<2x80x128xf32, #tpu.memory_space<vmem>> -> memref<1x80x128xf32, #tpu.memory_space<vmem>>
        %dma_start3A_248 = tpu.memref_squeeze %dma_start3A_247 : memref<1x80x128xf32, #tpu.memory_space<vmem>> -> memref<80x128xf32, #tpu.memory_space<vmem>>
        %dma_start3A_249 = arith.constant 0 : i32
        %dma_start3A_250 = tpu.memref_slice %arg6[%rem3A_164, %dma_start3A_244, %dma_start3A_249] : memref<3x2x80xi32, #tpu.memory_space<vmem>> -> memref<1x1x80xi32, #tpu.memory_space<vmem>>
        %dma_start3A_251 = tpu.memref_squeeze %dma_start3A_250 : memref<1x1x80xi32, #tpu.memory_space<vmem>> -> memref<80xi32, #tpu.memory_space<vmem>>
        %dma_start3A_252 = arith.constant 0 : i32
        %dma_start3A_253 = arith.constant 0 : i32
        %dma_start3A_254 = tpu.memref_slice %arg2[%dma_start3A_252, %dma_start3A_253] : memref<10000x128xf32, #tpu.memory_space<hbm>> -> memref<10000x128xf32, #tpu.memory_space<hbm>>
        tpu.enqueue_indirect_dma source(%dma_start3A_254 : memref<10000x128xf32, #tpu.memory_space<hbm>>) target(%dma_start3A_248 : memref<80x128xf32, #tpu.memory_space<vmem>>) offsets(%dma_start3A_251 : memref<80xi32, #tpu.memory_space<vmem>>) semaphore(%arg9 : memref<!tpu.dma_semaphore, #tpu.memory_space<semaphore_mem>>)
      } else {
      }
    }
    %scan3A_151 = arith.constant 125 : i32
    %barrier3A_152 = arith.constant 0 : index
    tpu.barrier barrier_id(%barrier3A_152)
    %mul3A_153 = arith.constant 640 : i32
    %mul3A_154 = arith.muli %arg1, %mul3A_153 : i32
    %mul3A_155 = arith.constant 640 : i32
    %mul3A_156 = arith.muli %arg1, %mul3A_155 : i32
    "tpu.region"() ({
      %run_scoped3A_157 = tpu.sem_alloc : memref<!tpu.dma_semaphore, #tpu.memory_space<semaphore_mem>>
      %dma_start3A_158 = arith.constant 0 : i32
      %dma_start3A_159 = tpu.memref_slice %arg5[%arg0, %mul3A_156, %dma_start3A_158] : memref<2x10240x128xf32, #tpu.memory_space<hbm>> -> memref<1x640x128xf32, #tpu.memory_space<hbm>>
      %dma_start3A_160 = tpu.memref_squeeze %dma_start3A_159 : memref<1x640x128xf32, #tpu.memory_space<hbm>> -> memref<640x128xf32, #tpu.memory_space<hbm>>
      %dma_start3A_161 = arith.constant 0 : i32
      %dma_start3A_162 = tpu.memref_slice %arg8[%mul3A_154, %dma_start3A_161] : memref<10240x128xf32, #tpu.memory_space<vmem_shared>> -> memref<640x128xf32, #tpu.memory_space<vmem_shared>>
      tpu.enqueue_dma source(%dma_start3A_162 : memref<640x128xf32, #tpu.memory_space<vmem_shared>>) target(%dma_start3A_160 : memref<640x128xf32, #tpu.memory_space<hbm>>) target_semaphore(%run_scoped3A_157 : memref<!tpu.dma_semaphore, #tpu.memory_space<semaphore_mem>>)
      %dma_wait3A_163 = arith.constant 0 : i32
      %dma_wait3A_164 = tpu.memref_slice %arg5[%arg0, %mul3A_156, %dma_wait3A_163] : memref<2x10240x128xf32, #tpu.memory_space<hbm>> -> memref<1x640x128xf32, #tpu.memory_space<hbm>>
      %dma_wait3A_165 = tpu.memref_squeeze %dma_wait3A_164 : memref<1x640x128xf32, #tpu.memory_space<hbm>> -> memref<640x128xf32, #tpu.memory_space<hbm>>
      %dma_wait3A_166 = arith.constant 0 : i32
      %dma_wait3A_167 = tpu.memref_slice %arg8[%mul3A_154, %dma_wait3A_166] : memref<10240x128xf32, #tpu.memory_space<vmem_shared>> -> memref<640x128xf32, #tpu.memory_space<vmem_shared>>
      tpu.wait_dma2 semaphore(%run_scoped3A_157 : memref<!tpu.dma_semaphore, #tpu.memory_space<semaphore_mem>>) src(%dma_wait3A_167 : memref<640x128xf32, #tpu.memory_space<vmem_shared>>) dst(%dma_wait3A_165 : memref<640x128xf32, #tpu.memory_space<hbm>>)
      tpu.yield
    }) : () -> ()
    return
  }
}

module attributes {stable_mosaic.version = 14 : i64} {
  func.func @_scale_body(%arg0: i32, %arg1: memref<2x1000x1xf32, #tpu.memory_space<vmem>>, %arg2: memref<1000x128xf32, #tpu.memory_space<vmem>>, %arg3: memref<1000x1xf32, #tpu.memory_space<vmem>>, %arg4: memref<1000x128xf32, #tpu.memory_space<vmem>>) attributes {dimension_semantics = [#tpu.dimension_semantics<arbitrary>], iteration_bounds = array<i64: 10>, scalar_prefetch = 0 : i64, scratch_operands = 0 : i64, tpu.core_type = #tpu.core_type<tc>, window_params = [{transform_indices = @transform_0, window_bounds = array<i64: 2, 1000, 1>}, {transform_indices = @transform_1, window_bounds = array<i64: 1000, 128>}, {transform_indices = @transform_2, window_bounds = array<i64: 1000, 1>}, {transform_indices = @transform_3, window_bounds = array<i64: 1000, 128>}]} {
    %get3A = arith.constant 0 : index
    %get3A_0 = arith.constant 0 : index
    %get3A_1 = arith.constant 0 : index
    %get3A_2 = vector.load %arg1[%get3A, %get3A_0, %get3A_1] : memref<2x1000x1xf32, #tpu.memory_space<vmem>>, vector<1x1000x1xf32>
    %get3A_3 = vector.shape_cast %get3A_2 : vector<1x1000x1xf32> to vector<1000x1xf32>
    %get3A_4 = arith.constant 1 : index
    %get3A_5 = arith.constant 0 : index
    %get3A_6 = arith.constant 0 : index
    %get3A_7 = vector.load %arg1[%get3A_4, %get3A_5, %get3A_6] : memref<2x1000x1xf32, #tpu.memory_space<vmem>>, vector<1x1000x1xf32>
    %get3A_8 = vector.shape_cast %get3A_7 : vector<1x1000x1xf32> to vector<1000x1xf32>
    %add3A = arith.addf %get3A_3, %get3A_8 : vector<1000x1xf32>
    %add3A_9 = arith.constant 1.000000e+00 : f32
    %add3A_10 = vector.broadcast %add3A_9 : f32 to vector<1000x1xf32>
    %add3A_11 = arith.addf %add3A, %add3A_10 : vector<1000x1xf32>
    %rsqrt3A = math.rsqrt %add3A_11 : vector<1000x1xf32>
    %swap3A = arith.constant 0 : index
    %swap3A_12 = arith.constant 0 : index
    %swap3A_13 = vector.load %arg3[%swap3A, %swap3A_12] : memref<1000x1xf32, #tpu.memory_space<vmem>>, vector<1000x1xf32>
    tpu.vector_store %arg3[%swap3A, %swap3A_12], %rsqrt3A {strides = array<i32>} : memref<1000x1xf32, #tpu.memory_space<vmem>>, vector<1000x1xf32>,
    %get3A_14 = arith.constant 0 : index
    %get3A_15 = arith.constant 0 : index
    %get3A_16 = vector.load %arg2[%get3A_14, %get3A_15] : memref<1000x128xf32, #tpu.memory_space<vmem>>, vector<1000x128xf32>
    %mul3A = vector.broadcast %rsqrt3A : vector<1000x1xf32> to vector<1000x128xf32>
    %mul3A_17 = arith.mulf %get3A_16, %mul3A : vector<1000x128xf32>
    %swap3A_18 = arith.constant 0 : index
    %swap3A_19 = arith.constant 0 : index
    %swap3A_20 = vector.load %arg4[%swap3A_18, %swap3A_19] : memref<1000x128xf32, #tpu.memory_space<vmem>>, vector<1000x128xf32>
    tpu.vector_store %arg4[%swap3A_18, %swap3A_19], %mul3A_17 {strides = array<i32>} : memref<1000x128xf32, #tpu.memory_space<vmem>>, vector<1000x128xf32>,
    return
  }
  func.func @transform_0(%arg0: i32) -> (i32, i32, i32) {
    %c0_i32 = arith.constant 0 : i32
    %c0_i32_0 = arith.constant 0 : i32
    %c0_i32_1 = arith.constant 0 : i32
    return %c0_i32, %arg0, %c0_i32_0 : i32, i32, i32
  }
  func.func @transform_1(%arg0: i32) -> (i32, i32) {
    %c0_i32 = arith.constant 0 : i32
    %c0_i32_0 = arith.constant 0 : i32
    return %arg0, %c0_i32 : i32, i32
  }
  func.func @transform_2(%arg0: i32) -> (i32, i32) {
    %c0_i32 = arith.constant 0 : i32
    %c0_i32_0 = arith.constant 0 : i32
    return %arg0, %c0_i32 : i32, i32
  }
  func.func @transform_3(%arg0: i32) -> (i32, i32) {
    %c0_i32 = arith.constant 0 : i32
    %c0_i32_0 = arith.constant 0 : i32
    return %arg0, %c0_i32 : i32, i32
  }
}

module attributes {stable_mosaic.version = 14 : i64} {
  func.func @_combine_body(%arg0: i32, %arg1: memref<2x1000x128xf32, #tpu.memory_space<vmem>>, %arg2: memref<1000x128xf32, #tpu.memory_space<vmem>>, %arg3: memref<1000x1xf32, #tpu.memory_space<vmem>>, %arg4: memref<1x128xf32, #tpu.memory_space<vmem>>, %arg5: memref<1x128xf32, #tpu.memory_space<vmem>>, %arg6: memref<1000x128xf32, #tpu.memory_space<vmem>>, %arg7: memref<1000x128xf32, #tpu.memory_space<vmem>>) attributes {dimension_semantics = [#tpu.dimension_semantics<arbitrary>], iteration_bounds = array<i64: 10>, scalar_prefetch = 0 : i64, scratch_operands = 0 : i64, tpu.core_type = #tpu.core_type<tc>, window_params = [{transform_indices = @transform_0, window_bounds = array<i64: 2, 1000, 128>}, {transform_indices = @transform_1, window_bounds = array<i64: 1000, 128>}, {transform_indices = @transform_2, window_bounds = array<i64: 1000, 1>}, {pipeline_mode = #tpu.pipeline_mode<synchronous>, transform_indices = @transform_3, window_bounds = array<i64: 1, 128>}, {pipeline_mode = #tpu.pipeline_mode<synchronous>, transform_indices = @transform_4, window_bounds = array<i64: 1, 128>}, {transform_indices = @transform_5, window_bounds = array<i64: 1000, 128>}, {transform_indices = @transform_6, window_bounds = array<i64: 1000, 128>}]} {
    %get3A = arith.constant 0 : index
    %get3A_0 = arith.constant 0 : index
    %get3A_1 = vector.load %arg3[%get3A, %get3A_0] : memref<1000x1xf32, #tpu.memory_space<vmem>>, vector<1000x1xf32>
    %get3A_2 = arith.constant 0 : index
    %get3A_3 = arith.constant 0 : index
    %get3A_4 = arith.constant 0 : index
    %get3A_5 = vector.load %arg1[%get3A_2, %get3A_3, %get3A_4] : memref<2x1000x128xf32, #tpu.memory_space<vmem>>, vector<1x1000x128xf32>
    %get3A_6 = vector.shape_cast %get3A_5 : vector<1x1000x128xf32> to vector<1000x128xf32>
    %get3A_7 = arith.constant 1 : index
    %get3A_8 = arith.constant 0 : index
    %get3A_9 = arith.constant 0 : index
    %get3A_10 = vector.load %arg1[%get3A_7, %get3A_8, %get3A_9] : memref<2x1000x128xf32, #tpu.memory_space<vmem>>, vector<1x1000x128xf32>
    %get3A_11 = vector.shape_cast %get3A_10 : vector<1x1000x128xf32> to vector<1000x128xf32>
    %add3A = arith.addf %get3A_6, %get3A_11 : vector<1000x128xf32>
    %mul3A = vector.broadcast %get3A_1 : vector<1000x1xf32> to vector<1000x128xf32>
    %mul3A_12 = arith.mulf %mul3A, %add3A : vector<1000x128xf32>
    %mul3A_13 = arith.mulf %get3A_1, %get3A_1 : vector<1000x1xf32>
    %get3A_14 = arith.constant 0 : index
    %get3A_15 = arith.constant 0 : index
    %get3A_16 = vector.load %arg2[%get3A_14, %get3A_15] : memref<1000x128xf32, #tpu.memory_space<vmem>>, vector<1000x128xf32>
    %mul3A_17 = vector.broadcast %mul3A_13 : vector<1000x1xf32> to vector<1000x128xf32>
    %mul3A_18 = arith.mulf %mul3A_17, %get3A_16 : vector<1000x128xf32>
    %add3A_19 = arith.addf %mul3A_12, %mul3A_18 : vector<1000x128xf32>
    %max3A = arith.constant 0.000000e+00 : f32
    %max3A_20 = vector.broadcast %max3A : f32 to vector<1000x128xf32>
    %max3A_21 = arith.maximumf %add3A_19, %max3A_20 : vector<1000x128xf32>
    %reduce_sum3A = arith.constant dense<0.000000e+00> : vector<1000xf32>
    %reduce_sum3A_22 = vector.multi_reduction <add>, %max3A_21, %reduce_sum3A [1] : vector<1000x128xf32> to vector<1000xf32>
    %broadcast_in_dim3A = vector.shape_cast %reduce_sum3A_22 : vector<1000xf32> to vector<1000x1xf32>
    %div3A = arith.constant 1.280000e+02 : f32
    %div3A_23 = vector.broadcast %div3A : f32 to vector<1000x1xf32>
    %div3A_24 = arith.divf %broadcast_in_dim3A, %div3A_23 : vector<1000x1xf32>
    %sub3A = vector.broadcast %div3A_24 : vector<1000x1xf32> to vector<1000x128xf32>
    %sub3A_25 = arith.subf %max3A_21, %sub3A : vector<1000x128xf32>
    %integer_pow3A = arith.mulf %sub3A_25, %sub3A_25 : vector<1000x128xf32>
    %reduce_sum3A_26 = arith.constant dense<0.000000e+00> : vector<1000xf32>
    %reduce_sum3A_27 = vector.multi_reduction <add>, %integer_pow3A, %reduce_sum3A_26 [1] : vector<1000x128xf32> to vector<1000xf32>
    %broadcast_in_dim3A_28 = vector.shape_cast %reduce_sum3A_27 : vector<1000xf32> to vector<1000x1xf32>
    %div3A_29 = arith.constant 1.280000e+02 : f32
    %div3A_30 = vector.broadcast %div3A_29 : f32 to vector<1000x1xf32>
    %div3A_31 = arith.divf %broadcast_in_dim3A_28, %div3A_30 : vector<1000x1xf32>
    %sub3A_32 = vector.broadcast %div3A_24 : vector<1000x1xf32> to vector<1000x128xf32>
    %sub3A_33 = arith.subf %max3A_21, %sub3A_32 : vector<1000x128xf32>
    %add3A_34 = arith.constant 9.99999974E-6 : f32
    %add3A_35 = vector.broadcast %add3A_34 : f32 to vector<1000x1xf32>
    %add3A_36 = arith.addf %div3A_31, %add3A_35 : vector<1000x1xf32>
    %rsqrt3A = math.rsqrt %add3A_36 : vector<1000x1xf32>
    %mul3A_37 = vector.broadcast %rsqrt3A : vector<1000x1xf32> to vector<1000x128xf32>
    %mul3A_38 = arith.mulf %sub3A_33, %mul3A_37 : vector<1000x128xf32>
    %get3A_39 = arith.constant 0 : index
    %get3A_40 = arith.constant 0 : index
    %get3A_41 = vector.load %arg4[%get3A_39, %get3A_40] : memref<1x128xf32, #tpu.memory_space<vmem>>, vector<1x128xf32>
    %mul3A_42 = vector.broadcast %get3A_41 : vector<1x128xf32> to vector<1000x128xf32>
    %mul3A_43 = arith.mulf %mul3A_38, %mul3A_42 : vector<1000x128xf32>
    %get3A_44 = arith.constant 0 : index
    %get3A_45 = arith.constant 0 : index
    %get3A_46 = vector.load %arg5[%get3A_44, %get3A_45] : memref<1x128xf32, #tpu.memory_space<vmem>>, vector<1x128xf32>
    %add3A_47 = vector.broadcast %get3A_46 : vector<1x128xf32> to vector<1000x128xf32>
    %add3A_48 = arith.addf %mul3A_43, %add3A_47 : vector<1000x128xf32>
    %swap3A = arith.constant 0 : index
    %swap3A_49 = arith.constant 0 : index
    %swap3A_50 = vector.load %arg6[%swap3A, %swap3A_49] : memref<1000x128xf32, #tpu.memory_space<vmem>>, vector<1000x128xf32>
    tpu.vector_store %arg6[%swap3A, %swap3A_49], %add3A_48 {strides = array<i32>} : memref<1000x128xf32, #tpu.memory_space<vmem>>, vector<1000x128xf32>,
    %mul3A_51 = vector.broadcast %get3A_1 : vector<1000x1xf32> to vector<1000x128xf32>
    %mul3A_52 = arith.mulf %mul3A_51, %add3A_48 : vector<1000x128xf32>
    %swap3A_53 = arith.constant 0 : index
    %swap3A_54 = arith.constant 0 : index
    %swap3A_55 = vector.load %arg7[%swap3A_53, %swap3A_54] : memref<1000x128xf32, #tpu.memory_space<vmem>>, vector<1000x128xf32>
    tpu.vector_store %arg7[%swap3A_53, %swap3A_54], %mul3A_52 {strides = array<i32>} : memref<1000x128xf32, #tpu.memory_space<vmem>>, vector<1000x128xf32>,
    return
  }
  func.func @transform_0(%arg0: i32) -> (i32, i32, i32) {
    %c0_i32 = arith.constant 0 : i32
    %c0_i32_0 = arith.constant 0 : i32
    %c0_i32_1 = arith.constant 0 : i32
    return %c0_i32, %arg0, %c0_i32_0 : i32, i32, i32
  }
  func.func @transform_1(%arg0: i32) -> (i32, i32) {
    %c0_i32 = arith.constant 0 : i32
    %c0_i32_0 = arith.constant 0 : i32
    return %arg0, %c0_i32 : i32, i32
  }
  func.func @transform_2(%arg0: i32) -> (i32, i32) {
    %c0_i32 = arith.constant 0 : i32
    %c0_i32_0 = arith.constant 0 : i32
    return %arg0, %c0_i32 : i32, i32
  }
  func.func @transform_3(%arg0: i32) -> (i32, i32) {
    %c0_i32 = arith.constant 0 : i32
    %c0_i32_0 = arith.constant 0 : i32
    %c0_i32_1 = arith.constant 0 : i32
    return %c0_i32, %c0_i32_0 : i32, i32
  }
  func.func @transform_4(%arg0: i32) -> (i32, i32) {
    %c0_i32 = arith.constant 0 : i32
    %c0_i32_0 = arith.constant 0 : i32
    %c0_i32_1 = arith.constant 0 : i32
    return %c0_i32, %c0_i32_0 : i32, i32
  }
  func.func @transform_5(%arg0: i32) -> (i32, i32) {
    %c0_i32 = arith.constant 0 : i32
    %c0_i32_0 = arith.constant 0 : i32
    return %arg0, %c0_i32 : i32, i32
  }
  func.func @transform_6(%arg0: i32) -> (i32, i32) {
    %c0_i32 = arith.constant 0 : i32
    %c0_i32_0 = arith.constant 0 : i32
    return %arg0, %c0_i32 : i32, i32
  }
}

module attributes {stable_mosaic.version = 14 : i64} {
  func.func @_combine_body(%arg0: i32, %arg1: memref<2x1000x128xf32, #tpu.memory_space<vmem>>, %arg2: memref<1000x128xf32, #tpu.memory_space<vmem>>, %arg3: memref<1000x1xf32, #tpu.memory_space<vmem>>, %arg4: memref<1x128xf32, #tpu.memory_space<vmem>>, %arg5: memref<1x128xf32, #tpu.memory_space<vmem>>, %arg6: memref<1000x128xf32, #tpu.memory_space<vmem>>) attributes {dimension_semantics = [#tpu.dimension_semantics<arbitrary>], iteration_bounds = array<i64: 10>, scalar_prefetch = 0 : i64, scratch_operands = 0 : i64, tpu.core_type = #tpu.core_type<tc>, window_params = [{transform_indices = @transform_0, window_bounds = array<i64: 2, 1000, 128>}, {transform_indices = @transform_1, window_bounds = array<i64: 1000, 128>}, {transform_indices = @transform_2, window_bounds = array<i64: 1000, 1>}, {pipeline_mode = #tpu.pipeline_mode<synchronous>, transform_indices = @transform_3, window_bounds = array<i64: 1, 128>}, {pipeline_mode = #tpu.pipeline_mode<synchronous>, transform_indices = @transform_4, window_bounds = array<i64: 1, 128>}, {transform_indices = @transform_5, window_bounds = array<i64: 1000, 128>}]} {
    %get3A = arith.constant 0 : index
    %get3A_0 = arith.constant 0 : index
    %get3A_1 = vector.load %arg3[%get3A, %get3A_0] : memref<1000x1xf32, #tpu.memory_space<vmem>>, vector<1000x1xf32>
    %get3A_2 = arith.constant 0 : index
    %get3A_3 = arith.constant 0 : index
    %get3A_4 = arith.constant 0 : index
    %get3A_5 = vector.load %arg1[%get3A_2, %get3A_3, %get3A_4] : memref<2x1000x128xf32, #tpu.memory_space<vmem>>, vector<1x1000x128xf32>
    %get3A_6 = vector.shape_cast %get3A_5 : vector<1x1000x128xf32> to vector<1000x128xf32>
    %get3A_7 = arith.constant 1 : index
    %get3A_8 = arith.constant 0 : index
    %get3A_9 = arith.constant 0 : index
    %get3A_10 = vector.load %arg1[%get3A_7, %get3A_8, %get3A_9] : memref<2x1000x128xf32, #tpu.memory_space<vmem>>, vector<1x1000x128xf32>
    %get3A_11 = vector.shape_cast %get3A_10 : vector<1x1000x128xf32> to vector<1000x128xf32>
    %add3A = arith.addf %get3A_6, %get3A_11 : vector<1000x128xf32>
    %mul3A = vector.broadcast %get3A_1 : vector<1000x1xf32> to vector<1000x128xf32>
    %mul3A_12 = arith.mulf %mul3A, %add3A : vector<1000x128xf32>
    %mul3A_13 = arith.mulf %get3A_1, %get3A_1 : vector<1000x1xf32>
    %get3A_14 = arith.constant 0 : index
    %get3A_15 = arith.constant 0 : index
    %get3A_16 = vector.load %arg2[%get3A_14, %get3A_15] : memref<1000x128xf32, #tpu.memory_space<vmem>>, vector<1000x128xf32>
    %mul3A_17 = vector.broadcast %mul3A_13 : vector<1000x1xf32> to vector<1000x128xf32>
    %mul3A_18 = arith.mulf %mul3A_17, %get3A_16 : vector<1000x128xf32>
    %add3A_19 = arith.addf %mul3A_12, %mul3A_18 : vector<1000x128xf32>
    %max3A = arith.constant 0.000000e+00 : f32
    %max3A_20 = vector.broadcast %max3A : f32 to vector<1000x128xf32>
    %max3A_21 = arith.maximumf %add3A_19, %max3A_20 : vector<1000x128xf32>
    %reduce_sum3A = arith.constant dense<0.000000e+00> : vector<1000xf32>
    %reduce_sum3A_22 = vector.multi_reduction <add>, %max3A_21, %reduce_sum3A [1] : vector<1000x128xf32> to vector<1000xf32>
    %broadcast_in_dim3A = vector.shape_cast %reduce_sum3A_22 : vector<1000xf32> to vector<1000x1xf32>
    %div3A = arith.constant 1.280000e+02 : f32
    %div3A_23 = vector.broadcast %div3A : f32 to vector<1000x1xf32>
    %div3A_24 = arith.divf %broadcast_in_dim3A, %div3A_23 : vector<1000x1xf32>
    %sub3A = vector.broadcast %div3A_24 : vector<1000x1xf32> to vector<1000x128xf32>
    %sub3A_25 = arith.subf %max3A_21, %sub3A : vector<1000x128xf32>
    %integer_pow3A = arith.mulf %sub3A_25, %sub3A_25 : vector<1000x128xf32>
    %reduce_sum3A_26 = arith.constant dense<0.000000e+00> : vector<1000xf32>
    %reduce_sum3A_27 = vector.multi_reduction <add>, %integer_pow3A, %reduce_sum3A_26 [1] : vector<1000x128xf32> to vector<1000xf32>
    %broadcast_in_dim3A_28 = vector.shape_cast %reduce_sum3A_27 : vector<1000xf32> to vector<1000x1xf32>
    %div3A_29 = arith.constant 1.280000e+02 : f32
    %div3A_30 = vector.broadcast %div3A_29 : f32 to vector<1000x1xf32>
    %div3A_31 = arith.divf %broadcast_in_dim3A_28, %div3A_30 : vector<1000x1xf32>
    %sub3A_32 = vector.broadcast %div3A_24 : vector<1000x1xf32> to vector<1000x128xf32>
    %sub3A_33 = arith.subf %max3A_21, %sub3A_32 : vector<1000x128xf32>
    %add3A_34 = arith.constant 9.99999974E-6 : f32
    %add3A_35 = vector.broadcast %add3A_34 : f32 to vector<1000x1xf32>
    %add3A_36 = arith.addf %div3A_31, %add3A_35 : vector<1000x1xf32>
    %rsqrt3A = math.rsqrt %add3A_36 : vector<1000x1xf32>
    %mul3A_37 = vector.broadcast %rsqrt3A : vector<1000x1xf32> to vector<1000x128xf32>
    %mul3A_38 = arith.mulf %sub3A_33, %mul3A_37 : vector<1000x128xf32>
    %get3A_39 = arith.constant 0 : index
    %get3A_40 = arith.constant 0 : index
    %get3A_41 = vector.load %arg4[%get3A_39, %get3A_40] : memref<1x128xf32, #tpu.memory_space<vmem>>, vector<1x128xf32>
    %mul3A_42 = vector.broadcast %get3A_41 : vector<1x128xf32> to vector<1000x128xf32>
    %mul3A_43 = arith.mulf %mul3A_38, %mul3A_42 : vector<1000x128xf32>
    %get3A_44 = arith.constant 0 : index
    %get3A_45 = arith.constant 0 : index
    %get3A_46 = vector.load %arg5[%get3A_44, %get3A_45] : memref<1x128xf32, #tpu.memory_space<vmem>>, vector<1x128xf32>
    %add3A_47 = vector.broadcast %get3A_46 : vector<1x128xf32> to vector<1000x128xf32>
    %add3A_48 = arith.addf %mul3A_43, %add3A_47 : vector<1000x128xf32>
    %swap3A = arith.constant 0 : index
    %swap3A_49 = arith.constant 0 : index
    %swap3A_50 = vector.load %arg6[%swap3A, %swap3A_49] : memref<1000x128xf32, #tpu.memory_space<vmem>>, vector<1000x128xf32>
    tpu.vector_store %arg6[%swap3A, %swap3A_49], %add3A_48 {strides = array<i32>} : memref<1000x128xf32, #tpu.memory_space<vmem>>, vector<1000x128xf32>,
    return
  }
  func.func @transform_0(%arg0: i32) -> (i32, i32, i32) {
    %c0_i32 = arith.constant 0 : i32
    %c0_i32_0 = arith.constant 0 : i32
    %c0_i32_1 = arith.constant 0 : i32
    return %c0_i32, %arg0, %c0_i32_0 : i32, i32, i32
  }
  func.func @transform_1(%arg0: i32) -> (i32, i32) {
    %c0_i32 = arith.constant 0 : i32
    %c0_i32_0 = arith.constant 0 : i32
    return %arg0, %c0_i32 : i32, i32
  }
  func.func @transform_2(%arg0: i32) -> (i32, i32) {
    %c0_i32 = arith.constant 0 : i32
    %c0_i32_0 = arith.constant 0 : i32
    return %arg0, %c0_i32 : i32, i32
  }
  func.func @transform_3(%arg0: i32) -> (i32, i32) {
    %c0_i32 = arith.constant 0 : i32
    %c0_i32_0 = arith.constant 0 : i32
    %c0_i32_1 = arith.constant 0 : i32
    return %c0_i32, %c0_i32_0 : i32, i32
  }
  func.func @transform_4(%arg0: i32) -> (i32, i32) {
    %c0_i32 = arith.constant 0 : i32
    %c0_i32_0 = arith.constant 0 : i32
    %c0_i32_1 = arith.constant 0 : i32
    return %c0_i32, %c0_i32_0 : i32, i32
  }
  func.func @transform_5(%arg0: i32) -> (i32, i32) {
    %c0_i32 = arith.constant 0 : i32
    %c0_i32_0 = arith.constant 0 : i32
    return %arg0, %c0_i32 : i32, i32
  }
}

</mosaic_0001>

<sc_bundles>
// kernel: kernel.11.cloned.1.call-start
scs
__scs_entry_jumppad:
0x0: {  	(pc) =	sbr.rel $0x88, $3  }
0x1: {  	(tag) =	ssettag $0x0;
	lr =	simm.s32 $0x1  }
0x2: {  	[smem:$0x3F9B] =	sst lr;
	_ =	strace $0xD0000000  }
0x3: {  	_ = 	snop  }
0x4: {  	_ = 	snop  }
0x5: {  	_ = 	snop  }
0x6: {  	_ = 	snop  }
0x7: {  	_ = 	snop  }
__scs_overlays_trampoline_lowered:
0x8: {  	[smem:$0x3FAA] =	sst s0  }
0x9: {  	[smem:$0x3FAB] =	sst s1  }
0xa: {  	[smem:$0x3FAC] =	sst s2  }
0xb: {  	[smem:$0x3FAD] =	sst s3  }
0xc: {  	[smem:$0x3FAE] =	sst s4  }
0xd: {  	[smem:$0x3FAF] =	sst s5  }
0xe: {  	[smem:$0x3FB0] =	sst s6  }
0xf: {  	[smem:$0x3FB1] =	sst s7  }
0x10: {  	[smem:$0x3FB2] =	sst s8  }
0x11: {  	[smem:$0x3FB3] =	sst s9;
	s0 =	simm.s32 @!p0 $0x0  }
0x12: {  	s1 =	sld [smem:$0x3F99];
	s0 =	simm.s32 @p0 $0x1  }
0x13: {  	[smem:$0x3FB4] =	sst s0;
	s0 =	simm.s32 @!p1 $0x0  }
0x14: {  	s2 =	sld [smem:$0x3F98];
	s0 =	simm.s32 @p1 $0x1  }
0x15: {  	[smem:$0x3FB5] =	sst s0;
	s0 =	simm.s32 @!p2 $0x0  }
0x16: {  	s3 =	sld [smem:$0x3FDB];
	s0 =	simm.s32 @p2 $0x1  }
0x17: {  	s4 =	simm.s32 $0x1BF5;
	[smem:$0x3FB7] =	sst s0  }
0x18: {  	s0 =	sld [smem:$0x3F9A];
	_ =	swait.ge [sflag:s4], $0x0  }
0x19: {  	s7 =	sld [smem:$0x3F9B]  }
0x1a: {  	s8 =	sadd.s32 $0xFFFFE003, lr  }
0x1b: {  	s9 =	sadd.s32 $0xFFFFFEF7, lr;
	s5 =	simm.s32 $0xFFFFFFFF;
	p2 =	slt.u32 s8, $0xFFFFF086  }
0x1c: {  	p1 =	slt.u32 s9, $0xF7A;
	s5 =	simm.s32 @!p2 $0x0  }
0x1d: {  	s5 =	simm.s32 @p1 $0x1;
	p0 =	seq.s32 s7, s2  }
0x1e: {  	s7 =	smul.u32 @!p0 $0xF7A, s2;
	p2 =	seq.s32 @!p0 s5, $0x0  }
0x1f: {  	s9 =	smul.u32 $0xF7A, s1;
	s8 =	simm.s32 @!p0 $0x1BF5;
	p2 =	por !p2, p0  }
0x20: {  	[sflag:s8] =	ssyncset.s32 @!p0 $0xFFFFF086;
	s6 =	sadd.s32 @!p0 s3, s7;
	s7 =	simm.s32 @!p0 $0x108  }
0x21: {  	s3 =	sadd.s32 s3, s9;
	s6 =	sadd.s32 @!p0 $0x88, s6;
	s7 =	simm.s32 @p2 $0x1082  }
0x22: {  	[simem:s7], [sflag:s8] =	dma.local @!p0 [hbm:s6], $0xF7A  }
0x23: {  	s9 =	sor.u32 $0xD0000000, s2;
	s6 =	simm.s32 $0x108;
	_ =	swait.ge @!p0 [sflag:s8], $0x0  }
0x24: {  	s3 =	sadd.s32 $0x88, s3;
	s6 =	simm.s32 @!p1 $0x1082;
	[sflag:s4] =	ssyncset.s32 $0xFFFFF086  }
0x25: {  	[simem:s6], [sflag:s4] =	dma.local [hbm:s3], $0xF7A  }
0x26: {  	[smem:$0x3F9B] =	sst s1;
	(tag) =	ssettag s2;
	_ =	strace s9  }
0x27: {  	s1 =	sld [smem:$0x3FAB]  }
0x28: {  	s2 =	sld [smem:$0x3FAC]  }
0x29: {  	s4 =	sld [smem:$0x3FAE]  }
0x2a: {  	p0 =	seq.s32 s5, $0x0;
	s5 =	sld [smem:$0x3FAF]  }
0x2b: {  	s6 =	sld [smem:$0x3FB0]  }
0x2c: {  	s7 =	sld [smem:$0x3FB1]  }
0x2d: {  	s3 =	simm.s32 $0x108;
	s8 =	sld [smem:$0x3FB2]  }
0x2e: {  	s3 =	simm.s32 @!p0 $0x1082;
	s9 =	sld [smem:$0x3FB3]  }
0x2f: {  	lr =	sadd.s32 s0, s3;
	s0 =	sld [smem:$0x3FAA]  }
0x30: {  	s3 =	sld [smem:$0x3FAD]  }
0x31: {  	[smem:$0x3FB6] =	sst s10  }
0x32: {  	s10 =	sld [smem:$0x3FB4];
	_ =	sdelay $0x3  }
0x33: {  	p0 =	seq.s32 s10, $0x1;
	s10 =	sld [smem:$0x3FB6];
	_ =	sdelay $0x3  }
0x34: {  	[smem:$0x3FB6] =	sst s10  }
0x35: {  	s10 =	sld [smem:$0x3FB5];
	_ =	sdelay $0x3  }
0x36: {  	p1 =	seq.s32 s10, $0x1;
	s10 =	sld [smem:$0x3FB6];
	_ =	sdelay $0x3  }
0x37: {  	[smem:$0x3FB6] =	sst s10  }
0x38: {  	s10 =	sld [smem:$0x3FB7]  }
0x39: {  	_ = 	snop;
	(pc) =	sbr.ind lr, $3  }
0x3a: {  	_ = 	snop  }
0x3b: {  	_ = 	snop  }
0x3c: {  	p2 =	seq.s32 s10, $0x1;
	s10 =	sld [smem:$0x3FB6]  }
0x3d: {  	_ =	shalt  }
0x3e: {  	_ =	shalt  }
0x3f: {  	_ =	shalt  }
0x40: {  	_ =	shalt  }
0x41: {  	_ =	shalt  }
0x42: {  	_ =	shalt  }
0x43: {  	_ =	shalt  }
0x44: {  	_ =	shalt  }
0x45: {  	_ =	shalt  }
0x46: {  	_ =	shalt  }
0x47: {  	_ =	shalt  }
0x48: {  	_ =	shalt  }
0x49: {  	_ =	shalt  }
0x4a: {  	_ =	shalt  }
0x4b: {  	_ =	shalt  }
0x4c: {  	_ =	shalt  }
0x4d: {  	_ =	shalt  }
0x4e: {  	_ =	shalt  }
0x4f: {  	_ =	shalt  }
0x50: {  	_ =	shalt  }
0x51: {  	_ =	shalt  }
0x52: {  	_ =	shalt  }
0x53: {  	_ =	shalt  }
0x54: {  	_ =	shalt  }
0x55: {  	_ =	shalt  }
0x56: {  	_ =	shalt  }
0x57: {  	_ =	shalt  }
0x58: {  	_ =	shalt  }
0x59: {  	_ =	shalt  }
0x5a: {  	_ =	shalt  }
0x5b: {  	_ =	shalt  }
0x5c: {  	_ =	shalt  }
0x5d: {  	_ =	shalt  }
0x5e: {  	_ =	shalt  }
0x5f: {  	_ =	shalt  }
0x60: {  	_ =	shalt  }
0x61: {  	_ =	shalt  }
0x62: {  	_ =	shalt  }
0x63: {  	_ =	shalt  }
0x64: {  	_ =	shalt  }
0x65: {  	_ =	shalt  }
0x66: {  	_ =	shalt  }
0x67: {  	_ =	shalt  }
0x68: {  	_ =	shalt  }
0x69: {  	_ =	shalt  }
0x6a: {  	_ =	shalt  }
0x6b: {  	_ =	shalt  }
0x6c: {  	_ =	shalt  }
0x6d: {  	_ =	shalt  }
0x6e: {  	_ =	shalt  }
0x6f: {  	_ =	shalt  }
0x70: {  	_ =	shalt  }
0x71: {  	_ =	shalt  }
0x72: {  	_ =	shalt  }
0x73: {  	_ =	shalt  }
0x74: {  	_ =	shalt  }
0x75: {  	_ =	shalt  }
0x76: {  	_ =	shalt  }
0x77: {  	_ =	shalt  }
0x78: {  	_ =	shalt  }
0x79: {  	_ =	shalt  }
0x7a: {  	_ =	shalt  }
0x7b: {  	_ =	shalt  }
0x7c: {  	_ =	shalt  }
0x7d: {  	_ =	shalt  }
0x7e: {  	_ =	shalt  }
0x7f: {  	_ =	shalt  }
0x80: {  	_ =	shalt  }
0x81: {  	_ =	shalt  }
0x82: {  	_ =	shalt  }
0x83: {  	_ =	shalt  }
0x84: {  	_ =	shalt  }
0x85: {  	_ =	shalt  }
0x86: {  	_ =	shalt  }
0x87: {  	_ =	shalt  }
.Lfunc_end0:
.L_simem_size_0:
called_computation.1_lowered:
.L_overlay_start_0:
0x88: {  	s2 =	sld [smem:$0x3FD9]  }
0x89: {  	s3 =	sld [smem:$0x3FFE];
	_ =	sdelay $0x1  }
0x8a: {  	s1 =	srdreg.scid  }
0x8b: {  	s0 =	sand.u32 $0x1, s1  }
0x8c: {  	s17 =	sshll.u32 s0, $0xA;
	s2 =	sadd.s32 s3, s2  }
0x8d: {  	s2 =	sadd.s32 s2, s17  }
0x8e: {  	[smem:$0x3FC2] =	sst s2  }
0x8f: {  	_ = 	snop  }
0x90: {  	s2 =	sld [smem:$0x3FD0];
	(tm) =	ssettm $0x1  }
0x91: {  	s18 =	sld [smem:$0x3FFB];
	_ =	sdelay $0x3  }
0x92: {  	_ =	strace s18  }
0x93: {  	s3 =	sld [smem:$0x3FFC];
	_ =	sdelay $0x3  }
0x94: {  	_ =	strace s3  }
0x95: {  	s3 =	sld [smem:$0x3FFD];
	_ =	sdelay $0x3  }
0x96: {  	_ =	strace s3  }
0x97: {  	_ =	strace $0x8FFFFFFF  }
0x98: {  	s19 =	sld [smem:$0x3FDB];
	_ =	sdelay $0x1  }
0x99: {  	s4 =	simm.s32 $_scs_section_size  }
0x9a: {  	s5 =	simm.s32 $_size__tile_overlayer_lowered;
	s6 =	simm.s32 $_tile_overlayer_lowered  }
0x9b: {  	s22 =	simm.s32 $0x1BFF;
	s21 =	sshll.u32 s6, $0x1;
	s3 =	sadd.s32 s4, s19  }
0x9c: {  	s7 =	simm.s32 $0x0;
	s20 =	sshll.u32 s5, $0x1;
	s5 =	sadd.s32 s21, s3  }
0x9d: {  	[timem:s7], [sflag:s22] =	dma.local [hbm:s5], s20  }
0x9e: {  	_ =	swait.ge [sflag:s22], s20  }
0x9f: {  	s4 =	ssub.s32 $0x0, s20;
	[sflag:s22] =	ssyncset.done $0x0  }
0xa0: {  	[sflag:s22] =	ssyncadd.s32 s4;
	_ =	sdelay $0x1  }
0xa1: {  	s23 =	simm.s32 $0x1B8B  }
0xa2: {  	_ =	swait.ge [sflag:s23], $0x1  }
0xa3: {  	[sflag:s23] =	ssyncset.done $0x0  }
0xa4: {  	s25 =	simm.s32 $0x1B8E;
	s24 =	sld [smem:$0x3FFE];
	[sflag:s23] =	ssyncadd.s32 $0xFFFFFFFF  }
0xa5: {  	s26 =	simm.s32 $execute0_lowered;
	[smem:$0x3FD2] =	sst s25  }
0xa6: {  	s5 =	sshll.u32 s26, $0x1;
	_ =	strace $0x80000049;
	[dreg:$0x1] =	wrdreg $0xFFFFFFFF  }
0xa7: {  	s28 =	simm.s32 $_size_execute0_lowered;
	s3 =	sadd.s32 s3, s5;
	[dreg:$0x0] =	wrdreg $0x0  }
0xa8: {  	s5 =	sshll.u32 s28, $0x1;
	[dreg:$0x2] =	wrdreg s3  }
0xa9: {  	[dreg:$0x3] =	wrdreg s5  }
0xaa: {  	[dreg:$0x4] =	wrdreg $0xC0  }
0xab: {  	_ =	task [dreg:s7], $0x5FFFF  }
0xac: {  	[dreg:$0x1] =	wrdreg $0xFFFFFFFF  }
0xad: {  	[dreg:$0x0] =	wrdreg $0x60  }
0xae: {  	[dreg:$0x2] =	wrdreg s2  }
0xaf: {  	[dreg:$0x3] =	wrdreg s24  }
0xb0: {  	[dreg:$0x4] =	wrdreg $0x53000  }
0xb1: {  	[dreg:$0x5] =	wrdreg $0x9  }
0xb2: {  	_ =	task.clear_ibuf [dreg:s7], $0x6FFFF;
	_ =	strace $0x90000049  }
0xb3: {  	s29 =	simm.s32 $0x9;
	_ =	strace $0x8000004B  }
0xb4: {  	_ =	swait.ge [sflag:s29], $0x1  }
0xb5: {  	[sflag:s29] =	ssyncadd.s32 $0xFFFFFFFF  }
0xb6: {  	_ =	strace $0x9000004B  }
0xb7: {  	_ =	sfence  }
0xb8: {  	s30 =	sld [smem:$0x0];
	_ =	sdelay $0x2  }
0xb9: {  	s31 =	sshll.u32 s1, $0xD;
	s1 =	sshrl.u32 s1, $0x2  }
0xba: {  	s3 =	sand.u32 $0x4000, s31;
	s1 =	sadd.s32 s1, s30  }
0xbb: {  	s0 =	sor.u32 s3, s0;
	s1 =	sshll.u32 s1, $0x11  }
0xbc: {  	s0 =	sor.u32 s1, s0  }
0xbd: {  	s0 =	sadd.s32 $0x8F2B, s0  }
0xbe: {  	[sflag:s0] =	ssyncadd.remote.s32 $0x1  }
0xbf: {  	_ =	sfence.sel $0xFFFF  }
0xc0: {  	[dreg:$0x0] =	wrdreg $0xFFFFFFFF;
	(pc) =	sbr.abs _section_cstart, $3  }
0xc1: {  	[dreg:$0x1] =	wrdreg $0xFFFFFFFF  }
0xc2: {  	_ =	task.clear_ibuf [dreg:s7], $0x2FFFF;
	_ =	strace $0x9FFFFFFF  }
0xc3: {  	(tm) =	ssettm $0x7FFFFFFF  }
tec
execute0_lowered:
.L_overlay_start_1:
0x0: {  	(tag) =	ssettag $0x1  }
0x1: {  	s0 =	rddreg [dreg:$0x0]  }
0x2: {  	s1 =	rddreg [dreg:$0x1];
	s2 =	srdreg.scid  }
0x3: {  	s6 =	rddreg [dreg:$0x2];
	s11 =	stileid.u32;
	s3 =	simm.s32 $0x0  }
0x4: {  	s28 =	simm.s32 $0x0;
	s2 =	sand.u32 $0x1, s2;
	s8 =	smul.u32 $0x14000, s11  }
0x5: {  	[smem:$0x7FF] =	sst s3;
	s9 =	smul.u32 $0x50000, s11;
	s4 =	sadd.s32 $0x2200, s1  }
0x6: {  	s5 =	sadd.s32 $0x12C00, s1;
	s11 =	sshll.u32 s11, $0xE;
	s7 =	smul.u32 $0x140000, s2  }
0x7: {  	_ =	strace $0x8000004A;
	s20 =	ssub.s32 $0x2, s2;
	s2 =	sshll.u32 s2, $0x12  }
0x8: {  	s9 =	sshrl.u32 s9, $0x2;
	s10 =	sshrl.u32 s20, $0x1;
	s11 =	sor.u32 s11, s2  }
0x9: {  	s7 =	sadd.s32 s8, s7;
	s6 =	sadd.s32 s9, s6;
	s21 =	ssub.s32 s20, s10  }
0xa: {  	s30 =	sshrl.u32 s11, $0x3;
	s7 =	sshrl.u32 s7, $0x3;
	s22 =	sadd.s32 $0x2800, s6  }
0xb: {  	s23 =	sadd.s32 $0x5000, s6;
	s24 =	sadd.s32 $0x7800, s6;
	[dreg:$0x4] =	wrdreg s22  }
0xc: {  	s25 =	sadd.s32 $0xA000, s6;
	s26 =	sadd.s32 $0xC800, s6;
	[dreg:$0x5] =	wrdreg s23  }
0xd: {  	s29 =	sadd.s32 $0xF000, s6;
	s31 =	sadd.s32 $0x11800, s6;
	[dreg:$0x6] =	wrdreg s24  }
0xe: {  	s15 =	sadd.s32 s4, s30;
	s18 =	sor.u32 $0x10, s30;
	[dreg:$0x7] =	wrdreg s25  }
0xf: {  	s16 =	sadd.s32 s5, s30;
	s20 =	smax.u32 s21, $0x1;
	[dreg:$0x8] =	wrdreg s26  }
0x10: {  	s21 =	simm.s32 $0x300;
	s1 =	sadd.s32 s7, s1;
	[dreg:$0x9] =	wrdreg s29  }
0x11: {  	[dreg:$0xa] =	wrdreg s31;
	s17 =	sadd.s32 s4, s18;
	s18 =	sadd.s32 s5, s18  }
0x12: {  	v0 =	vimm.f32 $0.0e+00;
	s22 =	simm.s32 $0x4;
	s26 =	simm.s32 $0x1;
	s19 =	sadd.s32 $0x22C00, s1  }
.LBB2_1:
0x13: {  	s1 =	simm.s32 $0x0;
	s2 =	simm.s32 $0x200  }
.LBB2_2:
0x14: {  	p0 =	sne.s32 s2, $0x9E00;
	[tilespmem:s1+$0x370] =	vst v0  }
0x15: {  	[tilespmem:s1+$0x300] =	vst v0  }
0x16: {  	[tilespmem:s1+$0x310] =	vst v0  }
.Ltmp0:
0x17: {  	[tilespmem:s1+$0x320] =	vst v0;
	(pc) =	sbr.rel @p0 .LBB2_2-.Ltmp0, $4  }
0x18: {  	[tilespmem:s1+$0x330] =	vst v0  }
0x19: {  	[tilespmem:s1+$0x340] =	vst v0  }
0x1a: {  	[tilespmem:s1+$0x350] =	vst v0  }
0x1b: {  	[tilespmem:s1+$0x360] =	vst v0;
	s1 =	sshra.s32 s2, $0x2;
	s2 =	sadd.s32 $0x200, s2  }
0x1c: {  	[tilespmem:s1+$0x370] =	vst v0  }
0x1d: {  	[tilespmem:s1+$0x300] =	vst v0  }
0x1e: {  	[tilespmem:s1+$0x310] =	vst v0  }
0x1f: {  	[tilespmem:s1+$0x320] =	vst v0  }
0x20: {  	[tilespmem:s1+$0x330] =	vst v0  }
0x21: {  	[tilespmem:s1+$0x340] =	vst v0  }
0x22: {  	[tilespmem:s1+$0x350] =	vst v0  }
0x23: {  	[tilespmem:s1+$0x360] =	vst v0  }
0x24: {  	[spmem:s6] =	stream.linear.scatter [tilespmem:s21], [sflag:$0x4], $0x2800, $0x38;
	[tilespmem:$0x19300] =	vst v63  }
0x25: {  	_ =	swait.ge [sflag:s22], $0x2800  }
0x26: {  	[sflag:s22] =	ssyncset.done $0x0  }
0x27: {  	s25 =	rddreg [dreg:$0x4];
	[sflag:s22] =	ssyncadd.s32 $0xFFFFD800  }
0x28: {  	[spmem:s25] =	stream.linear.scatter [tilespmem:s21], [sflag:$0x4], $0x2800, $0x38;
	[tilespmem:$0x19300] =	vst v63  }
0x29: {  	_ =	swait.ge [sflag:s22], $0x2800  }
0x2a: {  	[sflag:s22] =	ssyncset.done $0x0  }
0x2b: {  	s2 =	rddreg [dreg:$0x5];
	[sflag:s22] =	ssyncadd.s32 $0xFFFFD800  }
0x2c: {  	[spmem:s2] =	stream.linear.scatter [tilespmem:s21], [sflag:$0x4], $0x2800, $0x38;
	[tilespmem:$0x19300] =	vst v63  }
0x2d: {  	_ =	swait.ge [sflag:s22], $0x2800  }
0x2e: {  	[sflag:s22] =	ssyncset.done $0x0  }
0x2f: {  	s7 =	rddreg [dreg:$0x6];
	[sflag:s22] =	ssyncadd.s32 $0xFFFFD800  }
0x30: {  	[spmem:s7] =	stream.linear.scatter [tilespmem:s21], [sflag:$0x4], $0x2800, $0x38;
	[tilespmem:$0x19300] =	vst v63  }
0x31: {  	_ =	swait.ge [sflag:s22], $0x2800  }
0x32: {  	[sflag:s22] =	ssyncset.done $0x0  }
0x33: {  	s8 =	rddreg [dreg:$0x7];
	[sflag:s22] =	ssyncadd.s32 $0xFFFFD800  }
0x34: {  	[spmem:s8] =	stream.linear.scatter [tilespmem:s21], [sflag:$0x4], $0x2800, $0x38;
	[tilespmem:$0x19300] =	vst v63  }
0x35: {  	_ =	swait.ge [sflag:s22], $0x2800  }
0x36: {  	[sflag:s22] =	ssyncset.done $0x0  }
0x37: {  	s9 =	rddreg [dreg:$0x8];
	[sflag:s22] =	ssyncadd.s32 $0xFFFFD800  }
0x38: {  	[spmem:s9] =	stream.linear.scatter [tilespmem:s21], [sflag:$0x4], $0x2800, $0x38;
	[tilespmem:$0x19300] =	vst v63  }
0x39: {  	_ =	swait.ge [sflag:s22], $0x2800  }
0x3a: {  	[sflag:s22] =	ssyncset.done $0x0  }
0x3b: {  	s10 =	rddreg [dreg:$0x9];
	[sflag:s22] =	ssyncadd.s32 $0xFFFFD800  }
0x3c: {  	[spmem:s10] =	stream.linear.scatter [tilespmem:s21], [sflag:$0x4], $0x2800, $0x38;
	[tilespmem:$0x19300] =	vst v63  }
0x3d: {  	_ =	swait.ge [sflag:s22], $0x2800  }
0x3e: {  	[sflag:s22] =	ssyncset.done $0x0  }
0x3f: {  	s12 =	rddreg [dreg:$0xa];
	[sflag:s22] =	ssyncadd.s32 $0xFFFFD800  }
0x40: {  	[spmem:s12] =	stream.linear.scatter [tilespmem:s21], [sflag:$0x4], $0x2800, $0x38;
	[tilespmem:$0x19300] =	vst v63  }
0x41: {  	_ =	swait.ge [sflag:s22], $0x2800  }
0x42: {  	[sflag:s22] =	ssyncset.done $0x0  }
0x43: {  	[sflag:s22] =	ssyncadd.s32 $0xFFFFD800  }
0x44: {  	[bflag:$0x0] =	sbarrier.arrive $0xFFFF  }
0x45: {  	[tilespmem:s3], [sflag:$0x2] =	stream.linear.gather [hbm4b:s15+s3], $0x80, $0x38;
	[tilespmem:$0x19300] =	vst v63  }
0x46: {  	s13 =	simm.s32 $0x80  }
0x47: {  	[tilespmem:s13], [sflag:$0x2] =	stream.linear.gather [hbm4b:s16+s3], $0x80, $0x38;
	[tilespmem:$0x19300] =	vst v63  }
0x48: {  	s1 =	simm.s32 $0x100  }
0x49: {  	[tilespmem:s1], [sflag:$0x3] =	stream.linear.gather [hbm4b:s17+s3], $0x80, $0x38;
	[tilespmem:$0x19300] =	vst v63  }
0x4a: {  	s14 =	simm.s32 $0x2;
	s2 =	simm.s32 $0x180  }
0x4b: {  	[tilespmem:s2], [sflag:$0x3] =	stream.linear.gather [hbm4b:s18+s3], $0x80, $0x38;
	[tilespmem:$0x19300] =	vst v63  }
0x4c: {  	_ =	swait.ge [sflag:s14], $0x80  }
0x4d: {  	[sflag:s14] =	ssyncset.done $0x0  }
0x4e: {  	[sflag:s14] =	ssyncadd.s32 $0xFFFFFF80  }
0x4f: {  	_ =	swait.ge [sflag:s14], $0x80  }
0x50: {  	s23 =	simm.s32 $0x0;
	p4 =	por $0x0, $0x0;
	[sflag:s14] =	ssyncset.done $0x0  }
0x51: {  	s7 =	simm.s32 $0x50;
	s2 =	smul.u32 $0xAB, s14;
	[sflag:s14] =	ssyncadd.s32 $0xFFFFFF80  }
0x52: {  	[tilespmem:s21], [sflag:$0x1] =	stream.indirect.gather [hbm4b:s0+s7], $0x80, s3, s7, $0xb8;
	[tilespmem:$0x19300] =	vst v63  }
0x53: {  	p1 =	por $0x0, $0x0;
	s7 =	sand.u32 $0x1, s23;
	s23 =	sshrl.u32 s2, $0x9  }
0x54: {  	s2 =	sadd.s32 $0xFFFFFF55, s2;
	p0 =	sne.s32 @!p4 s7, $0x0;
	s23 =	sand.u32 $0x7F, s23  }
0x55: {  	p6 =	seq.s32 s7, $0x1;
	p3 =	sne.s32 @!p1 s7, $0x0;
	s2 =	sshrl.u32 s2, $0x9  }
0x56: {  	_ =	swait.ge [sflag:s26], $0x2800;
	p2 =	por p0, p4;
	s23 =	smul.u32 $0x3, s23  }
0x57: {  	p4 =	por !p6, p4;
	[sflag:s26] =	ssyncset.done $0x0;
	s2 =	sand.u32 $0x7F, s2  }
0x58: {  	p1 =	por p3, p1;
	p0 =	por p6, p6;
	s24 =	sand.u32 @!p2 $0x7C00, s1  }
0x59: {  	s25 =	sand.u32 @!p2 $0x300, s1;
	s29 =	simm.s32 @!p2 $0x0;
	s24 =	sadd.s32 @!p2 s11, s24  }
0x5a: {  	[sflag:s26] =	ssyncadd.s32 $0xFFFFD800;
	s23 =	ssub.s32 $0x2, s23;
	s24 =	sor.u32 @!p2 s25, s24  }
0x5b: {  	s7 =	sand.u32 $0xFF, s23;
	s23 =	sshrl.u32 @!p2 s24, $0x3;
	s24 =	sand.u32 @!p4 $0x7C00, s1  }
0x5c: {  	s2 =	smul.u32 $0x3, s2;
	s1 =	sand.u32 @!p4 $0x380, s1;
	s24 =	sadd.s32 @!p4 s11, s24  }
0x5d: {  	s25 =	sshll.u32 @!p2 s7, $0x8;
	s1 =	sor.u32 @!p4 s1, s24;
	s24 =	sadd.s32 @!p2 s4, s23  }
0x5e: {  	[tilespmem:s25], [sflag:$0x2] =	stream.linear.gather @!p2 [hbm4b:s24+s29], $0x80, $0x38;
	[tilespmem:$0x19300] =	vst v63  }
0x5f: {  	s23 =	sadd.s32 @!p2 s5, s23;
	s1 =	sshrl.u32 @!p4 s1, $0x3;
	s24 =	sor.u32 @!p2 $0x80, s25  }
0x60: {  	[tilespmem:s24], [sflag:$0x2] =	stream.linear.gather @!p2 [hbm4b:s23+s29], $0x80, $0x38;
	[tilespmem:$0x19300] =	vst v63  }
0x61: {  	s7 =	sshll.u32 @!p4 s7, $0x8;
	s30 =	sadd.s32 @!p4 s4, s1;
	s23 =	simm.s32 @!p4 $0x0  }
0x62: {  	[tilespmem:s7], [sflag:$0x3] =	stream.linear.gather @!p4 [hbm4b:s30+s23], $0x80, $0x38;
	[tilespmem:$0x19300] =	vst v63  }
0x63: {  	s25 =	simm.s32 @!p1 $0x3;
	s1 =	sadd.s32 @!p4 s5, s1;
	s7 =	sor.u32 @!p4 $0x80, s7  }
0x64: {  	[tilespmem:s7], [sflag:$0x3] =	stream.linear.gather @!p4 [hbm4b:s1+s23], $0x80, $0x38;
	[tilespmem:$0x19300] =	vst v63  }
0x65: {  	s31 =	simm.s32 @p0 $0x300;
	s29 =	simm.s32 $0x3;
	_ =	swait.ge @!p1 [sflag:s25], $0x80  }
0x66: {  	s24 =	sxor.u32 $0xFFFFFFFF, s2;
	s2 =	simm.s32 @p0 $0x50;
	[sflag:s25] =	ssyncset.done @!p1 $0x0  }
0x67: {  	s30 =	simm.s32 $0x180;
	s1 =	sadd.s32 $0x2, s24;
	[sflag:s25] =	ssyncadd.s32 @!p1 $0xFFFFFF80  }
0x68: {  	s23 =	simm.s32 @p0 $0x2;
	s1 =	sand.u32 $0xFF, s1;
	_ =	swait.ge @!p1 [sflag:s25], $0x80  }
0x69: {  	s7 =	sshll.u32 @!p1 s1, $0x8;
	s24 =	sshll.u32 @p0 s1, $0x8;
	[sflag:s25] =	ssyncset.done @!p1 $0x0  }
.LBB2_4:
0x6a: {  	s8 =	simm.s32 @!p1 $0x50  }
0x6b: {  	s9 =	simm.s32 @!p1 $0x2B00;
	s1 =	smov.u32 s29;
	s29 =	sadd.s32 $0x1, s29  }
0x6c: {  	s10 =	sadd.s32 $0xFFFFFFFE, s1;
	s12 =	smul.u32 $0xAB, s1;
	[sflag:s25] =	ssyncadd.s32 @!p1 $0xFFFFFF80  }
0x6d: {  	p3 =	seq.s32 s1, $0x7E;
	s25 =	sand.u32 $0x1, s10;
	p5 =	sgt.u32 s10, $0x7A  }
0x6e: {  	s10 =	sshrl.u32 s12, $0x9;
	p4 =	sne.s32 @!p5 s25, $0x0;
	p2 =	seq.s32 s25, $0x1  }
0x6f: {  	s12 =	sadd.s32 $0xFFFFFF55, s12;
	s10 =	sand.u32 $0x7F, s10;
	p4 =	por p4, p5  }
0x70: {  	s10 =	smul.u32 $0x3, s10;
	s13 =	sand.u32 @!p4 $0x7C00, s30;
	s14 =	sand.u32 @!p4 $0x300, s30  }
0x71: {  	[tilespmem:s9], [sflag:$0x1] =	stream.indirect.gather @!p1 [hbm4b:s0+s8], $0x80, s7, s8, $0xb8;
	[tilespmem:$0x19300] =	vst v63  }
0x72: {  	s8 =	sadd.s32 @!p4 s11, s13;
	s7 =	ssub.s32 s1, s10;
	_ =	swait.ge @p0 [sflag:s23], $0x80  }
0x73: {  	p1 =	sne.s32 @!p3 s25, $0x0;
	s8 =	sor.u32 @!p4 s14, s8;
	[sflag:s23] =	ssyncset.done @p0 $0x0  }
0x74: {  	s7 =	sand.u32 $0xFF, s7;
	s8 =	sshrl.u32 @!p4 s8, $0x3;
	[sflag:s23] =	ssyncadd.s32 @p0 $0xFFFFFF80  }
0x75: {  	p5 =	por !p2, p5;
	s9 =	sshll.u32 @!p4 s7, $0x8;
	_ =	swait.ge @p0 [sflag:s23], $0x80  }
0x76: {  	s13 =	sand.u32 @!p5 $0x380, s30;
	s10 =	sand.u32 @!p5 $0x7C00, s30;
	[sflag:s23] =	ssyncset.done @p0 $0x0  }
0x77: {  	s12 =	sshrl.u32 s12, $0x9;
	s10 =	sadd.s32 @!p5 s11, s10;
	[sflag:s23] =	ssyncadd.s32 @p0 $0xFFFFFF80  }
0x78: {  	[tilespmem:s31], [sflag:$0x1] =	stream.indirect.gather @p0 [hbm4b:s0+s2], $0x80, s24, s2, $0xb8;
	[tilespmem:$0x19300] =	vst v63  }
0x79: {  	s10 =	sor.u32 @!p5 s13, s10;
	s2 =	sadd.s32 @!p4 s4, s8;
	_ =	swait.ge [sflag:s26], $0x2800  }
0x7a: {  	s13 =	simm.s32 @!p4 $0x0;
	s10 =	sshrl.u32 @!p5 s10, $0x3;
	[sflag:s26] =	ssyncset.done $0x0  }
0x7b: {  	s14 =	sadd.s32 @!p5 s4, s10;
	s10 =	sadd.s32 @!p5 s5, s10;
	[sflag:s26] =	ssyncadd.s32 $0xFFFFD800  }
0x7c: {  	[tilespmem:s9], [sflag:$0x2] =	stream.linear.gather @!p4 [hbm4b:s2+s13], $0x80, $0x38;
	[tilespmem:$0x19300] =	vst v63  }
0x7d: {  	s8 =	sadd.s32 @!p4 s5, s8;
	s2 =	sand.u32 $0x7F, s12;
	s9 =	sor.u32 @!p4 $0x80, s9  }
0x7e: {  	[tilespmem:s9], [sflag:$0x2] =	stream.linear.gather @!p4 [hbm4b:s8+s13], $0x80, $0x38;
	[tilespmem:$0x19300] =	vst v63  }
0x7f: {  	s7 =	sshll.u32 @!p5 s7, $0x8;
	s2 =	smul.u32 $0x3, s2;
	s8 =	simm.s32 @!p5 $0x0  }
0x80: {  	[tilespmem:s7], [sflag:$0x3] =	stream.linear.gather @!p5 [hbm4b:s14+s8], $0x80, $0x38;
	[tilespmem:$0x19300] =	vst v63  }
0x81: {  	p1 =	por p1, p3;
	s2 =	sxor.u32 $0xFFFFFFFF, s2;
	s7 =	sor.u32 @!p5 $0x80, s7  }
0x82: {  	[tilespmem:s7], [sflag:$0x3] =	stream.linear.gather @!p5 [hbm4b:s10+s8], $0x80, $0x38;
	[tilespmem:$0x19300] =	vst v63  }
0x83: {  	p3 =	sne.s32 s29, $0x7F;
	s25 =	simm.s32 @!p1 $0x3;
	s1 =	sadd.s32 s1, s2  }
.Ltmp1:
0x84: {  	p0 =	por p2, p2;
	_ =	swait.ge @!p1 [sflag:s25], $0x80;
	(pc) =	sbr.rel @p3 .LBB2_4-.Ltmp1, $4  }
0x85: {  	s31 =	simm.s32 @p0 $0x300;
	[sflag:s25] =	ssyncset.done @!p1 $0x0  }
0x86: {  	s23 =	simm.s32 @p0 $0x2;
	s2 =	simm.s32 @p0 $0x50;
	[sflag:s25] =	ssyncadd.s32 @!p1 $0xFFFFFF80  }
0x87: {  	s30 =	sadd.s32 $0x80, s30;
	s1 =	sand.u32 $0xFF, s1;
	_ =	swait.ge @!p1 [sflag:s25], $0x80  }
0x88: {  	s7 =	sshll.u32 @!p1 s1, $0x8;
	s24 =	sshll.u32 @p0 s1, $0x8;
	[sflag:s25] =	ssyncset.done @!p1 $0x0  }
0x89: {  	s1 =	simm.s32 @!p1 $0x50;
	s8 =	simm.s32 @!p1 $0x2B00;
	[sflag:s25] =	ssyncadd.s32 @!p1 $0xFFFFFF80  }
0x8a: {  	[tilespmem:s8], [sflag:$0x1] =	stream.indirect.gather @!p1 [hbm4b:s0+s1], $0x80, s7, s1, $0xb8;
	[tilespmem:$0x19300] =	vst v63  }
0x8b: {  	_ =	swait.ge @p0 [sflag:s23], $0x80  }
0x8c: {  	[sflag:s23] =	ssyncset.done @p0 $0x0  }
0x8d: {  	[sflag:s23] =	ssyncadd.s32 @p0 $0xFFFFFF80  }
0x8e: {  	_ =	swait.ge @p0 [sflag:s23], $0x80  }
0x8f: {  	s30 =	stileid.u32;
	[sflag:s23] =	ssyncset.done @p0 $0x0  }
0x90: {  	s28 =	sadd.s32 $0x1, s28;
	s1 =	sshll.u32 s30, $0x6;
	[sflag:s23] =	ssyncadd.s32 @p0 $0xFFFFFF80  }
0x91: {  	[tilespmem:s31], [sflag:$0x1] =	stream.indirect.gather @p0 [hbm4b:s0+s2], $0x80, s24, s2, $0xb8;
	[tilespmem:$0x19300] =	vst v63  }
0x92: {  	s1 =	sor.u32 $0x1C04, s1;
	p0 =	sne.s32 s28, s20  }
.Ltmp2:
0x93: {  	s31 =	sshrl.u32 s6, $0x3;
	[bflag:$0x0] =	sbarrier.arrive $0xFFFF;
	(pc) =	sbr.rel @p0 .LBB2_1-.Ltmp2, $4  }
0x94: {  	[hbm:s19], [sflag:s1] =	dma.local [spmem:s31], $0x2800  }
0x95: {  	_ =	swait.ge [sflag:s22], $0x2800  }
0x96: {  	[sflag:s22] =	ssyncset.done $0x0  }
0x97: {  	[sflag:s22] =	ssyncadd.s32 $0xFFFFD800  }
0x98: {  	_ =	sfence.sel $0x180000  }
0x99: {  	[bflag:$0x0] =	sbarrier.arrive $0xFFFF  }
0x9a: {  	_ =	strace $0x9000004A  }
0x9b: {  	s0 =	stileid.u32;
	[bflag:$0x2] =	sbarrier.arrive $0xFFFF  }
0x9c: {  	p0 =	sne.s32 s0, $0x0;
	s0 =	rddreg [dreg:$0x3]  }
0x9d: {  	s0 =	sadd.s32 @!p0 $0x100000, s0  }
0x9e: {  	[sflag:s0] =	ssyncadd.tile.s32 @!p0 $0x1;
	_ =	shalt  }
.Lfunc_end2:
_tile_overlayer_lowered:
.L_overlay_start_2:
0x9f: {  	(tag) =	ssettag $0x2  }
0xa0: {  	s0 =	rddreg [dreg:$0x0];
	s2 =	stileid.u32  }
0xa1: {  	s1 =	rddreg [dreg:$0x1];
	p0 =	sne.s32 s2, $0x0  }
0xa2: {  	s3 =	rddreg [dreg:$0x2];
	[bflag:$0x3] =	sbarrier.arrive $0xFFFF;
	s2 =	simm.s32 @!p0 $0x1C04  }
0xa3: {  	[timem:s3], [sflag:s2] =	dma.local @!p0 [hbm:s0], s1  }
0xa4: {  	s0 =	simm.s32 @!p0 $0x4  }
0xa5: {  	_ =	swait.ge @!p0 [sflag:s0], s1  }
0xa6: {  	s1 =	ssub.s32 @!p0 $0x0, s1;
	[sflag:s0] =	ssyncset.done @!p0 $0x0  }
0xa7: {  	[sflag:s0] =	ssyncadd.s32 @!p0 s1  }
0xa8: {  	[bflag:$0x3] =	sbarrier.arrive $0xFFFF  }
0xa9: {  	_ =	shalt  }

// kernel: kernel.14.cloned.1.call-start
scs
__scs_entry_jumppad:
0x0: {  	(pc) =	sbr.rel $0x88, $3  }
0x1: {  	(tag) =	ssettag $0x0;
	lr =	simm.s32 $0x1  }
0x2: {  	[smem:$0x3F9B] =	sst lr;
	_ =	strace $0xD0000000  }
0x3: {  	_ = 	snop  }
0x4: {  	_ = 	snop  }
0x5: {  	_ = 	snop  }
0x6: {  	_ = 	snop  }
0x7: {  	_ = 	snop  }
__scs_overlays_trampoline_lowered:
0x8: {  	[smem:$0x3FAA] =	sst s0  }
0x9: {  	[smem:$0x3FAB] =	sst s1  }
0xa: {  	[smem:$0x3FAC] =	sst s2  }
0xb: {  	[smem:$0x3FAD] =	sst s3  }
0xc: {  	[smem:$0x3FAE] =	sst s4  }
0xd: {  	[smem:$0x3FAF] =	sst s5  }
0xe: {  	[smem:$0x3FB0] =	sst s6  }
0xf: {  	[smem:$0x3FB1] =	sst s7  }
0x10: {  	[smem:$0x3FB2] =	sst s8  }
0x11: {  	[smem:$0x3FB3] =	sst s9;
	s0 =	simm.s32 @!p0 $0x0  }
0x12: {  	s1 =	sld [smem:$0x3F99];
	s0 =	simm.s32 @p0 $0x1  }
0x13: {  	[smem:$0x3FB4] =	sst s0;
	s0 =	simm.s32 @!p1 $0x0  }
0x14: {  	s2 =	sld [smem:$0x3F98];
	s0 =	simm.s32 @p1 $0x1  }
0x15: {  	[smem:$0x3FB5] =	sst s0;
	s0 =	simm.s32 @!p2 $0x0  }
0x16: {  	s3 =	sld [smem:$0x3FDB];
	s0 =	simm.s32 @p2 $0x1  }
0x17: {  	s4 =	simm.s32 $0x1BF5;
	[smem:$0x3FB7] =	sst s0  }
0x18: {  	s0 =	sld [smem:$0x3F9A];
	_ =	swait.ge [sflag:s4], $0x0  }
0x19: {  	s7 =	sld [smem:$0x3F9B]  }
0x1a: {  	s8 =	sadd.s32 $0xFFFFE003, lr  }
0x1b: {  	s9 =	sadd.s32 $0xFFFFFEF7, lr;
	s5 =	simm.s32 $0xFFFFFFFF;
	p2 =	slt.u32 s8, $0xFFFFF086  }
0x1c: {  	p1 =	slt.u32 s9, $0xF7A;
	s5 =	simm.s32 @!p2 $0x0  }
0x1d: {  	s5 =	simm.s32 @p1 $0x1;
	p0 =	seq.s32 s7, s2  }
0x1e: {  	s7 =	smul.u32 @!p0 $0xF7A, s2;
	p2 =	seq.s32 @!p0 s5, $0x0  }
0x1f: {  	s9 =	smul.u32 $0xF7A, s1;
	s8 =	simm.s32 @!p0 $0x1BF5;
	p2 =	por !p2, p0  }
0x20: {  	[sflag:s8] =	ssyncset.s32 @!p0 $0xFFFFF086;
	s6 =	sadd.s32 @!p0 s3, s7;
	s7 =	simm.s32 @!p0 $0x108  }
0x21: {  	s3 =	sadd.s32 s3, s9;
	s6 =	sadd.s32 @!p0 $0x88, s6;
	s7 =	simm.s32 @p2 $0x1082  }
0x22: {  	[simem:s7], [sflag:s8] =	dma.local @!p0 [hbm:s6], $0xF7A  }
0x23: {  	s9 =	sor.u32 $0xD0000000, s2;
	s6 =	simm.s32 $0x108;
	_ =	swait.ge @!p0 [sflag:s8], $0x0  }
0x24: {  	s3 =	sadd.s32 $0x88, s3;
	s6 =	simm.s32 @!p1 $0x1082;
	[sflag:s4] =	ssyncset.s32 $0xFFFFF086  }
0x25: {  	[simem:s6], [sflag:s4] =	dma.local [hbm:s3], $0xF7A  }
0x26: {  	[smem:$0x3F9B] =	sst s1;
	(tag) =	ssettag s2;
	_ =	strace s9  }
0x27: {  	s1 =	sld [smem:$0x3FAB]  }
0x28: {  	s2 =	sld [smem:$0x3FAC]  }
0x29: {  	s4 =	sld [smem:$0x3FAE]  }
0x2a: {  	p0 =	seq.s32 s5, $0x0;
	s5 =	sld [smem:$0x3FAF]  }
0x2b: {  	s6 =	sld [smem:$0x3FB0]  }
0x2c: {  	s7 =	sld [smem:$0x3FB1]  }
0x2d: {  	s3 =	simm.s32 $0x108;
	s8 =	sld [smem:$0x3FB2]  }
0x2e: {  	s3 =	simm.s32 @!p0 $0x1082;
	s9 =	sld [smem:$0x3FB3]  }
0x2f: {  	lr =	sadd.s32 s0, s3;
	s0 =	sld [smem:$0x3FAA]  }
0x30: {  	s3 =	sld [smem:$0x3FAD]  }
0x31: {  	[smem:$0x3FB6] =	sst s10  }
0x32: {  	s10 =	sld [smem:$0x3FB4];
	_ =	sdelay $0x3  }
0x33: {  	p0 =	seq.s32 s10, $0x1;
	s10 =	sld [smem:$0x3FB6];
	_ =	sdelay $0x3  }
0x34: {  	[smem:$0x3FB6] =	sst s10  }
0x35: {  	s10 =	sld [smem:$0x3FB5];
	_ =	sdelay $0x3  }
0x36: {  	p1 =	seq.s32 s10, $0x1;
	s10 =	sld [smem:$0x3FB6];
	_ =	sdelay $0x3  }
0x37: {  	[smem:$0x3FB6] =	sst s10  }
0x38: {  	s10 =	sld [smem:$0x3FB7]  }
0x39: {  	_ = 	snop;
	(pc) =	sbr.ind lr, $3  }
0x3a: {  	_ = 	snop  }
0x3b: {  	_ = 	snop  }
0x3c: {  	p2 =	seq.s32 s10, $0x1;
	s10 =	sld [smem:$0x3FB6]  }
0x3d: {  	_ =	shalt  }
0x3e: {  	_ =	shalt  }
0x3f: {  	_ =	shalt  }
0x40: {  	_ =	shalt  }
0x41: {  	_ =	shalt  }
0x42: {  	_ =	shalt  }
0x43: {  	_ =	shalt  }
0x44: {  	_ =	shalt  }
0x45: {  	_ =	shalt  }
0x46: {  	_ =	shalt  }
0x47: {  	_ =	shalt  }
0x48: {  	_ =	shalt  }
0x49: {  	_ =	shalt  }
0x4a: {  	_ =	shalt  }
0x4b: {  	_ =	shalt  }
0x4c: {  	_ =	shalt  }
0x4d: {  	_ =	shalt  }
0x4e: {  	_ =	shalt  }
0x4f: {  	_ =	shalt  }
0x50: {  	_ =	shalt  }
0x51: {  	_ =	shalt  }
0x52: {  	_ =	shalt  }
0x53: {  	_ =	shalt  }
0x54: {  	_ =	shalt  }
0x55: {  	_ =	shalt  }
0x56: {  	_ =	shalt  }
0x57: {  	_ =	shalt  }
0x58: {  	_ =	shalt  }
0x59: {  	_ =	shalt  }
0x5a: {  	_ =	shalt  }
0x5b: {  	_ =	shalt  }
0x5c: {  	_ =	shalt  }
0x5d: {  	_ =	shalt  }
0x5e: {  	_ =	shalt  }
0x5f: {  	_ =	shalt  }
0x60: {  	_ =	shalt  }
0x61: {  	_ =	shalt  }
0x62: {  	_ =	shalt  }
0x63: {  	_ =	shalt  }
0x64: {  	_ =	shalt  }
0x65: {  	_ =	shalt  }
0x66: {  	_ =	shalt  }
0x67: {  	_ =	shalt  }
0x68: {  	_ =	shalt  }
0x69: {  	_ =	shalt  }
0x6a: {  	_ =	shalt  }
0x6b: {  	_ =	shalt  }
0x6c: {  	_ =	shalt  }
0x6d: {  	_ =	shalt  }
0x6e: {  	_ =	shalt  }
0x6f: {  	_ =	shalt  }
0x70: {  	_ =	shalt  }
0x71: {  	_ =	shalt  }
0x72: {  	_ =	shalt  }
0x73: {  	_ =	shalt  }
0x74: {  	_ =	shalt  }
0x75: {  	_ =	shalt  }
0x76: {  	_ =	shalt  }
0x77: {  	_ =	shalt  }
0x78: {  	_ =	shalt  }
0x79: {  	_ =	shalt  }
0x7a: {  	_ =	shalt  }
0x7b: {  	_ =	shalt  }
0x7c: {  	_ =	shalt  }
0x7d: {  	_ =	shalt  }
0x7e: {  	_ =	shalt  }
0x7f: {  	_ =	shalt  }
0x80: {  	_ =	shalt  }
0x81: {  	_ =	shalt  }
0x82: {  	_ =	shalt  }
0x83: {  	_ =	shalt  }
0x84: {  	_ =	shalt  }
0x85: {  	_ =	shalt  }
0x86: {  	_ =	shalt  }
0x87: {  	_ =	shalt  }
.Lfunc_end0:
.L_simem_size_0:
called_computation.2_lowered:
.L_overlay_start_0:
0x88: {  	s2 =	sld [smem:$0x3FD9]  }
0x89: {  	s3 =	sld [smem:$0x3FFE];
	_ =	sdelay $0x1  }
0x8a: {  	s1 =	srdreg.scid  }
0x8b: {  	s0 =	sand.u32 $0x1, s1  }
0x8c: {  	s17 =	sshll.u32 s0, $0xA;
	s2 =	sadd.s32 s3, s2  }
0x8d: {  	s2 =	sadd.s32 s2, s17  }
0x8e: {  	[smem:$0x3FC2] =	sst s2  }
0x8f: {  	_ = 	snop  }
0x90: {  	s2 =	sld [smem:$0x3FD0];
	(tm) =	ssettm $0x1  }
0x91: {  	s18 =	sld [smem:$0x3FFB];
	_ =	sdelay $0x3  }
0x92: {  	_ =	strace s18  }
0x93: {  	s3 =	sld [smem:$0x3FFC];
	_ =	sdelay $0x3  }
0x94: {  	_ =	strace s3  }
0x95: {  	s3 =	sld [smem:$0x3FFD];
	_ =	sdelay $0x3  }
0x96: {  	_ =	strace s3  }
0x97: {  	_ =	strace $0x8FFFFFFF  }
0x98: {  	s19 =	sld [smem:$0x3FDB];
	_ =	sdelay $0x1  }
0x99: {  	s4 =	simm.s32 $_scs_section_size  }
0x9a: {  	s5 =	simm.s32 $_size__tile_overlayer_lowered;
	s6 =	simm.s32 $_tile_overlayer_lowered  }
0x9b: {  	s22 =	simm.s32 $0x1BFF;
	s21 =	sshll.u32 s6, $0x1;
	s3 =	sadd.s32 s4, s19  }
0x9c: {  	s7 =	simm.s32 $0x0;
	s20 =	sshll.u32 s5, $0x1;
	s5 =	sadd.s32 s21, s3  }
0x9d: {  	[timem:s7], [sflag:s22] =	dma.local [hbm:s5], s20  }
0x9e: {  	_ =	swait.ge [sflag:s22], s20  }
0x9f: {  	s4 =	ssub.s32 $0x0, s20;
	[sflag:s22] =	ssyncset.done $0x0  }
0xa0: {  	[sflag:s22] =	ssyncadd.s32 s4;
	_ =	sdelay $0x1  }
0xa1: {  	s23 =	simm.s32 $0x1B8B  }
0xa2: {  	_ =	swait.ge [sflag:s23], $0x1  }
0xa3: {  	[sflag:s23] =	ssyncset.done $0x0  }
0xa4: {  	s25 =	simm.s32 $0x1B8E;
	s24 =	sld [smem:$0x3FFE];
	[sflag:s23] =	ssyncadd.s32 $0xFFFFFFFF  }
0xa5: {  	s26 =	simm.s32 $execute0_lowered;
	[smem:$0x3FD2] =	sst s25  }
0xa6: {  	s5 =	sshll.u32 s26, $0x1;
	_ =	strace $0x8000004C;
	[dreg:$0x1] =	wrdreg $0xFFFFFFFF  }
0xa7: {  	s28 =	simm.s32 $_size_execute0_lowered;
	s3 =	sadd.s32 s3, s5;
	[dreg:$0x0] =	wrdreg $0x0  }
0xa8: {  	s5 =	sshll.u32 s28, $0x1;
	[dreg:$0x2] =	wrdreg s3  }
0xa9: {  	[dreg:$0x3] =	wrdreg s5  }
0xaa: {  	[dreg:$0x4] =	wrdreg $0xC0  }
0xab: {  	_ =	task [dreg:s7], $0x5FFFF  }
0xac: {  	[dreg:$0x1] =	wrdreg $0xFFFFFFFF  }
0xad: {  	[dreg:$0x0] =	wrdreg $0x60  }
0xae: {  	[dreg:$0x2] =	wrdreg s2  }
0xaf: {  	[dreg:$0x3] =	wrdreg s24  }
0xb0: {  	[dreg:$0x4] =	wrdreg $0x53000  }
0xb1: {  	[dreg:$0x5] =	wrdreg $0x9  }
0xb2: {  	_ =	task.clear_ibuf [dreg:s7], $0x6FFFF;
	_ =	strace $0x9000004C  }
0xb3: {  	s29 =	simm.s32 $0x9;
	_ =	strace $0x8000004E  }
0xb4: {  	_ =	swait.ge [sflag:s29], $0x1  }
0xb5: {  	[sflag:s29] =	ssyncadd.s32 $0xFFFFFFFF  }
0xb6: {  	_ =	strace $0x9000004E  }
0xb7: {  	_ =	sfence  }
0xb8: {  	s30 =	sld [smem:$0x0];
	_ =	sdelay $0x2  }
0xb9: {  	s31 =	sshll.u32 s1, $0xD;
	s1 =	sshrl.u32 s1, $0x2  }
0xba: {  	s3 =	sand.u32 $0x4000, s31;
	s1 =	sadd.s32 s1, s30  }
0xbb: {  	s0 =	sor.u32 s3, s0;
	s1 =	sshll.u32 s1, $0x11  }
0xbc: {  	s0 =	sor.u32 s1, s0  }
0xbd: {  	s0 =	sadd.s32 $0x8F2B, s0  }
0xbe: {  	[sflag:s0] =	ssyncadd.remote.s32 $0x1  }
0xbf: {  	_ =	sfence.sel $0xFFFF  }
0xc0: {  	[dreg:$0x0] =	wrdreg $0xFFFFFFFF;
	(pc) =	sbr.abs _section_cstart, $3  }
0xc1: {  	[dreg:$0x1] =	wrdreg $0xFFFFFFFF  }
0xc2: {  	_ =	task.clear_ibuf [dreg:s7], $0x2FFFF;
	_ =	strace $0x9FFFFFFF  }
0xc3: {  	(tm) =	ssettm $0x7FFFFFFF  }
tec
execute0_lowered:
.L_overlay_start_1:
0x0: {  	(tag) =	ssettag $0x1  }
0x1: {  	s0 =	rddreg [dreg:$0x0]  }
0x2: {  	s1 =	rddreg [dreg:$0x1];
	s2 =	srdreg.scid  }
0x3: {  	s6 =	rddreg [dreg:$0x2];
	s11 =	stileid.u32;
	s3 =	simm.s32 $0x0  }
0x4: {  	s28 =	simm.s32 $0x0;
	s2 =	sand.u32 $0x1, s2;
	s8 =	smul.u32 $0x14000, s11  }
0x5: {  	[smem:$0x7FF] =	sst s3;
	s9 =	smul.u32 $0x50000, s11;
	s4 =	sadd.s32 $0x2200, s1  }
0x6: {  	s5 =	sadd.s32 $0x12C00, s1;
	s11 =	sshll.u32 s11, $0xE;
	s7 =	smul.u32 $0x140000, s2  }
0x7: {  	_ =	strace $0x8000004D;
	s20 =	ssub.s32 $0x2, s2;
	s2 =	sshll.u32 s2, $0x12  }
0x8: {  	s9 =	sshrl.u32 s9, $0x2;
	s10 =	sshrl.u32 s20, $0x1;
	s11 =	sor.u32 s11, s2  }
0x9: {  	s7 =	sadd.s32 s8, s7;
	s6 =	sadd.s32 s9, s6;
	s21 =	ssub.s32 s20, s10  }
0xa: {  	s30 =	sshrl.u32 s11, $0x3;
	s7 =	sshrl.u32 s7, $0x3;
	s22 =	sadd.s32 $0x2800, s6  }
0xb: {  	s23 =	sadd.s32 $0x5000, s6;
	s24 =	sadd.s32 $0x7800, s6;
	[dreg:$0x4] =	wrdreg s22  }
0xc: {  	s25 =	sadd.s32 $0xA000, s6;
	s26 =	sadd.s32 $0xC800, s6;
	[dreg:$0x5] =	wrdreg s23  }
0xd: {  	s29 =	sadd.s32 $0xF000, s6;
	s31 =	sadd.s32 $0x11800, s6;
	[dreg:$0x6] =	wrdreg s24  }
0xe: {  	s15 =	sadd.s32 s4, s30;
	s18 =	sor.u32 $0x10, s30;
	[dreg:$0x7] =	wrdreg s25  }
0xf: {  	s16 =	sadd.s32 s5, s30;
	s20 =	smax.u32 s21, $0x1;
	[dreg:$0x8] =	wrdreg s26  }
0x10: {  	s21 =	simm.s32 $0x300;
	s1 =	sadd.s32 s7, s1;
	[dreg:$0x9] =	wrdreg s29  }
0x11: {  	[dreg:$0xa] =	wrdreg s31;
	s17 =	sadd.s32 s4, s18;
	s18 =	sadd.s32 s5, s18  }
0x12: {  	v0 =	vimm.f32 $0.0e+00;
	s22 =	simm.s32 $0x4;
	s26 =	simm.s32 $0x1;
	s19 =	sadd.s32 $0x22C00, s1  }
.LBB2_1:
0x13: {  	s1 =	simm.s32 $0x0;
	s2 =	simm.s32 $0x200  }
.LBB2_2:
0x14: {  	p0 =	sne.s32 s2, $0x9E00;
	[tilespmem:s1+$0x370] =	vst v0  }
0x15: {  	[tilespmem:s1+$0x300] =	vst v0  }
0x16: {  	[tilespmem:s1+$0x310] =	vst v0  }
.Ltmp0:
0x17: {  	[tilespmem:s1+$0x320] =	vst v0;
	(pc) =	sbr.rel @p0 .LBB2_2-.Ltmp0, $4  }
0x18: {  	[tilespmem:s1+$0x330] =	vst v0  }
0x19: {  	[tilespmem:s1+$0x340] =	vst v0  }
0x1a: {  	[tilespmem:s1+$0x350] =	vst v0  }
0x1b: {  	[tilespmem:s1+$0x360] =	vst v0;
	s1 =	sshra.s32 s2, $0x2;
	s2 =	sadd.s32 $0x200, s2  }
0x1c: {  	[tilespmem:s1+$0x370] =	vst v0  }
0x1d: {  	[tilespmem:s1+$0x300] =	vst v0  }
0x1e: {  	[tilespmem:s1+$0x310] =	vst v0  }
0x1f: {  	[tilespmem:s1+$0x320] =	vst v0  }
0x20: {  	[tilespmem:s1+$0x330] =	vst v0  }
0x21: {  	[tilespmem:s1+$0x340] =	vst v0  }
0x22: {  	[tilespmem:s1+$0x350] =	vst v0  }
0x23: {  	[tilespmem:s1+$0x360] =	vst v0  }
0x24: {  	[spmem:s6] =	stream.linear.scatter [tilespmem:s21], [sflag:$0x4], $0x2800, $0x38;
	[tilespmem:$0x19300] =	vst v63  }
0x25: {  	_ =	swait.ge [sflag:s22], $0x2800  }
0x26: {  	[sflag:s22] =	ssyncset.done $0x0  }
0x27: {  	s25 =	rddreg [dreg:$0x4];
	[sflag:s22] =	ssyncadd.s32 $0xFFFFD800  }
0x28: {  	[spmem:s25] =	stream.linear.scatter [tilespmem:s21], [sflag:$0x4], $0x2800, $0x38;
	[tilespmem:$0x19300] =	vst v63  }
0x29: {  	_ =	swait.ge [sflag:s22], $0x2800  }
0x2a: {  	[sflag:s22] =	ssyncset.done $0x0  }
0x2b: {  	s2 =	rddreg [dreg:$0x5];
	[sflag:s22] =	ssyncadd.s32 $0xFFFFD800  }
0x2c: {  	[spmem:s2] =	stream.linear.scatter [tilespmem:s21], [sflag:$0x4], $0x2800, $0x38;
	[tilespmem:$0x19300] =	vst v63  }
0x2d: {  	_ =	swait.ge [sflag:s22], $0x2800  }
0x2e: {  	[sflag:s22] =	ssyncset.done $0x0  }
0x2f: {  	s7 =	rddreg [dreg:$0x6];
	[sflag:s22] =	ssyncadd.s32 $0xFFFFD800  }
0x30: {  	[spmem:s7] =	stream.linear.scatter [tilespmem:s21], [sflag:$0x4], $0x2800, $0x38;
	[tilespmem:$0x19300] =	vst v63  }
0x31: {  	_ =	swait.ge [sflag:s22], $0x2800  }
0x32: {  	[sflag:s22] =	ssyncset.done $0x0  }
0x33: {  	s8 =	rddreg [dreg:$0x7];
	[sflag:s22] =	ssyncadd.s32 $0xFFFFD800  }
0x34: {  	[spmem:s8] =	stream.linear.scatter [tilespmem:s21], [sflag:$0x4], $0x2800, $0x38;
	[tilespmem:$0x19300] =	vst v63  }
0x35: {  	_ =	swait.ge [sflag:s22], $0x2800  }
0x36: {  	[sflag:s22] =	ssyncset.done $0x0  }
0x37: {  	s9 =	rddreg [dreg:$0x8];
	[sflag:s22] =	ssyncadd.s32 $0xFFFFD800  }
0x38: {  	[spmem:s9] =	stream.linear.scatter [tilespmem:s21], [sflag:$0x4], $0x2800, $0x38;
	[tilespmem:$0x19300] =	vst v63  }
0x39: {  	_ =	swait.ge [sflag:s22], $0x2800  }
0x3a: {  	[sflag:s22] =	ssyncset.done $0x0  }
0x3b: {  	s10 =	rddreg [dreg:$0x9];
	[sflag:s22] =	ssyncadd.s32 $0xFFFFD800  }
0x3c: {  	[spmem:s10] =	stream.linear.scatter [tilespmem:s21], [sflag:$0x4], $0x2800, $0x38;
	[tilespmem:$0x19300] =	vst v63  }
0x3d: {  	_ =	swait.ge [sflag:s22], $0x2800  }
0x3e: {  	[sflag:s22] =	ssyncset.done $0x0  }
0x3f: {  	s12 =	rddreg [dreg:$0xa];
	[sflag:s22] =	ssyncadd.s32 $0xFFFFD800  }
0x40: {  	[spmem:s12] =	stream.linear.scatter [tilespmem:s21], [sflag:$0x4], $0x2800, $0x38;
	[tilespmem:$0x19300] =	vst v63  }
0x41: {  	_ =	swait.ge [sflag:s22], $0x2800  }
0x42: {  	[sflag:s22] =	ssyncset.done $0x0  }
0x43: {  	[sflag:s22] =	ssyncadd.s32 $0xFFFFD800  }
0x44: {  	[bflag:$0x0] =	sbarrier.arrive $0xFFFF  }
0x45: {  	[tilespmem:s3], [sflag:$0x2] =	stream.linear.gather [hbm4b:s15+s3], $0x80, $0x38;
	[tilespmem:$0x19300] =	vst v63  }
0x46: {  	s13 =	simm.s32 $0x80  }
0x47: {  	[tilespmem:s13], [sflag:$0x2] =	stream.linear.gather [hbm4b:s16+s3], $0x80, $0x38;
	[tilespmem:$0x19300] =	vst v63  }
0x48: {  	s1 =	simm.s32 $0x100  }
0x49: {  	[tilespmem:s1], [sflag:$0x3] =	stream.linear.gather [hbm4b:s17+s3], $0x80, $0x38;
	[tilespmem:$0x19300] =	vst v63  }
0x4a: {  	s14 =	simm.s32 $0x2;
	s2 =	simm.s32 $0x180  }
0x4b: {  	[tilespmem:s2], [sflag:$0x3] =	stream.linear.gather [hbm4b:s18+s3], $0x80, $0x38;
	[tilespmem:$0x19300] =	vst v63  }
0x4c: {  	_ =	swait.ge [sflag:s14], $0x80  }
0x4d: {  	[sflag:s14] =	ssyncset.done $0x0  }
0x4e: {  	[sflag:s14] =	ssyncadd.s32 $0xFFFFFF80  }
0x4f: {  	_ =	swait.ge [sflag:s14], $0x80  }
0x50: {  	s23 =	simm.s32 $0x0;
	p4 =	por $0x0, $0x0;
	[sflag:s14] =	ssyncset.done $0x0  }
0x51: {  	s7 =	simm.s32 $0x50;
	s2 =	smul.u32 $0xAB, s14;
	[sflag:s14] =	ssyncadd.s32 $0xFFFFFF80  }
0x52: {  	[tilespmem:s21], [sflag:$0x1] =	stream.indirect.gather [hbm4b:s0+s7], $0x80, s3, s7, $0xb8;
	[tilespmem:$0x19300] =	vst v63  }
0x53: {  	p1 =	por $0x0, $0x0;
	s7 =	sand.u32 $0x1, s23;
	s23 =	sshrl.u32 s2, $0x9  }
0x54: {  	s2 =	sadd.s32 $0xFFFFFF55, s2;
	p0 =	sne.s32 @!p4 s7, $0x0;
	s23 =	sand.u32 $0x7F, s23  }
0x55: {  	p6 =	seq.s32 s7, $0x1;
	p3 =	sne.s32 @!p1 s7, $0x0;
	s2 =	sshrl.u32 s2, $0x9  }
0x56: {  	_ =	swait.ge [sflag:s26], $0x2800;
	p2 =	por p0, p4;
	s23 =	smul.u32 $0x3, s23  }
0x57: {  	p4 =	por !p6, p4;
	[sflag:s26] =	ssyncset.done $0x0;
	s2 =	sand.u32 $0x7F, s2  }
0x58: {  	p1 =	por p3, p1;
	p0 =	por p6, p6;
	s24 =	sand.u32 @!p2 $0x7C00, s1  }
0x59: {  	s25 =	sand.u32 @!p2 $0x300, s1;
	s29 =	simm.s32 @!p2 $0x0;
	s24 =	sadd.s32 @!p2 s11, s24  }
0x5a: {  	[sflag:s26] =	ssyncadd.s32 $0xFFFFD800;
	s23 =	ssub.s32 $0x2, s23;
	s24 =	sor.u32 @!p2 s25, s24  }
0x5b: {  	s7 =	sand.u32 $0xFF, s23;
	s23 =	sshrl.u32 @!p2 s24, $0x3;
	s24 =	sand.u32 @!p4 $0x7C00, s1  }
0x5c: {  	s2 =	smul.u32 $0x3, s2;
	s1 =	sand.u32 @!p4 $0x380, s1;
	s24 =	sadd.s32 @!p4 s11, s24  }
0x5d: {  	s25 =	sshll.u32 @!p2 s7, $0x8;
	s1 =	sor.u32 @!p4 s1, s24;
	s24 =	sadd.s32 @!p2 s4, s23  }
0x5e: {  	[tilespmem:s25], [sflag:$0x2] =	stream.linear.gather @!p2 [hbm4b:s24+s29], $0x80, $0x38;
	[tilespmem:$0x19300] =	vst v63  }
0x5f: {  	s23 =	sadd.s32 @!p2 s5, s23;
	s1 =	sshrl.u32 @!p4 s1, $0x3;
	s24 =	sor.u32 @!p2 $0x80, s25  }
0x60: {  	[tilespmem:s24], [sflag:$0x2] =	stream.linear.gather @!p2 [hbm4b:s23+s29], $0x80, $0x38;
	[tilespmem:$0x19300] =	vst v63  }
0x61: {  	s7 =	sshll.u32 @!p4 s7, $0x8;
	s30 =	sadd.s32 @!p4 s4, s1;
	s23 =	simm.s32 @!p4 $0x0  }
0x62: {  	[tilespmem:s7], [sflag:$0x3] =	stream.linear.gather @!p4 [hbm4b:s30+s23], $0x80, $0x38;
	[tilespmem:$0x19300] =	vst v63  }
0x63: {  	s25 =	simm.s32 @!p1 $0x3;
	s1 =	sadd.s32 @!p4 s5, s1;
	s7 =	sor.u32 @!p4 $0x80, s7  }
0x64: {  	[tilespmem:s7], [sflag:$0x3] =	stream.linear.gather @!p4 [hbm4b:s1+s23], $0x80, $0x38;
	[tilespmem:$0x19300] =	vst v63  }
0x65: {  	s31 =	simm.s32 @p0 $0x300;
	s29 =	simm.s32 $0x3;
	_ =	swait.ge @!p1 [sflag:s25], $0x80  }
0x66: {  	s24 =	sxor.u32 $0xFFFFFFFF, s2;
	s2 =	simm.s32 @p0 $0x50;
	[sflag:s25] =	ssyncset.done @!p1 $0x0  }
0x67: {  	s30 =	simm.s32 $0x180;
	s1 =	sadd.s32 $0x2, s24;
	[sflag:s25] =	ssyncadd.s32 @!p1 $0xFFFFFF80  }
0x68: {  	s23 =	simm.s32 @p0 $0x2;
	s1 =	sand.u32 $0xFF, s1;
	_ =	swait.ge @!p1 [sflag:s25], $0x80  }
0x69: {  	s7 =	sshll.u32 @!p1 s1, $0x8;
	s24 =	sshll.u32 @p0 s1, $0x8;
	[sflag:s25] =	ssyncset.done @!p1 $0x0  }
.LBB2_4:
0x6a: {  	s8 =	simm.s32 @!p1 $0x50  }
0x6b: {  	s9 =	simm.s32 @!p1 $0x2B00;
	s1 =	smov.u32 s29;
	s29 =	sadd.s32 $0x1, s29  }
0x6c: {  	s10 =	sadd.s32 $0xFFFFFFFE, s1;
	s12 =	smul.u32 $0xAB, s1;
	[sflag:s25] =	ssyncadd.s32 @!p1 $0xFFFFFF80  }
0x6d: {  	p3 =	seq.s32 s1, $0x7E;
	s25 =	sand.u32 $0x1, s10;
	p5 =	sgt.u32 s10, $0x7A  }
0x6e: {  	s10 =	sshrl.u32 s12, $0x9;
	p4 =	sne.s32 @!p5 s25, $0x0;
	p2 =	seq.s32 s25, $0x1  }
0x6f: {  	s12 =	sadd.s32 $0xFFFFFF55, s12;
	s10 =	sand.u32 $0x7F, s10;
	p4 =	por p4, p5  }
0x70: {  	s10 =	smul.u32 $0x3, s10;
	s13 =	sand.u32 @!p4 $0x7C00, s30;
	s14 =	sand.u32 @!p4 $0x300, s30  }
0x71: {  	[tilespmem:s9], [sflag:$0x1] =	stream.indirect.gather @!p1 [hbm4b:s0+s8], $0x80, s7, s8, $0xb8;
	[tilespmem:$0x19300] =	vst v63  }
0x72: {  	s8 =	sadd.s32 @!p4 s11, s13;
	s7 =	ssub.s32 s1, s10;
	_ =	swait.ge @p0 [sflag:s23], $0x80  }
0x73: {  	p1 =	sne.s32 @!p3 s25, $0x0;
	s8 =	sor.u32 @!p4 s14, s8;
	[sflag:s23] =	ssyncset.done @p0 $0x0  }
0x74: {  	s7 =	sand.u32 $0xFF, s7;
	s8 =	sshrl.u32 @!p4 s8, $0x3;
	[sflag:s23] =	ssyncadd.s32 @p0 $0xFFFFFF80  }
0x75: {  	p5 =	por !p2, p5;
	s9 =	sshll.u32 @!p4 s7, $0x8;
	_ =	swait.ge @p0 [sflag:s23], $0x80  }
0x76: {  	s13 =	sand.u32 @!p5 $0x380, s30;
	s10 =	sand.u32 @!p5 $0x7C00, s30;
	[sflag:s23] =	ssyncset.done @p0 $0x0  }
0x77: {  	s12 =	sshrl.u32 s12, $0x9;
	s10 =	sadd.s32 @!p5 s11, s10;
	[sflag:s23] =	ssyncadd.s32 @p0 $0xFFFFFF80  }
0x78: {  	[tilespmem:s31], [sflag:$0x1] =	stream.indirect.gather @p0 [hbm4b:s0+s2], $0x80, s24, s2, $0xb8;
	[tilespmem:$0x19300] =	vst v63  }
0x79: {  	s10 =	sor.u32 @!p5 s13, s10;
	s2 =	sadd.s32 @!p4 s4, s8;
	_ =	swait.ge [sflag:s26], $0x2800  }
0x7a: {  	s13 =	simm.s32 @!p4 $0x0;
	s10 =	sshrl.u32 @!p5 s10, $0x3;
	[sflag:s26] =	ssyncset.done $0x0  }
0x7b: {  	s14 =	sadd.s32 @!p5 s4, s10;
	s10 =	sadd.s32 @!p5 s5, s10;
	[sflag:s26] =	ssyncadd.s32 $0xFFFFD800  }
0x7c: {  	[tilespmem:s9], [sflag:$0x2] =	stream.linear.gather @!p4 [hbm4b:s2+s13], $0x80, $0x38;
	[tilespmem:$0x19300] =	vst v63  }
0x7d: {  	s8 =	sadd.s32 @!p4 s5, s8;
	s2 =	sand.u32 $0x7F, s12;
	s9 =	sor.u32 @!p4 $0x80, s9  }
0x7e: {  	[tilespmem:s9], [sflag:$0x2] =	stream.linear.gather @!p4 [hbm4b:s8+s13], $0x80, $0x38;
	[tilespmem:$0x19300] =	vst v63  }
0x7f: {  	s7 =	sshll.u32 @!p5 s7, $0x8;
	s2 =	smul.u32 $0x3, s2;
	s8 =	simm.s32 @!p5 $0x0  }
0x80: {  	[tilespmem:s7], [sflag:$0x3] =	stream.linear.gather @!p5 [hbm4b:s14+s8], $0x80, $0x38;
	[tilespmem:$0x19300] =	vst v63  }
0x81: {  	p1 =	por p1, p3;
	s2 =	sxor.u32 $0xFFFFFFFF, s2;
	s7 =	sor.u32 @!p5 $0x80, s7  }
0x82: {  	[tilespmem:s7], [sflag:$0x3] =	stream.linear.gather @!p5 [hbm4b:s10+s8], $0x80, $0x38;
	[tilespmem:$0x19300] =	vst v63  }
0x83: {  	p3 =	sne.s32 s29, $0x7F;
	s25 =	simm.s32 @!p1 $0x3;
	s1 =	sadd.s32 s1, s2  }
.Ltmp1:
0x84: {  	p0 =	por p2, p2;
	_ =	swait.ge @!p1 [sflag:s25], $0x80;
	(pc) =	sbr.rel @p3 .LBB2_4-.Ltmp1, $4  }
0x85: {  	s31 =	simm.s32 @p0 $0x300;
	[sflag:s25] =	ssyncset.done @!p1 $0x0  }
0x86: {  	s23 =	simm.s32 @p0 $0x2;
	s2 =	simm.s32 @p0 $0x50;
	[sflag:s25] =	ssyncadd.s32 @!p1 $0xFFFFFF80  }
0x87: {  	s30 =	sadd.s32 $0x80, s30;
	s1 =	sand.u32 $0xFF, s1;
	_ =	swait.ge @!p1 [sflag:s25], $0x80  }
0x88: {  	s7 =	sshll.u32 @!p1 s1, $0x8;
	s24 =	sshll.u32 @p0 s1, $0x8;
	[sflag:s25] =	ssyncset.done @!p1 $0x0  }
0x89: {  	s1 =	simm.s32 @!p1 $0x50;
	s8 =	simm.s32 @!p1 $0x2B00;
	[sflag:s25] =	ssyncadd.s32 @!p1 $0xFFFFFF80  }
0x8a: {  	[tilespmem:s8], [sflag:$0x1] =	stream.indirect.gather @!p1 [hbm4b:s0+s1], $0x80, s7, s1, $0xb8;
	[tilespmem:$0x19300] =	vst v63  }
0x8b: {  	_ =	swait.ge @p0 [sflag:s23], $0x80  }
0x8c: {  	[sflag:s23] =	ssyncset.done @p0 $0x0  }
0x8d: {  	[sflag:s23] =	ssyncadd.s32 @p0 $0xFFFFFF80  }
0x8e: {  	_ =	swait.ge @p0 [sflag:s23], $0x80  }
0x8f: {  	s30 =	stileid.u32;
	[sflag:s23] =	ssyncset.done @p0 $0x0  }
0x90: {  	s28 =	sadd.s32 $0x1, s28;
	s1 =	sshll.u32 s30, $0x6;
	[sflag:s23] =	ssyncadd.s32 @p0 $0xFFFFFF80  }
0x91: {  	[tilespmem:s31], [sflag:$0x1] =	stream.indirect.gather @p0 [hbm4b:s0+s2], $0x80, s24, s2, $0xb8;
	[tilespmem:$0x19300] =	vst v63  }
0x92: {  	s1 =	sor.u32 $0x1C04, s1;
	p0 =	sne.s32 s28, s20  }
.Ltmp2:
0x93: {  	s31 =	sshrl.u32 s6, $0x3;
	[bflag:$0x0] =	sbarrier.arrive $0xFFFF;
	(pc) =	sbr.rel @p0 .LBB2_1-.Ltmp2, $4  }
0x94: {  	[hbm:s19], [sflag:s1] =	dma.local [spmem:s31], $0x2800  }
0x95: {  	_ =	swait.ge [sflag:s22], $0x2800  }
0x96: {  	[sflag:s22] =	ssyncset.done $0x0  }
0x97: {  	[sflag:s22] =	ssyncadd.s32 $0xFFFFD800  }
0x98: {  	_ =	sfence.sel $0x180000  }
0x99: {  	[bflag:$0x0] =	sbarrier.arrive $0xFFFF  }
0x9a: {  	_ =	strace $0x9000004D  }
0x9b: {  	s0 =	stileid.u32;
	[bflag:$0x2] =	sbarrier.arrive $0xFFFF  }
0x9c: {  	p0 =	sne.s32 s0, $0x0;
	s0 =	rddreg [dreg:$0x3]  }
0x9d: {  	s0 =	sadd.s32 @!p0 $0x100000, s0  }
0x9e: {  	[sflag:s0] =	ssyncadd.tile.s32 @!p0 $0x1;
	_ =	shalt  }
.Lfunc_end2:
_tile_overlayer_lowered:
.L_overlay_start_2:
0x9f: {  	(tag) =	ssettag $0x2  }
0xa0: {  	s0 =	rddreg [dreg:$0x0];
	s2 =	stileid.u32  }
0xa1: {  	s1 =	rddreg [dreg:$0x1];
	p0 =	sne.s32 s2, $0x0  }
0xa2: {  	s3 =	rddreg [dreg:$0x2];
	[bflag:$0x3] =	sbarrier.arrive $0xFFFF;
	s2 =	simm.s32 @!p0 $0x1C04  }
0xa3: {  	[timem:s3], [sflag:s2] =	dma.local @!p0 [hbm:s0], s1  }
0xa4: {  	s0 =	simm.s32 @!p0 $0x4  }
0xa5: {  	_ =	swait.ge @!p0 [sflag:s0], s1  }
0xa6: {  	s1 =	ssub.s32 @!p0 $0x0, s1;
	[sflag:s0] =	ssyncset.done @!p0 $0x0  }
0xa7: {  	[sflag:s0] =	ssyncadd.s32 @!p0 s1  }
0xa8: {  	[bflag:$0x3] =	sbarrier.arrive $0xFFFF  }
0xa9: {  	_ =	shalt  }

// kernel: kernel.8.cloned.1.call-start
scs
__scs_entry_jumppad:
0x0: {  	(pc) =	sbr.rel $0x88, $3  }
0x1: {  	(tag) =	ssettag $0x0;
	lr =	simm.s32 $0x1  }
0x2: {  	[smem:$0x3F9B] =	sst lr;
	_ =	strace $0xD0000000  }
0x3: {  	_ = 	snop  }
0x4: {  	_ = 	snop  }
0x5: {  	_ = 	snop  }
0x6: {  	_ = 	snop  }
0x7: {  	_ = 	snop  }
__scs_overlays_trampoline_lowered:
0x8: {  	[smem:$0x3FAA] =	sst s0  }
0x9: {  	[smem:$0x3FAB] =	sst s1  }
0xa: {  	[smem:$0x3FAC] =	sst s2  }
0xb: {  	[smem:$0x3FAD] =	sst s3  }
0xc: {  	[smem:$0x3FAE] =	sst s4  }
0xd: {  	[smem:$0x3FAF] =	sst s5  }
0xe: {  	[smem:$0x3FB0] =	sst s6  }
0xf: {  	[smem:$0x3FB1] =	sst s7  }
0x10: {  	[smem:$0x3FB2] =	sst s8  }
0x11: {  	[smem:$0x3FB3] =	sst s9;
	s0 =	simm.s32 @!p0 $0x0  }
0x12: {  	s1 =	sld [smem:$0x3F99];
	s0 =	simm.s32 @p0 $0x1  }
0x13: {  	[smem:$0x3FB4] =	sst s0;
	s0 =	simm.s32 @!p1 $0x0  }
0x14: {  	s2 =	sld [smem:$0x3F98];
	s0 =	simm.s32 @p1 $0x1  }
0x15: {  	[smem:$0x3FB5] =	sst s0;
	s0 =	simm.s32 @!p2 $0x0  }
0x16: {  	s3 =	sld [smem:$0x3FDB];
	s0 =	simm.s32 @p2 $0x1  }
0x17: {  	s4 =	simm.s32 $0x1BF5;
	[smem:$0x3FB7] =	sst s0  }
0x18: {  	s0 =	sld [smem:$0x3F9A];
	_ =	swait.ge [sflag:s4], $0x0  }
0x19: {  	s7 =	sld [smem:$0x3F9B]  }
0x1a: {  	s8 =	sadd.s32 $0xFFFFE003, lr  }
0x1b: {  	s9 =	sadd.s32 $0xFFFFFEF7, lr;
	s5 =	simm.s32 $0xFFFFFFFF;
	p2 =	slt.u32 s8, $0xFFFFF086  }
0x1c: {  	p1 =	slt.u32 s9, $0xF7A;
	s5 =	simm.s32 @!p2 $0x0  }
0x1d: {  	s5 =	simm.s32 @p1 $0x1;
	p0 =	seq.s32 s7, s2  }
0x1e: {  	s7 =	smul.u32 @!p0 $0xF7A, s2;
	p2 =	seq.s32 @!p0 s5, $0x0  }
0x1f: {  	s9 =	smul.u32 $0xF7A, s1;
	s8 =	simm.s32 @!p0 $0x1BF5;
	p2 =	por !p2, p0  }
0x20: {  	[sflag:s8] =	ssyncset.s32 @!p0 $0xFFFFF086;
	s6 =	sadd.s32 @!p0 s3, s7;
	s7 =	simm.s32 @!p0 $0x108  }
0x21: {  	s3 =	sadd.s32 s3, s9;
	s6 =	sadd.s32 @!p0 $0x88, s6;
	s7 =	simm.s32 @p2 $0x1082  }
0x22: {  	[simem:s7], [sflag:s8] =	dma.local @!p0 [hbm:s6], $0xF7A  }
0x23: {  	s9 =	sor.u32 $0xD0000000, s2;
	s6 =	simm.s32 $0x108;
	_ =	swait.ge @!p0 [sflag:s8], $0x0  }
0x24: {  	s3 =	sadd.s32 $0x88, s3;
	s6 =	simm.s32 @!p1 $0x1082;
	[sflag:s4] =	ssyncset.s32 $0xFFFFF086  }
0x25: {  	[simem:s6], [sflag:s4] =	dma.local [hbm:s3], $0xF7A  }
0x26: {  	[smem:$0x3F9B] =	sst s1;
	(tag) =	ssettag s2;
	_ =	strace s9  }
0x27: {  	s1 =	sld [smem:$0x3FAB]  }
0x28: {  	s2 =	sld [smem:$0x3FAC]  }
0x29: {  	s4 =	sld [smem:$0x3FAE]  }
0x2a: {  	p0 =	seq.s32 s5, $0x0;
	s5 =	sld [smem:$0x3FAF]  }
0x2b: {  	s6 =	sld [smem:$0x3FB0]  }
0x2c: {  	s7 =	sld [smem:$0x3FB1]  }
0x2d: {  	s3 =	simm.s32 $0x108;
	s8 =	sld [smem:$0x3FB2]  }
0x2e: {  	s3 =	simm.s32 @!p0 $0x1082;
	s9 =	sld [smem:$0x3FB3]  }
0x2f: {  	lr =	sadd.s32 s0, s3;
	s0 =	sld [smem:$0x3FAA]  }
0x30: {  	s3 =	sld [smem:$0x3FAD]  }
0x31: {  	[smem:$0x3FB6] =	sst s10  }
0x32: {  	s10 =	sld [smem:$0x3FB4];
	_ =	sdelay $0x3  }
0x33: {  	p0 =	seq.s32 s10, $0x1;
	s10 =	sld [smem:$0x3FB6];
	_ =	sdelay $0x3  }
0x34: {  	[smem:$0x3FB6] =	sst s10  }
0x35: {  	s10 =	sld [smem:$0x3FB5];
	_ =	sdelay $0x3  }
0x36: {  	p1 =	seq.s32 s10, $0x1;
	s10 =	sld [smem:$0x3FB6];
	_ =	sdelay $0x3  }
0x37: {  	[smem:$0x3FB6] =	sst s10  }
0x38: {  	s10 =	sld [smem:$0x3FB7]  }
0x39: {  	_ = 	snop;
	(pc) =	sbr.ind lr, $3  }
0x3a: {  	_ = 	snop  }
0x3b: {  	_ = 	snop  }
0x3c: {  	p2 =	seq.s32 s10, $0x1;
	s10 =	sld [smem:$0x3FB6]  }
0x3d: {  	_ =	shalt  }
0x3e: {  	_ =	shalt  }
0x3f: {  	_ =	shalt  }
0x40: {  	_ =	shalt  }
0x41: {  	_ =	shalt  }
0x42: {  	_ =	shalt  }
0x43: {  	_ =	shalt  }
0x44: {  	_ =	shalt  }
0x45: {  	_ =	shalt  }
0x46: {  	_ =	shalt  }
0x47: {  	_ =	shalt  }
0x48: {  	_ =	shalt  }
0x49: {  	_ =	shalt  }
0x4a: {  	_ =	shalt  }
0x4b: {  	_ =	shalt  }
0x4c: {  	_ =	shalt  }
0x4d: {  	_ =	shalt  }
0x4e: {  	_ =	shalt  }
0x4f: {  	_ =	shalt  }
0x50: {  	_ =	shalt  }
0x51: {  	_ =	shalt  }
0x52: {  	_ =	shalt  }
0x53: {  	_ =	shalt  }
0x54: {  	_ =	shalt  }
0x55: {  	_ =	shalt  }
0x56: {  	_ =	shalt  }
0x57: {  	_ =	shalt  }
0x58: {  	_ =	shalt  }
0x59: {  	_ =	shalt  }
0x5a: {  	_ =	shalt  }
0x5b: {  	_ =	shalt  }
0x5c: {  	_ =	shalt  }
0x5d: {  	_ =	shalt  }
0x5e: {  	_ =	shalt  }
0x5f: {  	_ =	shalt  }
0x60: {  	_ =	shalt  }
0x61: {  	_ =	shalt  }
0x62: {  	_ =	shalt  }
0x63: {  	_ =	shalt  }
0x64: {  	_ =	shalt  }
0x65: {  	_ =	shalt  }
0x66: {  	_ =	shalt  }
0x67: {  	_ =	shalt  }
0x68: {  	_ =	shalt  }
0x69: {  	_ =	shalt  }
0x6a: {  	_ =	shalt  }
0x6b: {  	_ =	shalt  }
0x6c: {  	_ =	shalt  }
0x6d: {  	_ =	shalt  }
0x6e: {  	_ =	shalt  }
0x6f: {  	_ =	shalt  }
0x70: {  	_ =	shalt  }
0x71: {  	_ =	shalt  }
0x72: {  	_ =	shalt  }
0x73: {  	_ =	shalt  }
0x74: {  	_ =	shalt  }
0x75: {  	_ =	shalt  }
0x76: {  	_ =	shalt  }
0x77: {  	_ =	shalt  }
0x78: {  	_ =	shalt  }
0x79: {  	_ =	shalt  }
0x7a: {  	_ =	shalt  }
0x7b: {  	_ =	shalt  }
0x7c: {  	_ =	shalt  }
0x7d: {  	_ =	shalt  }
0x7e: {  	_ =	shalt  }
0x7f: {  	_ =	shalt  }
0x80: {  	_ =	shalt  }
0x81: {  	_ =	shalt  }
0x82: {  	_ =	shalt  }
0x83: {  	_ =	shalt  }
0x84: {  	_ =	shalt  }
0x85: {  	_ =	shalt  }
0x86: {  	_ =	shalt  }
0x87: {  	_ =	shalt  }
.Lfunc_end0:
.L_simem_size_0:
called_computation_lowered:
.L_overlay_start_0:
0x88: {  	s2 =	sld [smem:$0x3FD9]  }
0x89: {  	s3 =	sld [smem:$0x3FFE];
	_ =	sdelay $0x1  }
0x8a: {  	s1 =	srdreg.scid  }
0x8b: {  	s0 =	sand.u32 $0x1, s1  }
0x8c: {  	s17 =	sshll.u32 s0, $0xA;
	s2 =	sadd.s32 s3, s2  }
0x8d: {  	s2 =	sadd.s32 s2, s17  }
0x8e: {  	[smem:$0x3FC2] =	sst s2  }
0x8f: {  	_ = 	snop  }
0x90: {  	s2 =	sld [smem:$0x3FD0];
	(tm) =	ssettm $0x1  }
0x91: {  	s18 =	sld [smem:$0x3FFB];
	_ =	sdelay $0x3  }
0x92: {  	_ =	strace s18  }
0x93: {  	s3 =	sld [smem:$0x3FFC];
	_ =	sdelay $0x3  }
0x94: {  	_ =	strace s3  }
0x95: {  	s3 =	sld [smem:$0x3FFD];
	_ =	sdelay $0x3  }
0x96: {  	_ =	strace s3  }
0x97: {  	_ =	strace $0x8FFFFFFF  }
0x98: {  	s19 =	sld [smem:$0x3FDB];
	_ =	sdelay $0x1  }
0x99: {  	s4 =	simm.s32 $_scs_section_size  }
0x9a: {  	s5 =	simm.s32 $_size__tile_overlayer_lowered;
	s6 =	simm.s32 $_tile_overlayer_lowered  }
0x9b: {  	s22 =	simm.s32 $0x1BFF;
	s21 =	sshll.u32 s6, $0x1;
	s3 =	sadd.s32 s4, s19  }
0x9c: {  	s7 =	simm.s32 $0x0;
	s20 =	sshll.u32 s5, $0x1;
	s5 =	sadd.s32 s21, s3  }
0x9d: {  	[timem:s7], [sflag:s22] =	dma.local [hbm:s5], s20  }
0x9e: {  	_ =	swait.ge [sflag:s22], s20  }
0x9f: {  	s4 =	ssub.s32 $0x0, s20;
	[sflag:s22] =	ssyncset.done $0x0  }
0xa0: {  	[sflag:s22] =	ssyncadd.s32 s4;
	_ =	sdelay $0x1  }
0xa1: {  	s23 =	simm.s32 $0x1B8B  }
0xa2: {  	_ =	swait.ge [sflag:s23], $0x1  }
0xa3: {  	[sflag:s23] =	ssyncset.done $0x0  }
0xa4: {  	s25 =	simm.s32 $0x1B8E;
	s24 =	sld [smem:$0x3FFE];
	[sflag:s23] =	ssyncadd.s32 $0xFFFFFFFF  }
0xa5: {  	s26 =	simm.s32 $execute0_lowered;
	[smem:$0x3FD2] =	sst s25  }
0xa6: {  	s5 =	sshll.u32 s26, $0x1;
	_ =	strace $0x80000046;
	[dreg:$0x1] =	wrdreg $0xFFFFFFFF  }
0xa7: {  	s28 =	simm.s32 $_size_execute0_lowered;
	s3 =	sadd.s32 s3, s5;
	[dreg:$0x0] =	wrdreg $0x0  }
0xa8: {  	s5 =	sshll.u32 s28, $0x1;
	[dreg:$0x2] =	wrdreg s3  }
0xa9: {  	[dreg:$0x3] =	wrdreg s5  }
0xaa: {  	[dreg:$0x4] =	wrdreg $0xC0  }
0xab: {  	_ =	task [dreg:s7], $0x5FFFF  }
0xac: {  	[dreg:$0x1] =	wrdreg $0xFFFFFFFF  }
0xad: {  	[dreg:$0x0] =	wrdreg $0x60  }
0xae: {  	[dreg:$0x2] =	wrdreg s24  }
0xaf: {  	[dreg:$0x3] =	wrdreg s2  }
0xb0: {  	[dreg:$0x4] =	wrdreg $0xC3000  }
0xb1: {  	[dreg:$0x5] =	wrdreg $0x9  }
0xb2: {  	_ =	task.clear_ibuf [dreg:s7], $0x6FFFF;
	_ =	strace $0x90000046  }
0xb3: {  	s29 =	simm.s32 $0x9;
	_ =	strace $0x80000048  }
0xb4: {  	_ =	swait.ge [sflag:s29], $0x1  }
0xb5: {  	[sflag:s29] =	ssyncadd.s32 $0xFFFFFFFF  }
0xb6: {  	_ =	strace $0x90000048  }
0xb7: {  	_ =	sfence  }
0xb8: {  	s30 =	sld [smem:$0x0];
	_ =	sdelay $0x2  }
0xb9: {  	s31 =	sshll.u32 s1, $0xD;
	s1 =	sshrl.u32 s1, $0x2  }
0xba: {  	s3 =	sand.u32 $0x4000, s31;
	s1 =	sadd.s32 s1, s30  }
0xbb: {  	s0 =	sor.u32 s3, s0;
	s1 =	sshll.u32 s1, $0x11  }
0xbc: {  	s0 =	sor.u32 s1, s0  }
0xbd: {  	s0 =	sadd.s32 $0x8F2B, s0  }
0xbe: {  	[sflag:s0] =	ssyncadd.remote.s32 $0x1  }
0xbf: {  	_ =	sfence.sel $0xFFFF  }
0xc0: {  	[dreg:$0x0] =	wrdreg $0xFFFFFFFF;
	(pc) =	sbr.abs _section_cstart, $3  }
0xc1: {  	[dreg:$0x1] =	wrdreg $0xFFFFFFFF  }
0xc2: {  	_ =	task.clear_ibuf [dreg:s7], $0x2FFFF;
	_ =	strace $0x9FFFFFFF  }
0xc3: {  	(tm) =	ssettm $0x7FFFFFFF  }
tec
execute0_lowered:
.L_overlay_start_1:
0x0: {  	(tag) =	ssettag $0x1  }
0x1: {  	s4 =	rddreg [dreg:$0x0]  }
0x2: {  	s5 =	rddreg [dreg:$0x1]  }
0x3: {  	s2 =	rddreg [dreg:$0x2]  }
0x4: {  	s0 =	rddreg [dreg:$0x3]  }
0x5: {  	s3 =	simm.s32 $0x0;
	s6 =	srdreg.scid;
	s1 =	stileid.u32  }
0x6: {  	s13 =	simm.s32 $0x2;
	s14 =	simm.s32 $0x50;
	s15 =	simm.s32 $0xC000  }
0x7: {  	s16 =	simm.s32 $0x8000;
	s19 =	simm.s32 $0x20;
	s20 =	simm.s32 $0x10  }
0x8: {  	s21 =	simm.s32 $0x0;
	[smem:$0x7FF] =	sst s3;
	s7 =	smul.u32 $0x500, s1  }
0x9: {  	s6 =	sand.u32 $0x1, s6;
	s9 =	sshll.u32 s1, $0xB;
	s28 =	smul.u32 $0xA00, s1  }
0xa: {  	s17 =	sshll.u32 s1, $0x6;
	s8 =	sshll.u32 s6, $0xF;
	s10 =	sshll.u32 s6, $0x7  }
0xb: {  	_ =	strace $0x80000047;
	s6 =	ssub.s32 $0x2, s6;
	s17 =	sor.u32 $0x1C02, s17  }
0xc: {  	s8 =	sor.u32 s9, s8;
	s7 =	sor.u32 s10, s7;
	s30 =	sshrl.u32 s6, $0x1  }
0xd: {  	s31 =	sshrl.u32 s28, $0x2;
	s10 =	simm.s32 $0x1;
	s7 =	sshrl.u32 s7, $0x3  }
0xe: {  	s29 =	sadd.s32 s8, s4;
	s12 =	ssub.s32 s6, s30;
	s5 =	sadd.s32 s5, s8  }
0xf: {  	s6 =	sadd.s32 s31, s2;
	s11 =	sadd.s32 s7, s4;
	s4 =	sadd.s32 $0x2200, s29  }
0x10: {  	s7 =	sadd.s32 $0x12C00, s29;
	s9 =	smax.u32 s12, $0x1;
	s12 =	simm.s32 $0xC080  }
0x11: {  	v0 =	vimm.f32 $1.000000000e+00;
	v1 =	vimm.f32 $0.0e+00;
	s18 =	sshrl.u32 s6, $0x3;
	s8 =	sadd.s32 $0x12200, s11;
	s11 =	simm.s32 $0x4000  }
.LBB2_1:
0x12: {  	[tilespmem:s3], [sflag:$0x1] =	stream.linear.gather [hbm4b:s4+s3], $0x3E80, $0x38;
	[tilespmem:$0xC580] =	vst v63  }
0x13: {  	_ =	swait.ge [sflag:s10], $0x3E80  }
0x14: {  	[sflag:s10] =	ssyncset.done $0x0  }
0x15: {  	[sflag:s10] =	ssyncadd.s32 $0xFFFFC180  }
0x16: {  	[tilespmem:s11], [sflag:$0x1] =	stream.linear.gather [hbm4b:s5+s3], $0x3E80, $0x38;
	[tilespmem:$0xC580] =	vst v63  }
0x17: {  	_ =	swait.ge [sflag:s10], $0x3E80  }
0x18: {  	[sflag:s10] =	ssyncset.done $0x0  }
0x19: {  	[sflag:s10] =	ssyncadd.s32 $0xFFFFC180  }
0x1a: {  	[tilespmem:$0xC000] =	vst v0  }
0x1b: {  	[tilespmem:$0xC010] =	vst v0  }
0x1c: {  	[tilespmem:$0xC020] =	vst v0  }
0x1d: {  	[tilespmem:$0xC030] =	vst v0  }
0x1e: {  	[tilespmem:$0xC040] =	vst v0  }
0x1f: {  	[tilespmem:$0xC080] =	vst v1  }
0x20: {  	[tilespmem:$0xC090] =	vst v1  }
0x21: {  	[tilespmem:$0xC0A0] =	vst v1  }
0x22: {  	[tilespmem:$0xC0B0] =	vst v1  }
0x23: {  	[tilespmem:$0xC0C0] =	vst v1  }
0x24: {  	[tilespmem:$0xC0D0] =	vst v1  }
0x25: {  	[tilespmem:$0xC0E0] =	vst v1  }
0x26: {  	[tilespmem:$0xC0F0] =	vst v1  }
0x27: {  	[tilespmem:$0xC100] =	vst v1  }
0x28: {  	[tilespmem:$0xC110] =	vst v1  }
0x29: {  	[tilespmem:$0xC120] =	vst v1  }
0x2a: {  	[tilespmem:$0xC130] =	vst v1  }
0x2b: {  	[tilespmem:$0xC140] =	vst v1  }
0x2c: {  	[tilespmem:$0xC150] =	vst v1  }
0x2d: {  	[tilespmem:$0xC160] =	vst v1  }
0x2e: {  	[tilespmem:$0xC170] =	vst v1  }
0x2f: {  	[tilespmem:$0xC180] =	vst v1  }
0x30: {  	[tilespmem:$0xC190] =	vst v1  }
0x31: {  	[tilespmem:$0xC1A0] =	vst v1  }
0x32: {  	[tilespmem:$0xC1B0] =	vst v1  }
0x33: {  	[tilespmem:$0xC1C0] =	vst v1  }
0x34: {  	[tilespmem:$0xC1D0] =	vst v1  }
0x35: {  	[tilespmem:$0xC1E0] =	vst v1  }
0x36: {  	[tilespmem:$0xC1F0] =	vst v1  }
0x37: {  	[tilespmem:$0xC200] =	vst v1  }
0x38: {  	[tilespmem:$0xC210] =	vst v1  }
0x39: {  	[tilespmem:$0xC220] =	vst v1  }
0x3a: {  	[tilespmem:$0xC230] =	vst v1  }
0x3b: {  	[tilespmem:$0xC240] =	vst v1  }
0x3c: {  	[tilespmem:$0xC250] =	vst v1  }
0x3d: {  	[tilespmem:$0xC260] =	vst v1  }
0x3e: {  	[tilespmem:$0xC270] =	vst v1  }
0x3f: {  	[tilespmem:$0xC280] =	vst v1  }
0x40: {  	[tilespmem:$0xC290] =	vst v1  }
0x41: {  	[tilespmem:$0xC2A0] =	vst v1  }
0x42: {  	[tilespmem:$0xC2B0] =	vst v1  }
0x43: {  	[tilespmem:$0xC2C0] =	vst v1  }
0x44: {  	[tilespmem:$0xC2D0] =	vst v1  }
0x45: {  	[tilespmem:$0xC2E0] =	vst v1  }
0x46: {  	[tilespmem:$0xC2F0] =	vst v1  }
0x47: {  	[spmem:s6] =	stream.linear.scatter [tilespmem:s12], [sflag:$0x2], $0x280, $0x38;
	[tilespmem:$0xC580] =	vst v63  }
0x48: {  	_ =	swait.ge [sflag:s13], $0x280  }
0x49: {  	[sflag:s13] =	ssyncset.done $0x0  }
0x4a: {  	[sflag:s13] =	ssyncadd.s32 $0xFFFFFD80  }
0x4b: {  	s22 =	simm.s32 $0x0;
	[bflag:$0x0] =	sbarrier.arrive $0xFFFF  }
0x4c: {  	v2 =	vld [tilespmem:s22+$0x4020]  }
0x4d: {  	v3 =	vld [tilespmem:s22+$0x20]  }
0x4e: {  	v5 =	vld [tilespmem:s22+$0x10]  }
0x4f: {  	v6 =	vld [tilespmem:s22+$0x4010]  }
0x50: {  	v7 =	vld [tilespmem:s22+$0x0]  }
0x51: {  	v4 =	vld [tilespmem:s22+$0x4030]  }
0x52: {  	v9 =	vld [tilespmem:s22+$0x4000]  }
0x53: {  	v8 =	vld [tilespmem:s22+$0x30]  }
0x54: {  	vm0 =	veq.s32 v5, v6;
	v5 =	vld [tilespmem:s22+$0x4040]  }
0x55: {  	s23 =	simm.s32 $0x200;
	v10 =	vsel vm0, $0x2710, v6;
	v6 =	vld [tilespmem:s22+$0x40]  }
.LBB2_2:
0x56: {  	p0 =	sne.s32 s23, $0xF800;
	s24 =	smov.u32 s23;
	s23 =	sadd.s32 $0x200, s23  }
0x57: {  	vm0 =	veq.s32 v7, v9  }
0x58: {  	v7 =	vsel vm0, $0x2710, v9;
	[tilespmem:s22+$0x8010] =	vst v10;
	vm0 =	veq.s32 v3, v2;
	vm1 =	veq.s32 v8, v4  }
0x59: {  	[tilespmem:s22+$0x8000] =	vst v7;
	v2 =	vsel vm0, $0x2710, v2;
	v3 =	vsel vm1, $0x2710, v4  }
0x5a: {  	[tilespmem:s22+$0x8020] =	vst v2;
	vm0 =	veq.s32 v6, v5  }
0x5b: {  	[tilespmem:s22+$0x8030] =	vst v3;
	v2 =	vsel vm0, $0x2710, v5  }
0x5c: {  	s25 =	sadd.s32 $0x8000, s22;
	[tilespmem:s22+$0x8040] =	vst v2  }
0x5d: {  	[spmem:s2] =	stream.indirect.scatter.add.f32 [tilespmem:s15], [sflag:$0x2], $0x1, s25, s14, $0xb8;
	[tilespmem:$0xC580] =	vst v63  }
0x5e: {  	_ =	swait.ge [sflag:s13], $0x50  }
0x5f: {  	s22 =	sshra.s32 s24, $0x2;
	[sflag:s13] =	ssyncset.done $0x0  }
0x60: {  	[sflag:s13] =	ssyncadd.s32 $0xFFFFFFB0  }
0x61: {  	v2 =	vld [tilespmem:s22+$0x4020]  }
0x62: {  	v3 =	vld [tilespmem:s22+$0x20]  }
0x63: {  	v5 =	vld [tilespmem:s22+$0x10]  }
0x64: {  	v6 =	vld [tilespmem:s22+$0x4010]  }
0x65: {  	v7 =	vld [tilespmem:s22+$0x0]  }
.Ltmp0:
0x66: {  	v4 =	vld [tilespmem:s22+$0x4030];
	(pc) =	sbr.rel @p0 .LBB2_2-.Ltmp0, $4  }
0x67: {  	v9 =	vld [tilespmem:s22+$0x4000]  }
0x68: {  	v8 =	vld [tilespmem:s22+$0x30]  }
0x69: {  	vm0 =	veq.s32 v5, v6;
	v5 =	vld [tilespmem:s22+$0x4040]  }
0x6a: {  	v10 =	vsel vm0, $0x2710, v6;
	v6 =	vld [tilespmem:s22+$0x40]  }
0x6b: {  	_ = 	snop  }
0x6c: {  	vm14 =	veq.s32 v3, v2  }
0x6d: {  	[tilespmem:s22+$0x8010] =	vst v10;
	vm0 =	veq.s32 v7, v9;
	v2 =	vsel vm14, $0x2710, v2  }
0x6e: {  	v7 =	vsel vm0, $0x2710, v9;
	vm1 =	veq.s32 v8, v4;
	[tilespmem:s22+$0x8020] =	vst v2  }
0x6f: {  	[tilespmem:s22+$0x8000] =	vst v7;
	v3 =	vsel vm1, $0x2710, v4;
	vm15 =	veq.s32 v6, v5  }
0x70: {  	[tilespmem:s22+$0x8030] =	vst v3;
	v2 =	vsel vm15, $0x2710, v5  }
0x71: {  	s23 =	sadd.s32 $0x8000, s22;
	[tilespmem:s22+$0x8040] =	vst v2  }
0x72: {  	[spmem:s2] =	stream.indirect.scatter.add.f32 [tilespmem:s15], [sflag:$0x2], $0x1, s23, s14, $0xb8;
	[tilespmem:$0xC580] =	vst v63  }
0x73: {  	_ =	swait.ge [sflag:s13], $0x50  }
0x74: {  	[sflag:s13] =	ssyncset.done $0x0  }
0x75: {  	[sflag:s13] =	ssyncadd.s32 $0xFFFFFFB0  }
0x76: {  	[bflag:$0x0] =	sbarrier.arrive $0xFFFF  }
0x77: {  	[hbm4b:s7+s3] =	stream.linear.scatter [tilespmem:s16], [sflag:$0x2], $0x3E80, $0x38;
	[tilespmem:$0xC580] =	vst v63  }
0x78: {  	s21 =	sadd.s32 $0x1, s21;
	_ =	swait.ge [sflag:s13], $0x3E80  }
0x79: {  	p0 =	sne.s32 s21, s9;
	[sflag:s13] =	ssyncset.done $0x0  }
.Ltmp1:
0x7a: {  	[sflag:s13] =	ssyncadd.s32 $0xFFFFC180;
	(pc) =	sbr.rel @p0 .LBB2_1-.Ltmp1, $4  }
0x7b: {  	[hbm:s8@s19], [sflag:s17] =	dma.strided [spmem:s18@s20], $0x50, s10, $0x10   }
0x7c: {  	_ =	swait.ge [sflag:s13], $0x50  }
0x7d: {  	[sflag:s13] =	ssyncset.done $0x0  }
0x7e: {  	[sflag:s13] =	ssyncadd.s32 $0xFFFFFFB0  }
0x7f: {  	_ =	sfence.sel $0x180000  }
0x80: {  	[bflag:$0x0] =	sbarrier.arrive $0xFFFF  }
0x81: {  	p0 =	sne.s32 s1, $0x0;
	_ =	strace $0x90000047  }
0x82: {  	s0 =	sadd.s32 @!p0 $0x100000, s0;
	[bflag:$0x2] =	sbarrier.arrive $0xFFFF  }
0x83: {  	[sflag:s0] =	ssyncadd.tile.s32 @!p0 $0x1;
	_ =	shalt  }
.Lfunc_end2:
_tile_overlayer_lowered:
.L_overlay_start_2:
0x84: {  	(tag) =	ssettag $0x2  }
0x85: {  	s0 =	rddreg [dreg:$0x0];
	s2 =	stileid.u32  }
0x86: {  	s1 =	rddreg [dreg:$0x1];
	p0 =	sne.s32 s2, $0x0  }
0x87: {  	s3 =	rddreg [dreg:$0x2];
	[bflag:$0x3] =	sbarrier.arrive $0xFFFF;
	s2 =	simm.s32 @!p0 $0x1C02  }
0x88: {  	[timem:s3], [sflag:s2] =	dma.local @!p0 [hbm:s0], s1  }
0x89: {  	s0 =	simm.s32 @!p0 $0x2  }
0x8a: {  	_ =	swait.ge @!p0 [sflag:s0], s1  }
0x8b: {  	s1 =	ssub.s32 @!p0 $0x0, s1;
	[sflag:s0] =	ssyncset.done @!p0 $0x0  }
0x8c: {  	[sflag:s0] =	ssyncadd.s32 @!p0 s1  }
0x8d: {  	[bflag:$0x3] =	sbarrier.arrive $0xFFFF  }
0x8e: {  	_ =	shalt  }

</sc_bundles>
